<compile_context>
chip_gen: v7x
topology: tpu7x:2x2x1
jax: 0.10.2.dev20260603
libtpu: 0.0.44.dev20260713+nightly
codegen_flags: <defaults>
</compile_context>

<pallas_src>
import functools

import jax
import jax.numpy as jnp
from jax import lax
from jax.experimental import pallas as pl
from jax.experimental.pallas import tpu as pltpu
from jax.experimental.pallas import tpu_sc as plsc

L = 16
BW = 128
NRING = 5
NBKT = 16
PSHIFT = 14


@functools.lru_cache(maxsize=None)
def _build(v, d, b):
    info = plsc.get_sparse_core_info()
    nw = info.num_cores * info.num_subcores
    nc_ = info.num_cores
    nb = -(-v // BW)
    bpt = -(-nb // nw)
    bpb = -(-bpt // NBKT)
    dump = b
    flush = 64
    pmask = (1 << PSHIFT) - 1
    assert b <= pmask + 1 and bpt * BW < (1 << (31 - PSHIFT))

    mesh = plsc.VectorSubcoreMesh(core_axis_name="c", subcore_axis_name="s")

    @functools.partial(
        pl.kernel,
        mesh=mesh,
        compiler_params=pltpu.CompilerParams(needs_layout_passes=False),
        out_type=[jax.ShapeDtypeStruct((b + 8, 2 * d), jnp.float32)],
        scratch_types=[
            pltpu.VMEM((b + L,), jnp.int32),
            pltpu.VMEM((b + L,), jnp.int32),
            pltpu.VMEM((2 * NBKT + L,), jnp.int32),
            pltpu.VMEM((NRING, d, BW), jnp.float32),
            pltpu.VMEM((NRING, d, BW), jnp.float32),
            pltpu.VMEM((4096 + L,), jnp.int32),
            pltpu.VMEM((flush, 2 * d), jnp.float32),
            pltpu.VMEM((flush,), jnp.int32),
            pltpu.SemaphoreType.DMA,
            pltpu.SemaphoreType.DMA,
            pltpu.SemaphoreType.DMA,
        ],
    )
    def k(ft, mt, ranks_hbm, out_hbm,
          apk, bpk, meta, sbf, sbm, blk, rowbuf, posv,
          semf, semm, sems):
        wid = lax.axis_index("s") * nc_ + lax.axis_index("c")
        c0 = wid * bpt
        lo = c0 * BW
        hi = lo + bpt * BW
        iota = lax.iota(jnp.int32, L)
        lane0 = iota == 0

        pltpu.sync_copy(ranks_hbm, apk.at[pl.ds(0, b)])
        for g in range(flush // L):
            posv[pl.ds(g * L, L)] = jnp.full((L,), dump, jnp.int32)

        def fire(c, slot):
            cblk = c0 + c

            @pl.when((c < bpt) & (cblk < nb))
            def _():
                off = pl.multiple_of(cblk * BW, BW)
                pltpu.async_copy(ft.at[:, pl.ds(off, BW)], sbf.at[slot], semf)
                pltpu.async_copy(mt.at[:, pl.ds(off, BW)], sbm.at[slot], semm)

        def wait(c, slot):
            cblk = c0 + c

            @pl.when((c < bpt) & (cblk < nb))
            def _():
                off = pl.multiple_of(cblk * BW, BW)
                pltpu.make_async_copy(
                    ft.at[:, pl.ds(off, BW)], sbf.at[slot], semf).wait()
                pltpu.make_async_copy(
                    mt.at[:, pl.ds(off, BW)], sbm.at[slot], semm).wait()

        for c in range(NRING - 1):
            fire(c, c)

        def scan_body(g, mcount):
            vv = apk[pl.ds(g * L, L)]
            pos = jnp.full((L,), g * L, jnp.int32) + iota
            msk = (vv >= lo) & (vv < hi)
            pk = lax.shift_left(vv - lo, PSHIFT) | pos
            plsc.store_compressed(apk.at[pl.ds(mcount, L)], pk, mask=msk)
            return mcount + plsc.all_reduce_population_count(msk)[0]

        mcount = lax.fori_loop(0, b // L, scan_body, 0)

        def cnt_body(g, cnts):
            pkv = apk[pl.ds(g * L, L)]
            valid = (jnp.full((L,), g * L, jnp.int32) + iota) < mcount
            bkt = lax.shift_right_logical(pkv, PSHIFT + 7) // bpb
            return tuple(
                cnts[t] + plsc.all_reduce_population_count(
                    valid & (bkt == t))[0]
                for t in range(NBKT)
            )

        mgroups = (mcount + L - 1) // L
        cnts = lax.fori_loop(0, mgroups, cnt_body, (0,) * NBKT)
        start = 0
        for t in range(NBKT):
            plsc.store_scatter(
                meta, [jnp.full((L,), t, jnp.int32)],
                jnp.full((L,), start, jnp.int32), mask=lane0)
            plsc.store_scatter(
                meta, [jnp.full((L,), NBKT + t, jnp.int32)],
                jnp.full((L,), cnts[t], jnp.int32), mask=lane0)
            start = start + cnts[t]

        def fill_body(g, fills):
            pkv = apk[pl.ds(g * L, L)]
            valid = (jnp.full((L,), g * L, jnp.int32) + iota) < mcount
            bkt = lax.shift_right_logical(pkv, PSHIFT + 7) // bpb
            new = []
            for t in range(NBKT):
                msk = valid & (bkt == t)
                plsc.store_compressed(bpk.at[pl.ds(fills[t], L)], pkv, mask=msk)
                new.append(
                    fills[t] + plsc.all_reduce_population_count(msk)[0])
            return tuple(new)

        starts = []
        s = 0
        for t in range(NBKT):
            starts.append(s)
            s = s + cnts[t]
        lax.fori_loop(0, mgroups, fill_body, tuple(starts))


        def block_body(c, m_fill):
            slot = c % NRING
            cblk = c0 + c
            fire(c + NRING - 1, (c + NRING - 1) % NRING)
            slotv = jnp.full((L,), slot, jnp.int32)
            t = c // bpb
            t_start = meta[pl.ds(t, L)][0]
            t_cnt = meta[pl.ds(NBKT + t, L)][0]

            def sel_body(g, kc):
                ent0 = t_start + g * L
                pkv = bpk[pl.ds(ent0, L)]
                valid = (jnp.full((L,), g * L, jnp.int32) + iota) < t_cnt
                blkrel = lax.shift_right_logical(pkv, PSHIFT + 7)
                msk = valid & (blkrel == (cblk - c0))
                plsc.store_compressed(blk.at[pl.ds(kc, L)], pkv, mask=msk)
                return kc + plsc.all_reduce_population_count(msk)[0]

            kc = lax.fori_loop(0, (t_cnt + L - 1) // L, sel_body, 0)
            wait(c, slot)

            def ext_body(j, m_fill):
                pkj = blk[pl.ds(j, L)][0]
                rel = lax.shift_right_logical(pkj, PSHIFT)
                pv = pkj & pmask
                mfv = jnp.full((L,), m_fill, jnp.int32)
                colv = jnp.full((L,), rel % BW, jnp.int32)
                for k4 in range(d // L):
                    dv = iota + k4 * L
                    valf = plsc.load_gather(sbf, [slotv, dv, colv])
                    plsc.store_scatter(rowbuf, [mfv, iota + k4 * L], valf)
                    valm = plsc.load_gather(sbm, [slotv, dv, colv])
                    plsc.store_scatter(rowbuf, [mfv, iota + d + k4 * L], valm)
                plsc.store_scatter(
                    posv, [mfv], jnp.full((L,), pv, jnp.int32), mask=lane0)
                m_new = m_fill + 1

                @pl.when(m_new == flush)
                def _():
                    pltpu.async_copy(rowbuf, out_hbm.at[posv], sems).wait()
                    for g in range(flush // L):
                        posv[pl.ds(g * L, L)] = jnp.full(
                            (L,), dump, jnp.int32)

                return jnp.where(m_new == flush, 0, m_new)

            return lax.fori_loop(0, kc, ext_body, m_fill)

        m_fill = lax.fori_loop(0, bpt, block_body, 0)

        @pl.when(m_fill > 0)
        def _():
            pltpu.async_copy(rowbuf, out_hbm.at[posv], sems).wait()

    return k


def kernel(funcs, measures, ranks):
    v, d = funcs.shape
    b = ranks.shape[0]
    ft = funcs.T
    mt = measures.T
    out = _build(v, d, b)(ft, mt, ranks)[0]
    return (out[:b, :d], out[:b, d:2 * d])

# --- scband reference (transcript-rebuilt; emitter-appended) ---
"""Pipeline reference for scband-fire-embedding-14173392077166 (READ-ONLY COPY).

The authoritative reference and input builder live on the scoring server;
editing this copy changes nothing except your own understanding.
"""

import jax, jax.numpy as jnp
import numpy as np

VOCAB = 1000000
DIM = 64
N = 16384


def setup_inputs(seed: int = 0) -> dict:
    key = jax.random.key(seed)
    k1, k2, k3 = jax.random.split(key, 3)
    # FireEmbedding holds two stacked parameter banks: per-word 'func' params and
    # per-word 'measure' params (templates restacked vocab_size times). We model
    # each bank as a [VOCAB, DIM] parameter table.
    funcs = jax.random.normal(k1, (VOCAB, DIM), dtype=jnp.float32) * 0.02
    measures = jax.random.normal(k2, (VOCAB, DIM), dtype=jnp.float32) * 0.02
    ranks = jax.random.randint(k3, (N,), 0, VOCAB, dtype=jnp.int32)
    return {"funcs": funcs, "measures": measures, "ranks": ranks}


def reference(funcs, measures, ranks):
    # forward(ranks): FireTensor(funcs=self.funcs[ranks], measures=self.measures[ranks])
    # i.e., a row-gather on each stacked parameter bank.
    funcs_sel = jnp.take(funcs, ranks, axis=0)
    measures_sel = jnp.take(measures, ranks, axis=0)
    return (funcs_sel, measures_sel)

if __name__ == "__main__":
    import jax
    _d = setup_inputs()
    print(jax.jit(kernel)(*tuple(_d.values())))

</pallas_src>

<mosaic_0001>
#map = affine_map<(d0, d1) -> (0, 0)>
#map1 = affine_map<(d0, d1) -> (0)>
module attributes {stable_mosaic.version = 14 : i64} {
  func.func @k(%arg0: i32, %arg1: i32, %arg2: memref<64x1000000xf32, #tpu.memory_space<hbm>>, %arg3: memref<64x1000000xf32, #tpu.memory_space<hbm>>, %arg4: memref<16384xi32, #tpu.memory_space<hbm>>, %arg5: memref<16392x128xf32, #tpu.memory_space<hbm>>, %arg6: memref<16400xi32, #tpu.memory_space<vmem>>, %arg7: memref<16400xi32, #tpu.memory_space<vmem>>, %arg8: memref<48xi32, #tpu.memory_space<vmem>>, %arg9: memref<5x64x128xf32, #tpu.memory_space<vmem>>, %arg10: memref<5x64x128xf32, #tpu.memory_space<vmem>>, %arg11: memref<4112xi32, #tpu.memory_space<vmem>>, %arg12: memref<64x128xf32, #tpu.memory_space<vmem>>, %arg13: memref<64xi32, #tpu.memory_space<vmem>>, %arg14: memref<!tpu.dma_semaphore, #tpu.memory_space<semaphore_mem>>, %arg15: memref<!tpu.dma_semaphore, #tpu.memory_space<semaphore_mem>>, %arg16: memref<!tpu.dma_semaphore, #tpu.memory_space<semaphore_mem>>) attributes {dimension_semantics = [#tpu.dimension_semantics<core_parallel>, #tpu.dimension_semantics<subcore_parallel>], iteration_bounds = array<i64: 2, 16>, scalar_prefetch = 0 : i64, scratch_operands = 11 : i64, tpu.core_type = #tpu.core_type<sc_vector_subcore>, window_params = [{transform_indices = #map}, {transform_indices = #map}, {transform_indices = #map1}, {transform_indices = #map}]} {
    %mul3A = arith.constant 2 : i32
    %mul3A_0 = arith.muli %arg1, %mul3A : i32
    %add3A = arith.addi %mul3A_0, %arg0 : i32
    %mul3A_1 = arith.constant 245 : i32
    %mul3A_2 = arith.muli %add3A, %mul3A_1 : i32
    %mul3A_3 = arith.constant 128 : i32
    %mul3A_4 = arith.muli %mul3A_2, %mul3A_3 : i32
    %add3A_5 = arith.constant 31360 : i32
    %add3A_6 = arith.addi %mul3A_4, %add3A_5 : i32
    %iota3A = tpu.iota {dimensions = array<i32: 0>} : vector<16xi32>
    %eq3A = arith.constant 0 : i32
    %eq3A_7 = vector.broadcast %eq3A : i32 to vector<16xi32>
    %eq3A_8 = arith.cmpi eq, %iota3A, %eq3A_7 : vector<16xi32>
    "tpu.region"() ({
      %run_scoped3A = tpu.sem_alloc : memref<!tpu.dma_semaphore, #tpu.memory_space<semaphore_mem>>
      %dma_start3A = arith.constant 0 : i32
      %dma_start3A_262 = tpu.memref_slice %arg6[%dma_start3A] : memref<16400xi32, #tpu.memory_space<vmem>> -> memref<16384xi32, #tpu.memory_space<vmem>>
      %dma_start3A_263 = arith.constant 0 : i32
      %dma_start3A_264 = tpu.memref_slice %arg6[%dma_start3A_263] : memref<16400xi32, #tpu.memory_space<vmem>> -> memref<16384xi32, #tpu.memory_space<vmem>>
      tpu.enqueue_dma source(%arg4 : memref<16384xi32, #tpu.memory_space<hbm>>) target(%dma_start3A_264 : memref<16384xi32, #tpu.memory_space<vmem>>) target_semaphore(%run_scoped3A : memref<!tpu.dma_semaphore, #tpu.memory_space<semaphore_mem>>)
      %dma_wait3A = arith.constant 0 : i32
      %dma_wait3A_265 = tpu.memref_slice %arg6[%dma_wait3A] : memref<16400xi32, #tpu.memory_space<vmem>> -> memref<16384xi32, #tpu.memory_space<vmem>>
      %dma_wait3A_266 = arith.constant 0 : i32
      %dma_wait3A_267 = tpu.memref_slice %arg6[%dma_wait3A_266] : memref<16400xi32, #tpu.memory_space<vmem>> -> memref<16384xi32, #tpu.memory_space<vmem>>
      tpu.wait_dma2 semaphore(%run_scoped3A : memref<!tpu.dma_semaphore, #tpu.memory_space<semaphore_mem>>) src(%arg4 : memref<16384xi32, #tpu.memory_space<hbm>>) dst(%dma_wait3A_267 : memref<16384xi32, #tpu.memory_space<vmem>>)
      tpu.yield
    }) : () -> ()
    %broadcast_in_dim3A = arith.constant 16384 : i32
    %broadcast_in_dim3A_9 = vector.broadcast %broadcast_in_dim3A : i32 to vector<16xi32>
    %swap3A = arith.constant 0 : index
    %swap3A_10 = tpu.vector_load %arg13[%swap3A] {strides = array<i32>} : memref<64xi32, #tpu.memory_space<vmem>>, vector<16xi32>,
    tpu.vector_store %arg13[%swap3A], %broadcast_in_dim3A_9 {strides = array<i32>} : memref<64xi32, #tpu.memory_space<vmem>>, vector<16xi32>,
    %broadcast_in_dim3A_11 = arith.constant 16384 : i32
    %broadcast_in_dim3A_12 = vector.broadcast %broadcast_in_dim3A_11 : i32 to vector<16xi32>
    %swap3A_13 = arith.constant 16 : index
    %swap3A_14 = tpu.vector_load %arg13[%swap3A_13] {strides = array<i32>} : memref<64xi32, #tpu.memory_space<vmem>>, vector<16xi32>,
    tpu.vector_store %arg13[%swap3A_13], %broadcast_in_dim3A_12 {strides = array<i32>} : memref<64xi32, #tpu.memory_space<vmem>>, vector<16xi32>,
    %broadcast_in_dim3A_15 = arith.constant 16384 : i32
    %broadcast_in_dim3A_16 = vector.broadcast %broadcast_in_dim3A_15 : i32 to vector<16xi32>
    %swap3A_17 = arith.constant 32 : index
    %swap3A_18 = tpu.vector_load %arg13[%swap3A_17] {strides = array<i32>} : memref<64xi32, #tpu.memory_space<vmem>>, vector<16xi32>,
    tpu.vector_store %arg13[%swap3A_17], %broadcast_in_dim3A_16 {strides = array<i32>} : memref<64xi32, #tpu.memory_space<vmem>>, vector<16xi32>,
    %broadcast_in_dim3A_19 = arith.constant 16384 : i32
    %broadcast_in_dim3A_20 = vector.broadcast %broadcast_in_dim3A_19 : i32 to vector<16xi32>
    %swap3A_21 = arith.constant 48 : index
    %swap3A_22 = tpu.vector_load %arg13[%swap3A_21] {strides = array<i32>} : memref<64xi32, #tpu.memory_space<vmem>>, vector<16xi32>,
    tpu.vector_store %arg13[%swap3A_21], %broadcast_in_dim3A_20 {strides = array<i32>} : memref<64xi32, #tpu.memory_space<vmem>>, vector<16xi32>,
    %add3A_23 = arith.constant 0 : i32
    %add3A_24 = arith.addi %mul3A_2, %add3A_23 : i32
    %lt3A = arith.constant 7813 : i32
    %lt3A_25 = arith.cmpi slt, %add3A_24, %lt3A : i32
    %and3A = arith.constant true
    %and3A_26 = arith.andi %and3A, %lt3A_25 : i1
    %convert_element_type3A = arith.extui %and3A_26 : i1 to i32
    %cond3A = arith.constant 0 : i32
    %cond3A_27 = arith.cmpi ne, %convert_element_type3A, %cond3A : i32
    scf.if %cond3A_27 {
      %mul3A_262 = arith.constant 128 : i32
      %mul3A_263 = arith.muli %add3A_24, %mul3A_262 : i32
      %multiple_of3A = tpu.assume_multiple %mul3A_263, 128 : i32
      %dma_start3A = arith.constant 0 : i32
      %dma_start3A_264 = arith.constant 0 : i32
      %dma_start3A_265 = arith.constant 0 : i32
      %dma_start3A_266 = tpu.memref_slice %arg9[%dma_start3A, %dma_start3A_264, %dma_start3A_265] : memref<5x64x128xf32, #tpu.memory_space<vmem>> -> memref<1x64x128xf32, #tpu.memory_space<vmem>>
      %dma_start3A_267 = tpu.memref_squeeze %dma_start3A_266 : memref<1x64x128xf32, #tpu.memory_space<vmem>> -> memref<64x128xf32, #tpu.memory_space<vmem>>
      %dma_start3A_268 = arith.constant 0 : i32
      %dma_start3A_269 = tpu.memref_slice %arg2[%dma_start3A_268, %multiple_of3A] : memref<64x1000000xf32, #tpu.memory_space<hbm>> -> memref<64x128xf32, #tpu.memory_space<hbm>>
      %dma_start3A_270 = arith.constant 0 : i32
      %dma_start3A_271 = arith.constant 0 : i32
      %dma_start3A_272 = tpu.memref_slice %arg9[%dma_start3A, %dma_start3A_270, %dma_start3A_271] : memref<5x64x128xf32, #tpu.memory_space<vmem>> -> memref<1x64x128xf32, #tpu.memory_space<vmem>>
      %dma_start3A_273 = tpu.memref_squeeze %dma_start3A_272 : memref<1x64x128xf32, #tpu.memory_space<vmem>> -> memref<64x128xf32, #tpu.memory_space<vmem>>
      %dma_start3A_274 = arith.constant 0 : i32
      %dma_start3A_275 = tpu.memref_slice %arg2[%dma_start3A_274, %multiple_of3A] : memref<64x1000000xf32, #tpu.memory_space<hbm>> -> memref<64x128xf32, #tpu.memory_space<hbm>>
      tpu.enqueue_dma source(%dma_start3A_275 : memref<64x128xf32, #tpu.memory_space<hbm>>) target(%dma_start3A_273 : memref<64x128xf32, #tpu.memory_space<vmem>>) target_semaphore(%arg14 : memref<!tpu.dma_semaphore, #tpu.memory_space<semaphore_mem>>)
      %dma_start3A_276 = arith.constant 0 : i32
      %dma_start3A_277 = arith.constant 0 : i32
      %dma_start3A_278 = arith.constant 0 : i32
      %dma_start3A_279 = tpu.memref_slice %arg10[%dma_start3A_276, %dma_start3A_277, %dma_start3A_278] : memref<5x64x128xf32, #tpu.memory_space<vmem>> -> memref<1x64x128xf32, #tpu.memory_space<vmem>>
      %dma_start3A_280 = tpu.memref_squeeze %dma_start3A_279 : memref<1x64x128xf32, #tpu.memory_space<vmem>> -> memref<64x128xf32, #tpu.memory_space<vmem>>
      %dma_start3A_281 = arith.constant 0 : i32
      %dma_start3A_282 = tpu.memref_slice %arg3[%dma_start3A_281, %multiple_of3A] : memref<64x1000000xf32, #tpu.memory_space<hbm>> -> memref<64x128xf32, #tpu.memory_space<hbm>>
      %dma_start3A_283 = arith.constant 0 : i32
      %dma_start3A_284 = arith.constant 0 : i32
      %dma_start3A_285 = tpu.memref_slice %arg10[%dma_start3A_276, %dma_start3A_283, %dma_start3A_284] : memref<5x64x128xf32, #tpu.memory_space<vmem>> -> memref<1x64x128xf32, #tpu.memory_space<vmem>>
      %dma_start3A_286 = tpu.memref_squeeze %dma_start3A_285 : memref<1x64x128xf32, #tpu.memory_space<vmem>> -> memref<64x128xf32, #tpu.memory_space<vmem>>
      %dma_start3A_287 = arith.constant 0 : i32
      %dma_start3A_288 = tpu.memref_slice %arg3[%dma_start3A_287, %multiple_of3A] : memref<64x1000000xf32, #tpu.memory_space<hbm>> -> memref<64x128xf32, #tpu.memory_space<hbm>>
      tpu.enqueue_dma source(%dma_start3A_288 : memref<64x128xf32, #tpu.memory_space<hbm>>) target(%dma_start3A_286 : memref<64x128xf32, #tpu.memory_space<vmem>>) target_semaphore(%arg15 : memref<!tpu.dma_semaphore, #tpu.memory_space<semaphore_mem>>)
    } else {
    }
    %add3A_28 = arith.constant 1 : i32
    %add3A_29 = arith.addi %mul3A_2, %add3A_28 : i32
    %lt3A_30 = arith.constant 7813 : i32
    %lt3A_31 = arith.cmpi slt, %add3A_29, %lt3A_30 : i32
    %and3A_32 = arith.constant true
    %and3A_33 = arith.andi %and3A_32, %lt3A_31 : i1
    %convert_element_type3A_34 = arith.extui %and3A_33 : i1 to i32
    %cond3A_35 = arith.constant 0 : i32
    %cond3A_36 = arith.cmpi ne, %convert_element_type3A_34, %cond3A_35 : i32
    scf.if %cond3A_36 {
      %mul3A_262 = arith.constant 128 : i32
      %mul3A_263 = arith.muli %add3A_29, %mul3A_262 : i32
      %multiple_of3A = tpu.assume_multiple %mul3A_263, 128 : i32
      %dma_start3A = arith.constant 1 : i32
      %dma_start3A_264 = arith.constant 0 : i32
      %dma_start3A_265 = arith.constant 0 : i32
      %dma_start3A_266 = tpu.memref_slice %arg9[%dma_start3A, %dma_start3A_264, %dma_start3A_265] : memref<5x64x128xf32, #tpu.memory_space<vmem>> -> memref<1x64x128xf32, #tpu.memory_space<vmem>>
      %dma_start3A_267 = tpu.memref_squeeze %dma_start3A_266 : memref<1x64x128xf32, #tpu.memory_space<vmem>> -> memref<64x128xf32, #tpu.memory_space<vmem>>
      %dma_start3A_268 = arith.constant 0 : i32
      %dma_start3A_269 = tpu.memref_slice %arg2[%dma_start3A_268, %multiple_of3A] : memref<64x1000000xf32, #tpu.memory_space<hbm>> -> memref<64x128xf32, #tpu.memory_space<hbm>>
      %dma_start3A_270 = arith.constant 0 : i32
      %dma_start3A_271 = arith.constant 0 : i32
      %dma_start3A_272 = tpu.memref_slice %arg9[%dma_start3A, %dma_start3A_270, %dma_start3A_271] : memref<5x64x128xf32, #tpu.memory_space<vmem>> -> memref<1x64x128xf32, #tpu.memory_space<vmem>>
      %dma_start3A_273 = tpu.memref_squeeze %dma_start3A_272 : memref<1x64x128xf32, #tpu.memory_space<vmem>> -> memref<64x128xf32, #tpu.memory_space<vmem>>
      %dma_start3A_274 = arith.constant 0 : i32
      %dma_start3A_275 = tpu.memref_slice %arg2[%dma_start3A_274, %multiple_of3A] : memref<64x1000000xf32, #tpu.memory_space<hbm>> -> memref<64x128xf32, #tpu.memory_space<hbm>>
      tpu.enqueue_dma source(%dma_start3A_275 : memref<64x128xf32, #tpu.memory_space<hbm>>) target(%dma_start3A_273 : memref<64x128xf32, #tpu.memory_space<vmem>>) target_semaphore(%arg14 : memref<!tpu.dma_semaphore, #tpu.memory_space<semaphore_mem>>)
      %dma_start3A_276 = arith.constant 1 : i32
      %dma_start3A_277 = arith.constant 0 : i32
      %dma_start3A_278 = arith.constant 0 : i32
      %dma_start3A_279 = tpu.memref_slice %arg10[%dma_start3A_276, %dma_start3A_277, %dma_start3A_278] : memref<5x64x128xf32, #tpu.memory_space<vmem>> -> memref<1x64x128xf32, #tpu.memory_space<vmem>>
      %dma_start3A_280 = tpu.memref_squeeze %dma_start3A_279 : memref<1x64x128xf32, #tpu.memory_space<vmem>> -> memref<64x128xf32, #tpu.memory_space<vmem>>
      %dma_start3A_281 = arith.constant 0 : i32
      %dma_start3A_282 = tpu.memref_slice %arg3[%dma_start3A_281, %multiple_of3A] : memref<64x1000000xf32, #tpu.memory_space<hbm>> -> memref<64x128xf32, #tpu.memory_space<hbm>>
      %dma_start3A_283 = arith.constant 0 : i32
      %dma_start3A_284 = arith.constant 0 : i32
      %dma_start3A_285 = tpu.memref_slice %arg10[%dma_start3A_276, %dma_start3A_283, %dma_start3A_284] : memref<5x64x128xf32, #tpu.memory_space<vmem>> -> memref<1x64x128xf32, #tpu.memory_space<vmem>>
      %dma_start3A_286 = tpu.memref_squeeze %dma_start3A_285 : memref<1x64x128xf32, #tpu.memory_space<vmem>> -> memref<64x128xf32, #tpu.memory_space<vmem>>
      %dma_start3A_287 = arith.constant 0 : i32
      %dma_start3A_288 = tpu.memref_slice %arg3[%dma_start3A_287, %multiple_of3A] : memref<64x1000000xf32, #tpu.memory_space<hbm>> -> memref<64x128xf32, #tpu.memory_space<hbm>>
      tpu.enqueue_dma source(%dma_start3A_288 : memref<64x128xf32, #tpu.memory_space<hbm>>) target(%dma_start3A_286 : memref<64x128xf32, #tpu.memory_space<vmem>>) target_semaphore(%arg15 : memref<!tpu.dma_semaphore, #tpu.memory_space<semaphore_mem>>)
    } else {
    }
    %add3A_37 = arith.constant 2 : i32
    %add3A_38 = arith.addi %mul3A_2, %add3A_37 : i32
    %lt3A_39 = arith.constant 7813 : i32
    %lt3A_40 = arith.cmpi slt, %add3A_38, %lt3A_39 : i32
    %and3A_41 = arith.constant true
    %and3A_42 = arith.andi %and3A_41, %lt3A_40 : i1
    %convert_element_type3A_43 = arith.extui %and3A_42 : i1 to i32
    %cond3A_44 = arith.constant 0 : i32
    %cond3A_45 = arith.cmpi ne, %convert_element_type3A_43, %cond3A_44 : i32
    scf.if %cond3A_45 {
      %mul3A_262 = arith.constant 128 : i32
      %mul3A_263 = arith.muli %add3A_38, %mul3A_262 : i32
      %multiple_of3A = tpu.assume_multiple %mul3A_263, 128 : i32
      %dma_start3A = arith.constant 2 : i32
      %dma_start3A_264 = arith.constant 0 : i32
      %dma_start3A_265 = arith.constant 0 : i32
      %dma_start3A_266 = tpu.memref_slice %arg9[%dma_start3A, %dma_start3A_264, %dma_start3A_265] : memref<5x64x128xf32, #tpu.memory_space<vmem>> -> memref<1x64x128xf32, #tpu.memory_space<vmem>>
      %dma_start3A_267 = tpu.memref_squeeze %dma_start3A_266 : memref<1x64x128xf32, #tpu.memory_space<vmem>> -> memref<64x128xf32, #tpu.memory_space<vmem>>
      %dma_start3A_268 = arith.constant 0 : i32
      %dma_start3A_269 = tpu.memref_slice %arg2[%dma_start3A_268, %multiple_of3A] : memref<64x1000000xf32, #tpu.memory_space<hbm>> -> memref<64x128xf32, #tpu.memory_space<hbm>>
      %dma_start3A_270 = arith.constant 0 : i32
      %dma_start3A_271 = arith.constant 0 : i32
      %dma_start3A_272 = tpu.memref_slice %arg9[%dma_start3A, %dma_start3A_270, %dma_start3A_271] : memref<5x64x128xf32, #tpu.memory_space<vmem>> -> memref<1x64x128xf32, #tpu.memory_space<vmem>>
      %dma_start3A_273 = tpu.memref_squeeze %dma_start3A_272 : memref<1x64x128xf32, #tpu.memory_space<vmem>> -> memref<64x128xf32, #tpu.memory_space<vmem>>
      %dma_start3A_274 = arith.constant 0 : i32
      %dma_start3A_275 = tpu.memref_slice %arg2[%dma_start3A_274, %multiple_of3A] : memref<64x1000000xf32, #tpu.memory_space<hbm>> -> memref<64x128xf32, #tpu.memory_space<hbm>>
      tpu.enqueue_dma source(%dma_start3A_275 : memref<64x128xf32, #tpu.memory_space<hbm>>) target(%dma_start3A_273 : memref<64x128xf32, #tpu.memory_space<vmem>>) target_semaphore(%arg14 : memref<!tpu.dma_semaphore, #tpu.memory_space<semaphore_mem>>)
      %dma_start3A_276 = arith.constant 2 : i32
      %dma_start3A_277 = arith.constant 0 : i32
      %dma_start3A_278 = arith.constant 0 : i32
      %dma_start3A_279 = tpu.memref_slice %arg10[%dma_start3A_276, %dma_start3A_277, %dma_start3A_278] : memref<5x64x128xf32, #tpu.memory_space<vmem>> -> memref<1x64x128xf32, #tpu.memory_space<vmem>>
      %dma_start3A_280 = tpu.memref_squeeze %dma_start3A_279 : memref<1x64x128xf32, #tpu.memory_space<vmem>> -> memref<64x128xf32, #tpu.memory_space<vmem>>
      %dma_start3A_281 = arith.constant 0 : i32
      %dma_start3A_282 = tpu.memref_slice %arg3[%dma_start3A_281, %multiple_of3A] : memref<64x1000000xf32, #tpu.memory_space<hbm>> -> memref<64x128xf32, #tpu.memory_space<hbm>>
      %dma_start3A_283 = arith.constant 0 : i32
      %dma_start3A_284 = arith.constant 0 : i32
      %dma_start3A_285 = tpu.memref_slice %arg10[%dma_start3A_276, %dma_start3A_283, %dma_start3A_284] : memref<5x64x128xf32, #tpu.memory_space<vmem>> -> memref<1x64x128xf32, #tpu.memory_space<vmem>>
      %dma_start3A_286 = tpu.memref_squeeze %dma_start3A_285 : memref<1x64x128xf32, #tpu.memory_space<vmem>> -> memref<64x128xf32, #tpu.memory_space<vmem>>
      %dma_start3A_287 = arith.constant 0 : i32
      %dma_start3A_288 = tpu.memref_slice %arg3[%dma_start3A_287, %multiple_of3A] : memref<64x1000000xf32, #tpu.memory_space<hbm>> -> memref<64x128xf32, #tpu.memory_space<hbm>>
      tpu.enqueue_dma source(%dma_start3A_288 : memref<64x128xf32, #tpu.memory_space<hbm>>) target(%dma_start3A_286 : memref<64x128xf32, #tpu.memory_space<vmem>>) target_semaphore(%arg15 : memref<!tpu.dma_semaphore, #tpu.memory_space<semaphore_mem>>)
    } else {
    }
    %add3A_46 = arith.constant 3 : i32
    %add3A_47 = arith.addi %mul3A_2, %add3A_46 : i32
    %lt3A_48 = arith.constant 7813 : i32
    %lt3A_49 = arith.cmpi slt, %add3A_47, %lt3A_48 : i32
    %and3A_50 = arith.constant true
    %and3A_51 = arith.andi %and3A_50, %lt3A_49 : i1
    %convert_element_type3A_52 = arith.extui %and3A_51 : i1 to i32
    %cond3A_53 = arith.constant 0 : i32
    %cond3A_54 = arith.cmpi ne, %convert_element_type3A_52, %cond3A_53 : i32
    scf.if %cond3A_54 {
      %mul3A_262 = arith.constant 128 : i32
      %mul3A_263 = arith.muli %add3A_47, %mul3A_262 : i32
      %multiple_of3A = tpu.assume_multiple %mul3A_263, 128 : i32
      %dma_start3A = arith.constant 3 : i32
      %dma_start3A_264 = arith.constant 0 : i32
      %dma_start3A_265 = arith.constant 0 : i32
      %dma_start3A_266 = tpu.memref_slice %arg9[%dma_start3A, %dma_start3A_264, %dma_start3A_265] : memref<5x64x128xf32, #tpu.memory_space<vmem>> -> memref<1x64x128xf32, #tpu.memory_space<vmem>>
      %dma_start3A_267 = tpu.memref_squeeze %dma_start3A_266 : memref<1x64x128xf32, #tpu.memory_space<vmem>> -> memref<64x128xf32, #tpu.memory_space<vmem>>
      %dma_start3A_268 = arith.constant 0 : i32
      %dma_start3A_269 = tpu.memref_slice %arg2[%dma_start3A_268, %multiple_of3A] : memref<64x1000000xf32, #tpu.memory_space<hbm>> -> memref<64x128xf32, #tpu.memory_space<hbm>>
      %dma_start3A_270 = arith.constant 0 : i32
      %dma_start3A_271 = arith.constant 0 : i32
      %dma_start3A_272 = tpu.memref_slice %arg9[%dma_start3A, %dma_start3A_270, %dma_start3A_271] : memref<5x64x128xf32, #tpu.memory_space<vmem>> -> memref<1x64x128xf32, #tpu.memory_space<vmem>>
      %dma_start3A_273 = tpu.memref_squeeze %dma_start3A_272 : memref<1x64x128xf32, #tpu.memory_space<vmem>> -> memref<64x128xf32, #tpu.memory_space<vmem>>
      %dma_start3A_274 = arith.constant 0 : i32
      %dma_start3A_275 = tpu.memref_slice %arg2[%dma_start3A_274, %multiple_of3A] : memref<64x1000000xf32, #tpu.memory_space<hbm>> -> memref<64x128xf32, #tpu.memory_space<hbm>>
      tpu.enqueue_dma source(%dma_start3A_275 : memref<64x128xf32, #tpu.memory_space<hbm>>) target(%dma_start3A_273 : memref<64x128xf32, #tpu.memory_space<vmem>>) target_semaphore(%arg14 : memref<!tpu.dma_semaphore, #tpu.memory_space<semaphore_mem>>)
      %dma_start3A_276 = arith.constant 3 : i32
      %dma_start3A_277 = arith.constant 0 : i32
      %dma_start3A_278 = arith.constant 0 : i32
      %dma_start3A_279 = tpu.memref_slice %arg10[%dma_start3A_276, %dma_start3A_277, %dma_start3A_278] : memref<5x64x128xf32, #tpu.memory_space<vmem>> -> memref<1x64x128xf32, #tpu.memory_space<vmem>>
      %dma_start3A_280 = tpu.memref_squeeze %dma_start3A_279 : memref<1x64x128xf32, #tpu.memory_space<vmem>> -> memref<64x128xf32, #tpu.memory_space<vmem>>
      %dma_start3A_281 = arith.constant 0 : i32
      %dma_start3A_282 = tpu.memref_slice %arg3[%dma_start3A_281, %multiple_of3A] : memref<64x1000000xf32, #tpu.memory_space<hbm>> -> memref<64x128xf32, #tpu.memory_space<hbm>>
      %dma_start3A_283 = arith.constant 0 : i32
      %dma_start3A_284 = arith.constant 0 : i32
      %dma_start3A_285 = tpu.memref_slice %arg10[%dma_start3A_276, %dma_start3A_283, %dma_start3A_284] : memref<5x64x128xf32, #tpu.memory_space<vmem>> -> memref<1x64x128xf32, #tpu.memory_space<vmem>>
      %dma_start3A_286 = tpu.memref_squeeze %dma_start3A_285 : memref<1x64x128xf32, #tpu.memory_space<vmem>> -> memref<64x128xf32, #tpu.memory_space<vmem>>
      %dma_start3A_287 = arith.constant 0 : i32
      %dma_start3A_288 = tpu.memref_slice %arg3[%dma_start3A_287, %multiple_of3A] : memref<64x1000000xf32, #tpu.memory_space<hbm>> -> memref<64x128xf32, #tpu.memory_space<hbm>>
      tpu.enqueue_dma source(%dma_start3A_288 : memref<64x128xf32, #tpu.memory_space<hbm>>) target(%dma_start3A_286 : memref<64x128xf32, #tpu.memory_space<vmem>>) target_semaphore(%arg15 : memref<!tpu.dma_semaphore, #tpu.memory_space<semaphore_mem>>)
    } else {
    }
    %scan3A = arith.constant 0 : i32
    %scan3A_55 = arith.constant 0 : i32
    %scan3A_56 = arith.constant 1024 : i32
    %scan3A_57 = arith.addi %scan3A_55, %scan3A_56 : i32
    %scan3A_58 = arith.constant 1 : i32
    %scan3A_59 = scf.for %scan3A_262 = %scan3A_55 to %scan3A_57 step %scan3A_58 iter_args(%scan3A_263 = %scan3A) -> (i32)  : i32 {
      %mul3A_264 = arith.constant 16 : i32
      %mul3A_265 = arith.muli %scan3A_262, %mul3A_264 : i32
      %get3A = arith.index_cast %mul3A_265 : i32 to index
      %get3A_266 = tpu.vector_load %arg6[%get3A] {strides = array<i32>} : memref<16400xi32, #tpu.memory_space<vmem>>, vector<16xi32>,
      %mul3A_267 = arith.constant 16 : i32
      %mul3A_268 = arith.muli %scan3A_262, %mul3A_267 : i32
      %broadcast_in_dim3A_269 = vector.broadcast %mul3A_268 : i32 to vector<16xi32>
      %add3A_270 = arith.addi %broadcast_in_dim3A_269, %iota3A : vector<16xi32>
      %ge3A = vector.broadcast %mul3A_4 : i32 to vector<16xi32>
      %ge3A_271 = arith.cmpi sge, %get3A_266, %ge3A : vector<16xi32>
      %lt3A_272 = vector.broadcast %add3A_6 : i32 to vector<16xi32>
      %lt3A_273 = arith.cmpi slt, %get3A_266, %lt3A_272 : vector<16xi32>
      %and3A_274 = arith.andi %ge3A_271, %lt3A_273 : vector<16xi1>
      %sub3A_275 = vector.broadcast %mul3A_4 : i32 to vector<16xi32>
      %sub3A_276 = arith.subi %get3A_266, %sub3A_275 : vector<16xi32>
      %shift_left3A = arith.constant 14 : i32
      %shift_left3A_277 = vector.broadcast %shift_left3A : i32 to vector<16xi32>
      %shift_left3A_278 = arith.shli %sub3A_276, %shift_left3A_277 : vector<16xi32>
      %or3A = arith.ori %shift_left3A_278, %add3A_270 : vector<16xi32>
      %swap3A_279 = arith.index_cast %scan3A_263 : i32 to index
      %swap3A_280 = tpu.vector_load %arg6[%swap3A_279] masked %and3A_274 {strides = array<i32>} : memref<16400xi32, #tpu.memory_space<vmem>>, vector<16xi32>, vector<16xi1>
      tpu.vector_store %arg6[%swap3A_279], %or3A masked %and3A_274 {strides = array<i32>} : memref<16400xi32, #tpu.memory_space<vmem>>, vector<16xi32>, vector<16xi1>
      %all_reduce_population_count3A = tpu.all_reduce %and3A_274 {dim = 0 : i64, kind = #tpu.reduction_kind<sum>} : vector<16xi1> -> vector<16xi32>
      %slice3A = vector.extract_strided_slice %all_reduce_population_count3A {offsets = [0], sizes = [1], strides = [1]} : vector<16xi32> to vector<1xi32>
      %squeeze3A = vector.extract %slice3A[0] : i32 from vector<1xi32>
      %add3A_281 = arith.addi %scan3A_263, %squeeze3A : i32
      scf.yield %add3A_281 : i32
    }
    %scan3A_60 = arith.constant 1024 : i32
    %add3A_61 = arith.constant 16 : i32
    %add3A_62 = arith.addi %scan3A_59, %add3A_61 : i32
    %sub3A = arith.constant 1 : i32
    %sub3A_63 = arith.subi %add3A_62, %sub3A : i32
    %jit3A = arith.constant 16 : i32
    %div3A = arith.divsi %sub3A_63, %jit3A : i32
    %sign3A = arith.constant 0 : i32
    %sign3A_64 = arith.cmpi sgt, %sub3A_63, %sign3A : i32
    %sign3A_65 = arith.extui %sign3A_64 : i1 to i32
    %sign3A_66 = arith.constant 0 : i32
    %sign3A_67 = arith.cmpi slt, %sub3A_63, %sign3A_66 : i32
    %sign3A_68 = arith.extui %sign3A_67 : i1 to i32
    %sign3A_69 = arith.subi %sign3A_65, %sign3A_68 : i32
    %sign3A_70 = arith.constant 0 : i32
    %sign3A_71 = arith.cmpi sgt, %jit3A, %sign3A_70 : i32
    %sign3A_72 = arith.extui %sign3A_71 : i1 to i32
    %sign3A_73 = arith.constant 0 : i32
    %sign3A_74 = arith.cmpi slt, %jit3A, %sign3A_73 : i32
    %sign3A_75 = arith.extui %sign3A_74 : i1 to i32
    %sign3A_76 = arith.subi %sign3A_72, %sign3A_75 : i32
    %ne3A = arith.cmpi ne, %sign3A_69, %sign3A_76 : i32
    %rem3A = arith.remsi %sub3A_63, %jit3A : i32
    %ne3A_77 = arith.constant 0 : i32
    %ne3A_78 = arith.cmpi ne, %rem3A, %ne3A_77 : i32
    %and3A_79 = arith.andi %ne3A, %ne3A_78 : i1
    %sub3A_80 = arith.constant 1 : i32
    %sub3A_81 = arith.subi %div3A, %sub3A_80 : i32
    %select_n3A = arith.select %and3A_79, %sub3A_81, %div3A : i32
    %while3A = arith.constant 0 : i32
    %while3A_82 = arith.constant 0 : i32
    %while3A_83 = arith.constant 0 : i32
    %while3A_84 = arith.constant 0 : i32
    %while3A_85 = arith.constant 0 : i32
    %while3A_86 = arith.constant 0 : i32
    %while3A_87 = arith.constant 0 : i32
    %while3A_88 = arith.constant 0 : i32
    %while3A_89 = arith.constant 0 : i32
    %while3A_90 = arith.constant 0 : i32
    %while3A_91 = arith.constant 0 : i32
    %while3A_92 = arith.constant 0 : i32
    %while3A_93 = arith.constant 0 : i32
    %while3A_94 = arith.constant 0 : i32
    %while3A_95 = arith.constant 0 : i32
    %while3A_96 = arith.constant 0 : i32
    %while3A_97 = arith.constant 0 : i32
    %while3A_98 = arith.subi %select_n3A, %while3A : i32
    %while3A_99 = arith.addi %while3A, %while3A_98 : i32
    %while3A_100 = arith.constant 1 : i32
    %while3A_101 = arith.divsi %while3A_98, %while3A_100 : i32
    %while3A_102 = arith.muli %while3A_101, %while3A_100 : i32
    %while3A_103 = arith.addi %while3A, %while3A_102 : i32
    %while3A_104 = arith.constant 1 : i32
    %while3A_105:16 = scf.for %while3A_262 = %while3A to %while3A_103 step %while3A_104 iter_args(%while3A_263 = %while3A_82, %while3A_264 = %while3A_83, %while3A_265 = %while3A_84, %while3A_266 = %while3A_85, %while3A_267 = %while3A_86, %while3A_268 = %while3A_87, %while3A_269 = %while3A_88, %while3A_270 = %while3A_89, %while3A_271 = %while3A_90, %while3A_272 = %while3A_91, %while3A_273 = %while3A_92, %while3A_274 = %while3A_93, %while3A_275 = %while3A_94, %while3A_276 = %while3A_95, %while3A_277 = %while3A_96, %while3A_278 = %while3A_97) -> (i32, i32, i32, i32, i32, i32, i32, i32, i32, i32, i32, i32, i32, i32, i32, i32)  : i32 {
      %mul3A_279 = arith.constant 16 : i32
      %mul3A_280 = arith.muli %while3A_262, %mul3A_279 : i32
      %get3A = arith.index_cast %mul3A_280 : i32 to index
      %get3A_281 = tpu.vector_load %arg6[%get3A] {strides = array<i32>} : memref<16400xi32, #tpu.memory_space<vmem>>, vector<16xi32>,
      %mul3A_282 = arith.constant 16 : i32
      %mul3A_283 = arith.muli %while3A_262, %mul3A_282 : i32
      %broadcast_in_dim3A_284 = vector.broadcast %mul3A_283 : i32 to vector<16xi32>
      %add3A_285 = arith.addi %broadcast_in_dim3A_284, %iota3A : vector<16xi32>
      %lt3A_286 = vector.broadcast %scan3A_59 : i32 to vector<16xi32>
      %lt3A_287 = arith.cmpi slt, %add3A_285, %lt3A_286 : vector<16xi32>
      %shift_right_logical3A = arith.constant 21 : i32
      %shift_right_logical3A_288 = vector.broadcast %shift_right_logical3A : i32 to vector<16xi32>
      %shift_right_logical3A_289 = arith.shrui %get3A_281, %shift_right_logical3A_288 : vector<16xi32>
      %jit3A_290 = arith.constant 16 : i32
      %div3A_291 = vector.broadcast %jit3A_290 : i32 to vector<16xi32>
      %div3A_292 = arith.divsi %shift_right_logical3A_289, %div3A_291 : vector<16xi32>
      %sign3A_293 = arith.constant 0 : i32
      %sign3A_294 = vector.broadcast %sign3A_293 : i32 to vector<16xi32>
      %sign3A_295 = arith.cmpi sgt, %shift_right_logical3A_289, %sign3A_294 : vector<16xi32>
      %sign3A_296 = arith.extui %sign3A_295 : vector<16xi1> to vector<16xi32>
      %sign3A_297 = arith.constant 0 : i32
      %sign3A_298 = vector.broadcast %sign3A_297 : i32 to vector<16xi32>
      %sign3A_299 = arith.cmpi slt, %shift_right_logical3A_289, %sign3A_298 : vector<16xi32>
      %sign3A_300 = arith.extui %sign3A_299 : vector<16xi1> to vector<16xi32>
      %sign3A_301 = arith.subi %sign3A_296, %sign3A_300 : vector<16xi32>
      %sign3A_302 = arith.constant 0 : i32
      %sign3A_303 = arith.cmpi sgt, %jit3A_290, %sign3A_302 : i32
      %sign3A_304 = arith.extui %sign3A_303 : i1 to i32
      %sign3A_305 = arith.constant 0 : i32
      %sign3A_306 = arith.cmpi slt, %jit3A_290, %sign3A_305 : i32
      %sign3A_307 = arith.extui %sign3A_306 : i1 to i32
      %sign3A_308 = arith.subi %sign3A_304, %sign3A_307 : i32
      %ne3A_309 = vector.broadcast %sign3A_308 : i32 to vector<16xi32>
      %ne3A_310 = arith.cmpi ne, %sign3A_301, %ne3A_309 : vector<16xi32>
      %rem3A_311 = vector.broadcast %jit3A_290 : i32 to vector<16xi32>
      %rem3A_312 = arith.remsi %shift_right_logical3A_289, %rem3A_311 : vector<16xi32>
      %ne3A_313 = arith.constant 0 : i32
      %ne3A_314 = vector.broadcast %ne3A_313 : i32 to vector<16xi32>
      %ne3A_315 = arith.cmpi ne, %rem3A_312, %ne3A_314 : vector<16xi32>
      %and3A_316 = arith.andi %ne3A_310, %ne3A_315 : vector<16xi1>
      %sub3A_317 = arith.constant 1 : i32
      %sub3A_318 = vector.broadcast %sub3A_317 : i32 to vector<16xi32>
      %sub3A_319 = arith.subi %div3A_292, %sub3A_318 : vector<16xi32>
      %select_n3A_320 = arith.select %and3A_316, %sub3A_319, %div3A_292 : vector<16xi1>, vector<16xi32>
      %eq3A_321 = arith.constant 0 : i32
      %eq3A_322 = vector.broadcast %eq3A_321 : i32 to vector<16xi32>
      %eq3A_323 = arith.cmpi eq, %select_n3A_320, %eq3A_322 : vector<16xi32>
      %and3A_324 = arith.andi %lt3A_287, %eq3A_323 : vector<16xi1>
      %all_reduce_population_count3A = tpu.all_reduce %and3A_324 {dim = 0 : i64, kind = #tpu.reduction_kind<sum>} : vector<16xi1> -> vector<16xi32>
      %slice3A = vector.extract_strided_slice %all_reduce_population_count3A {offsets = [0], sizes = [1], strides = [1]} : vector<16xi32> to vector<1xi32>
      %squeeze3A = vector.extract %slice3A[0] : i32 from vector<1xi32>
      %add3A_325 = arith.addi %while3A_263, %squeeze3A : i32
      %eq3A_326 = arith.constant 1 : i32
      %eq3A_327 = vector.broadcast %eq3A_326 : i32 to vector<16xi32>
      %eq3A_328 = arith.cmpi eq, %select_n3A_320, %eq3A_327 : vector<16xi32>
      %and3A_329 = arith.andi %lt3A_287, %eq3A_328 : vector<16xi1>
      %all_reduce_population_count3A_330 = tpu.all_reduce %and3A_329 {dim = 0 : i64, kind = #tpu.reduction_kind<sum>} : vector<16xi1> -> vector<16xi32>
      %slice3A_331 = vector.extract_strided_slice %all_reduce_population_count3A_330 {offsets = [0], sizes = [1], strides = [1]} : vector<16xi32> to vector<1xi32>
      %squeeze3A_332 = vector.extract %slice3A_331[0] : i32 from vector<1xi32>
      %add3A_333 = arith.addi %while3A_264, %squeeze3A_332 : i32
      %eq3A_334 = arith.constant 2 : i32
      %eq3A_335 = vector.broadcast %eq3A_334 : i32 to vector<16xi32>
      %eq3A_336 = arith.cmpi eq, %select_n3A_320, %eq3A_335 : vector<16xi32>
      %and3A_337 = arith.andi %lt3A_287, %eq3A_336 : vector<16xi1>
      %all_reduce_population_count3A_338 = tpu.all_reduce %and3A_337 {dim = 0 : i64, kind = #tpu.reduction_kind<sum>} : vector<16xi1> -> vector<16xi32>
      %slice3A_339 = vector.extract_strided_slice %all_reduce_population_count3A_338 {offsets = [0], sizes = [1], strides = [1]} : vector<16xi32> to vector<1xi32>
      %squeeze3A_340 = vector.extract %slice3A_339[0] : i32 from vector<1xi32>
      %add3A_341 = arith.addi %while3A_265, %squeeze3A_340 : i32
      %eq3A_342 = arith.constant 3 : i32
      %eq3A_343 = vector.broadcast %eq3A_342 : i32 to vector<16xi32>
      %eq3A_344 = arith.cmpi eq, %select_n3A_320, %eq3A_343 : vector<16xi32>
      %and3A_345 = arith.andi %lt3A_287, %eq3A_344 : vector<16xi1>
      %all_reduce_population_count3A_346 = tpu.all_reduce %and3A_345 {dim = 0 : i64, kind = #tpu.reduction_kind<sum>} : vector<16xi1> -> vector<16xi32>
      %slice3A_347 = vector.extract_strided_slice %all_reduce_population_count3A_346 {offsets = [0], sizes = [1], strides = [1]} : vector<16xi32> to vector<1xi32>
      %squeeze3A_348 = vector.extract %slice3A_347[0] : i32 from vector<1xi32>
      %add3A_349 = arith.addi %while3A_266, %squeeze3A_348 : i32
      %eq3A_350 = arith.constant 4 : i32
      %eq3A_351 = vector.broadcast %eq3A_350 : i32 to vector<16xi32>
      %eq3A_352 = arith.cmpi eq, %select_n3A_320, %eq3A_351 : vector<16xi32>
      %and3A_353 = arith.andi %lt3A_287, %eq3A_352 : vector<16xi1>
      %all_reduce_population_count3A_354 = tpu.all_reduce %and3A_353 {dim = 0 : i64, kind = #tpu.reduction_kind<sum>} : vector<16xi1> -> vector<16xi32>
      %slice3A_355 = vector.extract_strided_slice %all_reduce_population_count3A_354 {offsets = [0], sizes = [1], strides = [1]} : vector<16xi32> to vector<1xi32>
      %squeeze3A_356 = vector.extract %slice3A_355[0] : i32 from vector<1xi32>
      %add3A_357 = arith.addi %while3A_267, %squeeze3A_356 : i32
      %eq3A_358 = arith.constant 5 : i32
      %eq3A_359 = vector.broadcast %eq3A_358 : i32 to vector<16xi32>
      %eq3A_360 = arith.cmpi eq, %select_n3A_320, %eq3A_359 : vector<16xi32>
      %and3A_361 = arith.andi %lt3A_287, %eq3A_360 : vector<16xi1>
      %all_reduce_population_count3A_362 = tpu.all_reduce %and3A_361 {dim = 0 : i64, kind = #tpu.reduction_kind<sum>} : vector<16xi1> -> vector<16xi32>
      %slice3A_363 = vector.extract_strided_slice %all_reduce_population_count3A_362 {offsets = [0], sizes = [1], strides = [1]} : vector<16xi32> to vector<1xi32>
      %squeeze3A_364 = vector.extract %slice3A_363[0] : i32 from vector<1xi32>
      %add3A_365 = arith.addi %while3A_268, %squeeze3A_364 : i32
      %eq3A_366 = arith.constant 6 : i32
      %eq3A_367 = vector.broadcast %eq3A_366 : i32 to vector<16xi32>
      %eq3A_368 = arith.cmpi eq, %select_n3A_320, %eq3A_367 : vector<16xi32>
      %and3A_369 = arith.andi %lt3A_287, %eq3A_368 : vector<16xi1>
      %all_reduce_population_count3A_370 = tpu.all_reduce %and3A_369 {dim = 0 : i64, kind = #tpu.reduction_kind<sum>} : vector<16xi1> -> vector<16xi32>
      %slice3A_371 = vector.extract_strided_slice %all_reduce_population_count3A_370 {offsets = [0], sizes = [1], strides = [1]} : vector<16xi32> to vector<1xi32>
      %squeeze3A_372 = vector.extract %slice3A_371[0] : i32 from vector<1xi32>
      %add3A_373 = arith.addi %while3A_269, %squeeze3A_372 : i32
      %eq3A_374 = arith.constant 7 : i32
      %eq3A_375 = vector.broadcast %eq3A_374 : i32 to vector<16xi32>
      %eq3A_376 = arith.cmpi eq, %select_n3A_320, %eq3A_375 : vector<16xi32>
      %and3A_377 = arith.andi %lt3A_287, %eq3A_376 : vector<16xi1>
      %all_reduce_population_count3A_378 = tpu.all_reduce %and3A_377 {dim = 0 : i64, kind = #tpu.reduction_kind<sum>} : vector<16xi1> -> vector<16xi32>
      %slice3A_379 = vector.extract_strided_slice %all_reduce_population_count3A_378 {offsets = [0], sizes = [1], strides = [1]} : vector<16xi32> to vector<1xi32>
      %squeeze3A_380 = vector.extract %slice3A_379[0] : i32 from vector<1xi32>
      %add3A_381 = arith.addi %while3A_270, %squeeze3A_380 : i32
      %eq3A_382 = arith.constant 8 : i32
      %eq3A_383 = vector.broadcast %eq3A_382 : i32 to vector<16xi32>
      %eq3A_384 = arith.cmpi eq, %select_n3A_320, %eq3A_383 : vector<16xi32>
      %and3A_385 = arith.andi %lt3A_287, %eq3A_384 : vector<16xi1>
      %all_reduce_population_count3A_386 = tpu.all_reduce %and3A_385 {dim = 0 : i64, kind = #tpu.reduction_kind<sum>} : vector<16xi1> -> vector<16xi32>
      %slice3A_387 = vector.extract_strided_slice %all_reduce_population_count3A_386 {offsets = [0], sizes = [1], strides = [1]} : vector<16xi32> to vector<1xi32>
      %squeeze3A_388 = vector.extract %slice3A_387[0] : i32 from vector<1xi32>
      %add3A_389 = arith.addi %while3A_271, %squeeze3A_388 : i32
      %eq3A_390 = arith.constant 9 : i32
      %eq3A_391 = vector.broadcast %eq3A_390 : i32 to vector<16xi32>
      %eq3A_392 = arith.cmpi eq, %select_n3A_320, %eq3A_391 : vector<16xi32>
      %and3A_393 = arith.andi %lt3A_287, %eq3A_392 : vector<16xi1>
      %all_reduce_population_count3A_394 = tpu.all_reduce %and3A_393 {dim = 0 : i64, kind = #tpu.reduction_kind<sum>} : vector<16xi1> -> vector<16xi32>
      %slice3A_395 = vector.extract_strided_slice %all_reduce_population_count3A_394 {offsets = [0], sizes = [1], strides = [1]} : vector<16xi32> to vector<1xi32>
      %squeeze3A_396 = vector.extract %slice3A_395[0] : i32 from vector<1xi32>
      %add3A_397 = arith.addi %while3A_272, %squeeze3A_396 : i32
      %eq3A_398 = arith.constant 10 : i32
      %eq3A_399 = vector.broadcast %eq3A_398 : i32 to vector<16xi32>
      %eq3A_400 = arith.cmpi eq, %select_n3A_320, %eq3A_399 : vector<16xi32>
      %and3A_401 = arith.andi %lt3A_287, %eq3A_400 : vector<16xi1>
      %all_reduce_population_count3A_402 = tpu.all_reduce %and3A_401 {dim = 0 : i64, kind = #tpu.reduction_kind<sum>} : vector<16xi1> -> vector<16xi32>
      %slice3A_403 = vector.extract_strided_slice %all_reduce_population_count3A_402 {offsets = [0], sizes = [1], strides = [1]} : vector<16xi32> to vector<1xi32>
      %squeeze3A_404 = vector.extract %slice3A_403[0] : i32 from vector<1xi32>
      %add3A_405 = arith.addi %while3A_273, %squeeze3A_404 : i32
      %eq3A_406 = arith.constant 11 : i32
      %eq3A_407 = vector.broadcast %eq3A_406 : i32 to vector<16xi32>
      %eq3A_408 = arith.cmpi eq, %select_n3A_320, %eq3A_407 : vector<16xi32>
      %and3A_409 = arith.andi %lt3A_287, %eq3A_408 : vector<16xi1>
      %all_reduce_population_count3A_410 = tpu.all_reduce %and3A_409 {dim = 0 : i64, kind = #tpu.reduction_kind<sum>} : vector<16xi1> -> vector<16xi32>
      %slice3A_411 = vector.extract_strided_slice %all_reduce_population_count3A_410 {offsets = [0], sizes = [1], strides = [1]} : vector<16xi32> to vector<1xi32>
      %squeeze3A_412 = vector.extract %slice3A_411[0] : i32 from vector<1xi32>
      %add3A_413 = arith.addi %while3A_274, %squeeze3A_412 : i32
      %eq3A_414 = arith.constant 12 : i32
      %eq3A_415 = vector.broadcast %eq3A_414 : i32 to vector<16xi32>
      %eq3A_416 = arith.cmpi eq, %select_n3A_320, %eq3A_415 : vector<16xi32>
      %and3A_417 = arith.andi %lt3A_287, %eq3A_416 : vector<16xi1>
      %all_reduce_population_count3A_418 = tpu.all_reduce %and3A_417 {dim = 0 : i64, kind = #tpu.reduction_kind<sum>} : vector<16xi1> -> vector<16xi32>
      %slice3A_419 = vector.extract_strided_slice %all_reduce_population_count3A_418 {offsets = [0], sizes = [1], strides = [1]} : vector<16xi32> to vector<1xi32>
      %squeeze3A_420 = vector.extract %slice3A_419[0] : i32 from vector<1xi32>
      %add3A_421 = arith.addi %while3A_275, %squeeze3A_420 : i32
      %eq3A_422 = arith.constant 13 : i32
      %eq3A_423 = vector.broadcast %eq3A_422 : i32 to vector<16xi32>
      %eq3A_424 = arith.cmpi eq, %select_n3A_320, %eq3A_423 : vector<16xi32>
      %and3A_425 = arith.andi %lt3A_287, %eq3A_424 : vector<16xi1>
      %all_reduce_population_count3A_426 = tpu.all_reduce %and3A_425 {dim = 0 : i64, kind = #tpu.reduction_kind<sum>} : vector<16xi1> -> vector<16xi32>
      %slice3A_427 = vector.extract_strided_slice %all_reduce_population_count3A_426 {offsets = [0], sizes = [1], strides = [1]} : vector<16xi32> to vector<1xi32>
      %squeeze3A_428 = vector.extract %slice3A_427[0] : i32 from vector<1xi32>
      %add3A_429 = arith.addi %while3A_276, %squeeze3A_428 : i32
      %eq3A_430 = arith.constant 14 : i32
      %eq3A_431 = vector.broadcast %eq3A_430 : i32 to vector<16xi32>
      %eq3A_432 = arith.cmpi eq, %select_n3A_320, %eq3A_431 : vector<16xi32>
      %and3A_433 = arith.andi %lt3A_287, %eq3A_432 : vector<16xi1>
      %all_reduce_population_count3A_434 = tpu.all_reduce %and3A_433 {dim = 0 : i64, kind = #tpu.reduction_kind<sum>} : vector<16xi1> -> vector<16xi32>
      %slice3A_435 = vector.extract_strided_slice %all_reduce_population_count3A_434 {offsets = [0], sizes = [1], strides = [1]} : vector<16xi32> to vector<1xi32>
      %squeeze3A_436 = vector.extract %slice3A_435[0] : i32 from vector<1xi32>
      %add3A_437 = arith.addi %while3A_277, %squeeze3A_436 : i32
      %eq3A_438 = arith.constant 15 : i32
      %eq3A_439 = vector.broadcast %eq3A_438 : i32 to vector<16xi32>
      %eq3A_440 = arith.cmpi eq, %select_n3A_320, %eq3A_439 : vector<16xi32>
      %and3A_441 = arith.andi %lt3A_287, %eq3A_440 : vector<16xi1>
      %all_reduce_population_count3A_442 = tpu.all_reduce %and3A_441 {dim = 0 : i64, kind = #tpu.reduction_kind<sum>} : vector<16xi1> -> vector<16xi32>
      %slice3A_443 = vector.extract_strided_slice %all_reduce_population_count3A_442 {offsets = [0], sizes = [1], strides = [1]} : vector<16xi32> to vector<1xi32>
      %squeeze3A_444 = vector.extract %slice3A_443[0] : i32 from vector<1xi32>
      %add3A_445 = arith.addi %while3A_278, %squeeze3A_444 : i32
      scf.yield %add3A_325, %add3A_333, %add3A_341, %add3A_349, %add3A_357, %add3A_365, %add3A_373, %add3A_381, %add3A_389, %add3A_397, %add3A_405, %add3A_413, %add3A_421, %add3A_429, %add3A_437, %add3A_445 : i32, i32, i32, i32, i32, i32, i32, i32, i32, i32, i32, i32, i32, i32, i32, i32
    }
    %while3A_106 = arith.constant 1 : i32
    %while3A_107:16 = scf.for %while3A_262 = %while3A_103 to %while3A_99 step %while3A_106 iter_args(%while3A_263 = %while3A_105#0, %while3A_264 = %while3A_105#1, %while3A_265 = %while3A_105#2, %while3A_266 = %while3A_105#3, %while3A_267 = %while3A_105#4, %while3A_268 = %while3A_105#5, %while3A_269 = %while3A_105#6, %while3A_270 = %while3A_105#7, %while3A_271 = %while3A_105#8, %while3A_272 = %while3A_105#9, %while3A_273 = %while3A_105#10, %while3A_274 = %while3A_105#11, %while3A_275 = %while3A_105#12, %while3A_276 = %while3A_105#13, %while3A_277 = %while3A_105#14, %while3A_278 = %while3A_105#15) -> (i32, i32, i32, i32, i32, i32, i32, i32, i32, i32, i32, i32, i32, i32, i32, i32)  : i32 {
      %mul3A_279 = arith.constant 16 : i32
      %mul3A_280 = arith.muli %while3A_262, %mul3A_279 : i32
      %get3A = arith.index_cast %mul3A_280 : i32 to index
      %get3A_281 = tpu.vector_load %arg6[%get3A] {strides = array<i32>} : memref<16400xi32, #tpu.memory_space<vmem>>, vector<16xi32>,
      %mul3A_282 = arith.constant 16 : i32
      %mul3A_283 = arith.muli %while3A_262, %mul3A_282 : i32
      %broadcast_in_dim3A_284 = vector.broadcast %mul3A_283 : i32 to vector<16xi32>
      %add3A_285 = arith.addi %broadcast_in_dim3A_284, %iota3A : vector<16xi32>
      %lt3A_286 = vector.broadcast %scan3A_59 : i32 to vector<16xi32>
      %lt3A_287 = arith.cmpi slt, %add3A_285, %lt3A_286 : vector<16xi32>
      %shift_right_logical3A = arith.constant 21 : i32
      %shift_right_logical3A_288 = vector.broadcast %shift_right_logical3A : i32 to vector<16xi32>
      %shift_right_logical3A_289 = arith.shrui %get3A_281, %shift_right_logical3A_288 : vector<16xi32>
      %jit3A_290 = arith.constant 16 : i32
      %div3A_291 = vector.broadcast %jit3A_290 : i32 to vector<16xi32>
      %div3A_292 = arith.divsi %shift_right_logical3A_289, %div3A_291 : vector<16xi32>
      %sign3A_293 = arith.constant 0 : i32
      %sign3A_294 = vector.broadcast %sign3A_293 : i32 to vector<16xi32>
      %sign3A_295 = arith.cmpi sgt, %shift_right_logical3A_289, %sign3A_294 : vector<16xi32>
      %sign3A_296 = arith.extui %sign3A_295 : vector<16xi1> to vector<16xi32>
      %sign3A_297 = arith.constant 0 : i32
      %sign3A_298 = vector.broadcast %sign3A_297 : i32 to vector<16xi32>
      %sign3A_299 = arith.cmpi slt, %shift_right_logical3A_289, %sign3A_298 : vector<16xi32>
      %sign3A_300 = arith.extui %sign3A_299 : vector<16xi1> to vector<16xi32>
      %sign3A_301 = arith.subi %sign3A_296, %sign3A_300 : vector<16xi32>
      %sign3A_302 = arith.constant 0 : i32
      %sign3A_303 = arith.cmpi sgt, %jit3A_290, %sign3A_302 : i32
      %sign3A_304 = arith.extui %sign3A_303 : i1 to i32
      %sign3A_305 = arith.constant 0 : i32
      %sign3A_306 = arith.cmpi slt, %jit3A_290, %sign3A_305 : i32
      %sign3A_307 = arith.extui %sign3A_306 : i1 to i32
      %sign3A_308 = arith.subi %sign3A_304, %sign3A_307 : i32
      %ne3A_309 = vector.broadcast %sign3A_308 : i32 to vector<16xi32>
      %ne3A_310 = arith.cmpi ne, %sign3A_301, %ne3A_309 : vector<16xi32>
      %rem3A_311 = vector.broadcast %jit3A_290 : i32 to vector<16xi32>
      %rem3A_312 = arith.remsi %shift_right_logical3A_289, %rem3A_311 : vector<16xi32>
      %ne3A_313 = arith.constant 0 : i32
      %ne3A_314 = vector.broadcast %ne3A_313 : i32 to vector<16xi32>
      %ne3A_315 = arith.cmpi ne, %rem3A_312, %ne3A_314 : vector<16xi32>
      %and3A_316 = arith.andi %ne3A_310, %ne3A_315 : vector<16xi1>
      %sub3A_317 = arith.constant 1 : i32
      %sub3A_318 = vector.broadcast %sub3A_317 : i32 to vector<16xi32>
      %sub3A_319 = arith.subi %div3A_292, %sub3A_318 : vector<16xi32>
      %select_n3A_320 = arith.select %and3A_316, %sub3A_319, %div3A_292 : vector<16xi1>, vector<16xi32>
      %eq3A_321 = arith.constant 0 : i32
      %eq3A_322 = vector.broadcast %eq3A_321 : i32 to vector<16xi32>
      %eq3A_323 = arith.cmpi eq, %select_n3A_320, %eq3A_322 : vector<16xi32>
      %and3A_324 = arith.andi %lt3A_287, %eq3A_323 : vector<16xi1>
      %all_reduce_population_count3A = tpu.all_reduce %and3A_324 {dim = 0 : i64, kind = #tpu.reduction_kind<sum>} : vector<16xi1> -> vector<16xi32>
      %slice3A = vector.extract_strided_slice %all_reduce_population_count3A {offsets = [0], sizes = [1], strides = [1]} : vector<16xi32> to vector<1xi32>
      %squeeze3A = vector.extract %slice3A[0] : i32 from vector<1xi32>
      %add3A_325 = arith.addi %while3A_263, %squeeze3A : i32
      %eq3A_326 = arith.constant 1 : i32
      %eq3A_327 = vector.broadcast %eq3A_326 : i32 to vector<16xi32>
      %eq3A_328 = arith.cmpi eq, %select_n3A_320, %eq3A_327 : vector<16xi32>
      %and3A_329 = arith.andi %lt3A_287, %eq3A_328 : vector<16xi1>
      %all_reduce_population_count3A_330 = tpu.all_reduce %and3A_329 {dim = 0 : i64, kind = #tpu.reduction_kind<sum>} : vector<16xi1> -> vector<16xi32>
      %slice3A_331 = vector.extract_strided_slice %all_reduce_population_count3A_330 {offsets = [0], sizes = [1], strides = [1]} : vector<16xi32> to vector<1xi32>
      %squeeze3A_332 = vector.extract %slice3A_331[0] : i32 from vector<1xi32>
      %add3A_333 = arith.addi %while3A_264, %squeeze3A_332 : i32
      %eq3A_334 = arith.constant 2 : i32
      %eq3A_335 = vector.broadcast %eq3A_334 : i32 to vector<16xi32>
      %eq3A_336 = arith.cmpi eq, %select_n3A_320, %eq3A_335 : vector<16xi32>
      %and3A_337 = arith.andi %lt3A_287, %eq3A_336 : vector<16xi1>
      %all_reduce_population_count3A_338 = tpu.all_reduce %and3A_337 {dim = 0 : i64, kind = #tpu.reduction_kind<sum>} : vector<16xi1> -> vector<16xi32>
      %slice3A_339 = vector.extract_strided_slice %all_reduce_population_count3A_338 {offsets = [0], sizes = [1], strides = [1]} : vector<16xi32> to vector<1xi32>
      %squeeze3A_340 = vector.extract %slice3A_339[0] : i32 from vector<1xi32>
      %add3A_341 = arith.addi %while3A_265, %squeeze3A_340 : i32
      %eq3A_342 = arith.constant 3 : i32
      %eq3A_343 = vector.broadcast %eq3A_342 : i32 to vector<16xi32>
      %eq3A_344 = arith.cmpi eq, %select_n3A_320, %eq3A_343 : vector<16xi32>
      %and3A_345 = arith.andi %lt3A_287, %eq3A_344 : vector<16xi1>
      %all_reduce_population_count3A_346 = tpu.all_reduce %and3A_345 {dim = 0 : i64, kind = #tpu.reduction_kind<sum>} : vector<16xi1> -> vector<16xi32>
      %slice3A_347 = vector.extract_strided_slice %all_reduce_population_count3A_346 {offsets = [0], sizes = [1], strides = [1]} : vector<16xi32> to vector<1xi32>
      %squeeze3A_348 = vector.extract %slice3A_347[0] : i32 from vector<1xi32>
      %add3A_349 = arith.addi %while3A_266, %squeeze3A_348 : i32
      %eq3A_350 = arith.constant 4 : i32
      %eq3A_351 = vector.broadcast %eq3A_350 : i32 to vector<16xi32>
      %eq3A_352 = arith.cmpi eq, %select_n3A_320, %eq3A_351 : vector<16xi32>
      %and3A_353 = arith.andi %lt3A_287, %eq3A_352 : vector<16xi1>
      %all_reduce_population_count3A_354 = tpu.all_reduce %and3A_353 {dim = 0 : i64, kind = #tpu.reduction_kind<sum>} : vector<16xi1> -> vector<16xi32>
      %slice3A_355 = vector.extract_strided_slice %all_reduce_population_count3A_354 {offsets = [0], sizes = [1], strides = [1]} : vector<16xi32> to vector<1xi32>
      %squeeze3A_356 = vector.extract %slice3A_355[0] : i32 from vector<1xi32>
      %add3A_357 = arith.addi %while3A_267, %squeeze3A_356 : i32
      %eq3A_358 = arith.constant 5 : i32
      %eq3A_359 = vector.broadcast %eq3A_358 : i32 to vector<16xi32>
      %eq3A_360 = arith.cmpi eq, %select_n3A_320, %eq3A_359 : vector<16xi32>
      %and3A_361 = arith.andi %lt3A_287, %eq3A_360 : vector<16xi1>
      %all_reduce_population_count3A_362 = tpu.all_reduce %and3A_361 {dim = 0 : i64, kind = #tpu.reduction_kind<sum>} : vector<16xi1> -> vector<16xi32>
      %slice3A_363 = vector.extract_strided_slice %all_reduce_population_count3A_362 {offsets = [0], sizes = [1], strides = [1]} : vector<16xi32> to vector<1xi32>
      %squeeze3A_364 = vector.extract %slice3A_363[0] : i32 from vector<1xi32>
      %add3A_365 = arith.addi %while3A_268, %squeeze3A_364 : i32
      %eq3A_366 = arith.constant 6 : i32
      %eq3A_367 = vector.broadcast %eq3A_366 : i32 to vector<16xi32>
      %eq3A_368 = arith.cmpi eq, %select_n3A_320, %eq3A_367 : vector<16xi32>
      %and3A_369 = arith.andi %lt3A_287, %eq3A_368 : vector<16xi1>
      %all_reduce_population_count3A_370 = tpu.all_reduce %and3A_369 {dim = 0 : i64, kind = #tpu.reduction_kind<sum>} : vector<16xi1> -> vector<16xi32>
      %slice3A_371 = vector.extract_strided_slice %all_reduce_population_count3A_370 {offsets = [0], sizes = [1], strides = [1]} : vector<16xi32> to vector<1xi32>
      %squeeze3A_372 = vector.extract %slice3A_371[0] : i32 from vector<1xi32>
      %add3A_373 = arith.addi %while3A_269, %squeeze3A_372 : i32
      %eq3A_374 = arith.constant 7 : i32
      %eq3A_375 = vector.broadcast %eq3A_374 : i32 to vector<16xi32>
      %eq3A_376 = arith.cmpi eq, %select_n3A_320, %eq3A_375 : vector<16xi32>
      %and3A_377 = arith.andi %lt3A_287, %eq3A_376 : vector<16xi1>
      %all_reduce_population_count3A_378 = tpu.all_reduce %and3A_377 {dim = 0 : i64, kind = #tpu.reduction_kind<sum>} : vector<16xi1> -> vector<16xi32>
      %slice3A_379 = vector.extract_strided_slice %all_reduce_population_count3A_378 {offsets = [0], sizes = [1], strides = [1]} : vector<16xi32> to vector<1xi32>
      %squeeze3A_380 = vector.extract %slice3A_379[0] : i32 from vector<1xi32>
      %add3A_381 = arith.addi %while3A_270, %squeeze3A_380 : i32
      %eq3A_382 = arith.constant 8 : i32
      %eq3A_383 = vector.broadcast %eq3A_382 : i32 to vector<16xi32>
      %eq3A_384 = arith.cmpi eq, %select_n3A_320, %eq3A_383 : vector<16xi32>
      %and3A_385 = arith.andi %lt3A_287, %eq3A_384 : vector<16xi1>
      %all_reduce_population_count3A_386 = tpu.all_reduce %and3A_385 {dim = 0 : i64, kind = #tpu.reduction_kind<sum>} : vector<16xi1> -> vector<16xi32>
      %slice3A_387 = vector.extract_strided_slice %all_reduce_population_count3A_386 {offsets = [0], sizes = [1], strides = [1]} : vector<16xi32> to vector<1xi32>
      %squeeze3A_388 = vector.extract %slice3A_387[0] : i32 from vector<1xi32>
      %add3A_389 = arith.addi %while3A_271, %squeeze3A_388 : i32
      %eq3A_390 = arith.constant 9 : i32
      %eq3A_391 = vector.broadcast %eq3A_390 : i32 to vector<16xi32>
      %eq3A_392 = arith.cmpi eq, %select_n3A_320, %eq3A_391 : vector<16xi32>
      %and3A_393 = arith.andi %lt3A_287, %eq3A_392 : vector<16xi1>
      %all_reduce_population_count3A_394 = tpu.all_reduce %and3A_393 {dim = 0 : i64, kind = #tpu.reduction_kind<sum>} : vector<16xi1> -> vector<16xi32>
      %slice3A_395 = vector.extract_strided_slice %all_reduce_population_count3A_394 {offsets = [0], sizes = [1], strides = [1]} : vector<16xi32> to vector<1xi32>
      %squeeze3A_396 = vector.extract %slice3A_395[0] : i32 from vector<1xi32>
      %add3A_397 = arith.addi %while3A_272, %squeeze3A_396 : i32
      %eq3A_398 = arith.constant 10 : i32
      %eq3A_399 = vector.broadcast %eq3A_398 : i32 to vector<16xi32>
      %eq3A_400 = arith.cmpi eq, %select_n3A_320, %eq3A_399 : vector<16xi32>
      %and3A_401 = arith.andi %lt3A_287, %eq3A_400 : vector<16xi1>
      %all_reduce_population_count3A_402 = tpu.all_reduce %and3A_401 {dim = 0 : i64, kind = #tpu.reduction_kind<sum>} : vector<16xi1> -> vector<16xi32>
      %slice3A_403 = vector.extract_strided_slice %all_reduce_population_count3A_402 {offsets = [0], sizes = [1], strides = [1]} : vector<16xi32> to vector<1xi32>
      %squeeze3A_404 = vector.extract %slice3A_403[0] : i32 from vector<1xi32>
      %add3A_405 = arith.addi %while3A_273, %squeeze3A_404 : i32
      %eq3A_406 = arith.constant 11 : i32
      %eq3A_407 = vector.broadcast %eq3A_406 : i32 to vector<16xi32>
      %eq3A_408 = arith.cmpi eq, %select_n3A_320, %eq3A_407 : vector<16xi32>
      %and3A_409 = arith.andi %lt3A_287, %eq3A_408 : vector<16xi1>
      %all_reduce_population_count3A_410 = tpu.all_reduce %and3A_409 {dim = 0 : i64, kind = #tpu.reduction_kind<sum>} : vector<16xi1> -> vector<16xi32>
      %slice3A_411 = vector.extract_strided_slice %all_reduce_population_count3A_410 {offsets = [0], sizes = [1], strides = [1]} : vector<16xi32> to vector<1xi32>
      %squeeze3A_412 = vector.extract %slice3A_411[0] : i32 from vector<1xi32>
      %add3A_413 = arith.addi %while3A_274, %squeeze3A_412 : i32
      %eq3A_414 = arith.constant 12 : i32
      %eq3A_415 = vector.broadcast %eq3A_414 : i32 to vector<16xi32>
      %eq3A_416 = arith.cmpi eq, %select_n3A_320, %eq3A_415 : vector<16xi32>
      %and3A_417 = arith.andi %lt3A_287, %eq3A_416 : vector<16xi1>
      %all_reduce_population_count3A_418 = tpu.all_reduce %and3A_417 {dim = 0 : i64, kind = #tpu.reduction_kind<sum>} : vector<16xi1> -> vector<16xi32>
      %slice3A_419 = vector.extract_strided_slice %all_reduce_population_count3A_418 {offsets = [0], sizes = [1], strides = [1]} : vector<16xi32> to vector<1xi32>
      %squeeze3A_420 = vector.extract %slice3A_419[0] : i32 from vector<1xi32>
      %add3A_421 = arith.addi %while3A_275, %squeeze3A_420 : i32
      %eq3A_422 = arith.constant 13 : i32
      %eq3A_423 = vector.broadcast %eq3A_422 : i32 to vector<16xi32>
      %eq3A_424 = arith.cmpi eq, %select_n3A_320, %eq3A_423 : vector<16xi32>
      %and3A_425 = arith.andi %lt3A_287, %eq3A_424 : vector<16xi1>
      %all_reduce_population_count3A_426 = tpu.all_reduce %and3A_425 {dim = 0 : i64, kind = #tpu.reduction_kind<sum>} : vector<16xi1> -> vector<16xi32>
      %slice3A_427 = vector.extract_strided_slice %all_reduce_population_count3A_426 {offsets = [0], sizes = [1], strides = [1]} : vector<16xi32> to vector<1xi32>
      %squeeze3A_428 = vector.extract %slice3A_427[0] : i32 from vector<1xi32>
      %add3A_429 = arith.addi %while3A_276, %squeeze3A_428 : i32
      %eq3A_430 = arith.constant 14 : i32
      %eq3A_431 = vector.broadcast %eq3A_430 : i32 to vector<16xi32>
      %eq3A_432 = arith.cmpi eq, %select_n3A_320, %eq3A_431 : vector<16xi32>
      %and3A_433 = arith.andi %lt3A_287, %eq3A_432 : vector<16xi1>
      %all_reduce_population_count3A_434 = tpu.all_reduce %and3A_433 {dim = 0 : i64, kind = #tpu.reduction_kind<sum>} : vector<16xi1> -> vector<16xi32>
      %slice3A_435 = vector.extract_strided_slice %all_reduce_population_count3A_434 {offsets = [0], sizes = [1], strides = [1]} : vector<16xi32> to vector<1xi32>
      %squeeze3A_436 = vector.extract %slice3A_435[0] : i32 from vector<1xi32>
      %add3A_437 = arith.addi %while3A_277, %squeeze3A_436 : i32
      %eq3A_438 = arith.constant 15 : i32
      %eq3A_439 = vector.broadcast %eq3A_438 : i32 to vector<16xi32>
      %eq3A_440 = arith.cmpi eq, %select_n3A_320, %eq3A_439 : vector<16xi32>
      %and3A_441 = arith.andi %lt3A_287, %eq3A_440 : vector<16xi1>
      %all_reduce_population_count3A_442 = tpu.all_reduce %and3A_441 {dim = 0 : i64, kind = #tpu.reduction_kind<sum>} : vector<16xi1> -> vector<16xi32>
      %slice3A_443 = vector.extract_strided_slice %all_reduce_population_count3A_442 {offsets = [0], sizes = [1], strides = [1]} : vector<16xi32> to vector<1xi32>
      %squeeze3A_444 = vector.extract %slice3A_443[0] : i32 from vector<1xi32>
      %add3A_445 = arith.addi %while3A_278, %squeeze3A_444 : i32
      scf.yield %add3A_325, %add3A_333, %add3A_341, %add3A_349, %add3A_357, %add3A_365, %add3A_373, %add3A_381, %add3A_389, %add3A_397, %add3A_405, %add3A_413, %add3A_421, %add3A_429, %add3A_437, %add3A_445 : i32, i32, i32, i32, i32, i32, i32, i32, i32, i32, i32, i32, i32, i32, i32, i32
    }
    %broadcast_in_dim3A_108 = arith.constant 0 : i32
    %broadcast_in_dim3A_109 = vector.broadcast %broadcast_in_dim3A_108 : i32 to vector<16xi32>
    %broadcast_in_dim3A_110 = arith.constant 0 : i32
    %broadcast_in_dim3A_111 = vector.broadcast %broadcast_in_dim3A_110 : i32 to vector<16xi32>
    tpu.vector_store_idx %arg8[%broadcast_in_dim3A_109], %broadcast_in_dim3A_111 masked %eq3A_8 : memref<48xi32, #tpu.memory_space<vmem>>[vector<16xi32>], vector<16xi32>, vector<16xi1>
    %broadcast_in_dim3A_112 = arith.constant 16 : i32
    %broadcast_in_dim3A_113 = vector.broadcast %broadcast_in_dim3A_112 : i32 to vector<16xi32>
    %broadcast_in_dim3A_114 = vector.broadcast %while3A_107#0 : i32 to vector<16xi32>
    tpu.vector_store_idx %arg8[%broadcast_in_dim3A_113], %broadcast_in_dim3A_114 masked %eq3A_8 : memref<48xi32, #tpu.memory_space<vmem>>[vector<16xi32>], vector<16xi32>, vector<16xi1>
    %add3A_115 = arith.constant 0 : i32
    %add3A_116 = arith.addi %add3A_115, %while3A_107#0 : i32
    %broadcast_in_dim3A_117 = arith.constant 1 : i32
    %broadcast_in_dim3A_118 = vector.broadcast %broadcast_in_dim3A_117 : i32 to vector<16xi32>
    %broadcast_in_dim3A_119 = vector.broadcast %add3A_116 : i32 to vector<16xi32>
    tpu.vector_store_idx %arg8[%broadcast_in_dim3A_118], %broadcast_in_dim3A_119 masked %eq3A_8 : memref<48xi32, #tpu.memory_space<vmem>>[vector<16xi32>], vector<16xi32>, vector<16xi1>
    %broadcast_in_dim3A_120 = arith.constant 17 : i32
    %broadcast_in_dim3A_121 = vector.broadcast %broadcast_in_dim3A_120 : i32 to vector<16xi32>
    %broadcast_in_dim3A_122 = vector.broadcast %while3A_107#1 : i32 to vector<16xi32>
    tpu.vector_store_idx %arg8[%broadcast_in_dim3A_121], %broadcast_in_dim3A_122 masked %eq3A_8 : memref<48xi32, #tpu.memory_space<vmem>>[vector<16xi32>], vector<16xi32>, vector<16xi1>
    %add3A_123 = arith.addi %add3A_116, %while3A_107#1 : i32
    %broadcast_in_dim3A_124 = arith.constant 2 : i32
    %broadcast_in_dim3A_125 = vector.broadcast %broadcast_in_dim3A_124 : i32 to vector<16xi32>
    %broadcast_in_dim3A_126 = vector.broadcast %add3A_123 : i32 to vector<16xi32>
    tpu.vector_store_idx %arg8[%broadcast_in_dim3A_125], %broadcast_in_dim3A_126 masked %eq3A_8 : memref<48xi32, #tpu.memory_space<vmem>>[vector<16xi32>], vector<16xi32>, vector<16xi1>
    %broadcast_in_dim3A_127 = arith.constant 18 : i32
    %broadcast_in_dim3A_128 = vector.broadcast %broadcast_in_dim3A_127 : i32 to vector<16xi32>
    %broadcast_in_dim3A_129 = vector.broadcast %while3A_107#2 : i32 to vector<16xi32>
    tpu.vector_store_idx %arg8[%broadcast_in_dim3A_128], %broadcast_in_dim3A_129 masked %eq3A_8 : memref<48xi32, #tpu.memory_space<vmem>>[vector<16xi32>], vector<16xi32>, vector<16xi1>
    %add3A_130 = arith.addi %add3A_123, %while3A_107#2 : i32
    %broadcast_in_dim3A_131 = arith.constant 3 : i32
    %broadcast_in_dim3A_132 = vector.broadcast %broadcast_in_dim3A_131 : i32 to vector<16xi32>
    %broadcast_in_dim3A_133 = vector.broadcast %add3A_130 : i32 to vector<16xi32>
    tpu.vector_store_idx %arg8[%broadcast_in_dim3A_132], %broadcast_in_dim3A_133 masked %eq3A_8 : memref<48xi32, #tpu.memory_space<vmem>>[vector<16xi32>], vector<16xi32>, vector<16xi1>
    %broadcast_in_dim3A_134 = arith.constant 19 : i32
    %broadcast_in_dim3A_135 = vector.broadcast %broadcast_in_dim3A_134 : i32 to vector<16xi32>
    %broadcast_in_dim3A_136 = vector.broadcast %while3A_107#3 : i32 to vector<16xi32>
    tpu.vector_store_idx %arg8[%broadcast_in_dim3A_135], %broadcast_in_dim3A_136 masked %eq3A_8 : memref<48xi32, #tpu.memory_space<vmem>>[vector<16xi32>], vector<16xi32>, vector<16xi1>
    %add3A_137 = arith.addi %add3A_130, %while3A_107#3 : i32
    %broadcast_in_dim3A_138 = arith.constant 4 : i32
    %broadcast_in_dim3A_139 = vector.broadcast %broadcast_in_dim3A_138 : i32 to vector<16xi32>
    %broadcast_in_dim3A_140 = vector.broadcast %add3A_137 : i32 to vector<16xi32>
    tpu.vector_store_idx %arg8[%broadcast_in_dim3A_139], %broadcast_in_dim3A_140 masked %eq3A_8 : memref<48xi32, #tpu.memory_space<vmem>>[vector<16xi32>], vector<16xi32>, vector<16xi1>
    %broadcast_in_dim3A_141 = arith.constant 20 : i32
    %broadcast_in_dim3A_142 = vector.broadcast %broadcast_in_dim3A_141 : i32 to vector<16xi32>
    %broadcast_in_dim3A_143 = vector.broadcast %while3A_107#4 : i32 to vector<16xi32>
    tpu.vector_store_idx %arg8[%broadcast_in_dim3A_142], %broadcast_in_dim3A_143 masked %eq3A_8 : memref<48xi32, #tpu.memory_space<vmem>>[vector<16xi32>], vector<16xi32>, vector<16xi1>
    %add3A_144 = arith.addi %add3A_137, %while3A_107#4 : i32
    %broadcast_in_dim3A_145 = arith.constant 5 : i32
    %broadcast_in_dim3A_146 = vector.broadcast %broadcast_in_dim3A_145 : i32 to vector<16xi32>
    %broadcast_in_dim3A_147 = vector.broadcast %add3A_144 : i32 to vector<16xi32>
    tpu.vector_store_idx %arg8[%broadcast_in_dim3A_146], %broadcast_in_dim3A_147 masked %eq3A_8 : memref<48xi32, #tpu.memory_space<vmem>>[vector<16xi32>], vector<16xi32>, vector<16xi1>
    %broadcast_in_dim3A_148 = arith.constant 21 : i32
    %broadcast_in_dim3A_149 = vector.broadcast %broadcast_in_dim3A_148 : i32 to vector<16xi32>
    %broadcast_in_dim3A_150 = vector.broadcast %while3A_107#5 : i32 to vector<16xi32>
    tpu.vector_store_idx %arg8[%broadcast_in_dim3A_149], %broadcast_in_dim3A_150 masked %eq3A_8 : memref<48xi32, #tpu.memory_space<vmem>>[vector<16xi32>], vector<16xi32>, vector<16xi1>
    %add3A_151 = arith.addi %add3A_144, %while3A_107#5 : i32
    %broadcast_in_dim3A_152 = arith.constant 6 : i32
    %broadcast_in_dim3A_153 = vector.broadcast %broadcast_in_dim3A_152 : i32 to vector<16xi32>
    %broadcast_in_dim3A_154 = vector.broadcast %add3A_151 : i32 to vector<16xi32>
    tpu.vector_store_idx %arg8[%broadcast_in_dim3A_153], %broadcast_in_dim3A_154 masked %eq3A_8 : memref<48xi32, #tpu.memory_space<vmem>>[vector<16xi32>], vector<16xi32>, vector<16xi1>
    %broadcast_in_dim3A_155 = arith.constant 22 : i32
    %broadcast_in_dim3A_156 = vector.broadcast %broadcast_in_dim3A_155 : i32 to vector<16xi32>
    %broadcast_in_dim3A_157 = vector.broadcast %while3A_107#6 : i32 to vector<16xi32>
    tpu.vector_store_idx %arg8[%broadcast_in_dim3A_156], %broadcast_in_dim3A_157 masked %eq3A_8 : memref<48xi32, #tpu.memory_space<vmem>>[vector<16xi32>], vector<16xi32>, vector<16xi1>
    %add3A_158 = arith.addi %add3A_151, %while3A_107#6 : i32
    %broadcast_in_dim3A_159 = arith.constant 7 : i32
    %broadcast_in_dim3A_160 = vector.broadcast %broadcast_in_dim3A_159 : i32 to vector<16xi32>
    %broadcast_in_dim3A_161 = vector.broadcast %add3A_158 : i32 to vector<16xi32>
    tpu.vector_store_idx %arg8[%broadcast_in_dim3A_160], %broadcast_in_dim3A_161 masked %eq3A_8 : memref<48xi32, #tpu.memory_space<vmem>>[vector<16xi32>], vector<16xi32>, vector<16xi1>
    %broadcast_in_dim3A_162 = arith.constant 23 : i32
    %broadcast_in_dim3A_163 = vector.broadcast %broadcast_in_dim3A_162 : i32 to vector<16xi32>
    %broadcast_in_dim3A_164 = vector.broadcast %while3A_107#7 : i32 to vector<16xi32>
    tpu.vector_store_idx %arg8[%broadcast_in_dim3A_163], %broadcast_in_dim3A_164 masked %eq3A_8 : memref<48xi32, #tpu.memory_space<vmem>>[vector<16xi32>], vector<16xi32>, vector<16xi1>
    %add3A_165 = arith.addi %add3A_158, %while3A_107#7 : i32
    %broadcast_in_dim3A_166 = arith.constant 8 : i32
    %broadcast_in_dim3A_167 = vector.broadcast %broadcast_in_dim3A_166 : i32 to vector<16xi32>
    %broadcast_in_dim3A_168 = vector.broadcast %add3A_165 : i32 to vector<16xi32>
    tpu.vector_store_idx %arg8[%broadcast_in_dim3A_167], %broadcast_in_dim3A_168 masked %eq3A_8 : memref<48xi32, #tpu.memory_space<vmem>>[vector<16xi32>], vector<16xi32>, vector<16xi1>
    %broadcast_in_dim3A_169 = arith.constant 24 : i32
    %broadcast_in_dim3A_170 = vector.broadcast %broadcast_in_dim3A_169 : i32 to vector<16xi32>
    %broadcast_in_dim3A_171 = vector.broadcast %while3A_107#8 : i32 to vector<16xi32>
    tpu.vector_store_idx %arg8[%broadcast_in_dim3A_170], %broadcast_in_dim3A_171 masked %eq3A_8 : memref<48xi32, #tpu.memory_space<vmem>>[vector<16xi32>], vector<16xi32>, vector<16xi1>
    %add3A_172 = arith.addi %add3A_165, %while3A_107#8 : i32
    %broadcast_in_dim3A_173 = arith.constant 9 : i32
    %broadcast_in_dim3A_174 = vector.broadcast %broadcast_in_dim3A_173 : i32 to vector<16xi32>
    %broadcast_in_dim3A_175 = vector.broadcast %add3A_172 : i32 to vector<16xi32>
    tpu.vector_store_idx %arg8[%broadcast_in_dim3A_174], %broadcast_in_dim3A_175 masked %eq3A_8 : memref<48xi32, #tpu.memory_space<vmem>>[vector<16xi32>], vector<16xi32>, vector<16xi1>
    %broadcast_in_dim3A_176 = arith.constant 25 : i32
    %broadcast_in_dim3A_177 = vector.broadcast %broadcast_in_dim3A_176 : i32 to vector<16xi32>
    %broadcast_in_dim3A_178 = vector.broadcast %while3A_107#9 : i32 to vector<16xi32>
    tpu.vector_store_idx %arg8[%broadcast_in_dim3A_177], %broadcast_in_dim3A_178 masked %eq3A_8 : memref<48xi32, #tpu.memory_space<vmem>>[vector<16xi32>], vector<16xi32>, vector<16xi1>
    %add3A_179 = arith.addi %add3A_172, %while3A_107#9 : i32
    %broadcast_in_dim3A_180 = arith.constant 10 : i32
    %broadcast_in_dim3A_181 = vector.broadcast %broadcast_in_dim3A_180 : i32 to vector<16xi32>
    %broadcast_in_dim3A_182 = vector.broadcast %add3A_179 : i32 to vector<16xi32>
    tpu.vector_store_idx %arg8[%broadcast_in_dim3A_181], %broadcast_in_dim3A_182 masked %eq3A_8 : memref<48xi32, #tpu.memory_space<vmem>>[vector<16xi32>], vector<16xi32>, vector<16xi1>
    %broadcast_in_dim3A_183 = arith.constant 26 : i32
    %broadcast_in_dim3A_184 = vector.broadcast %broadcast_in_dim3A_183 : i32 to vector<16xi32>
    %broadcast_in_dim3A_185 = vector.broadcast %while3A_107#10 : i32 to vector<16xi32>
    tpu.vector_store_idx %arg8[%broadcast_in_dim3A_184], %broadcast_in_dim3A_185 masked %eq3A_8 : memref<48xi32, #tpu.memory_space<vmem>>[vector<16xi32>], vector<16xi32>, vector<16xi1>
    %add3A_186 = arith.addi %add3A_179, %while3A_107#10 : i32
    %broadcast_in_dim3A_187 = arith.constant 11 : i32
    %broadcast_in_dim3A_188 = vector.broadcast %broadcast_in_dim3A_187 : i32 to vector<16xi32>
    %broadcast_in_dim3A_189 = vector.broadcast %add3A_186 : i32 to vector<16xi32>
    tpu.vector_store_idx %arg8[%broadcast_in_dim3A_188], %broadcast_in_dim3A_189 masked %eq3A_8 : memref<48xi32, #tpu.memory_space<vmem>>[vector<16xi32>], vector<16xi32>, vector<16xi1>
    %broadcast_in_dim3A_190 = arith.constant 27 : i32
    %broadcast_in_dim3A_191 = vector.broadcast %broadcast_in_dim3A_190 : i32 to vector<16xi32>
    %broadcast_in_dim3A_192 = vector.broadcast %while3A_107#11 : i32 to vector<16xi32>
    tpu.vector_store_idx %arg8[%broadcast_in_dim3A_191], %broadcast_in_dim3A_192 masked %eq3A_8 : memref<48xi32, #tpu.memory_space<vmem>>[vector<16xi32>], vector<16xi32>, vector<16xi1>
    %add3A_193 = arith.addi %add3A_186, %while3A_107#11 : i32
    %broadcast_in_dim3A_194 = arith.constant 12 : i32
    %broadcast_in_dim3A_195 = vector.broadcast %broadcast_in_dim3A_194 : i32 to vector<16xi32>
    %broadcast_in_dim3A_196 = vector.broadcast %add3A_193 : i32 to vector<16xi32>
    tpu.vector_store_idx %arg8[%broadcast_in_dim3A_195], %broadcast_in_dim3A_196 masked %eq3A_8 : memref<48xi32, #tpu.memory_space<vmem>>[vector<16xi32>], vector<16xi32>, vector<16xi1>
    %broadcast_in_dim3A_197 = arith.constant 28 : i32
    %broadcast_in_dim3A_198 = vector.broadcast %broadcast_in_dim3A_197 : i32 to vector<16xi32>
    %broadcast_in_dim3A_199 = vector.broadcast %while3A_107#12 : i32 to vector<16xi32>
    tpu.vector_store_idx %arg8[%broadcast_in_dim3A_198], %broadcast_in_dim3A_199 masked %eq3A_8 : memref<48xi32, #tpu.memory_space<vmem>>[vector<16xi32>], vector<16xi32>, vector<16xi1>
    %add3A_200 = arith.addi %add3A_193, %while3A_107#12 : i32
    %broadcast_in_dim3A_201 = arith.constant 13 : i32
    %broadcast_in_dim3A_202 = vector.broadcast %broadcast_in_dim3A_201 : i32 to vector<16xi32>
    %broadcast_in_dim3A_203 = vector.broadcast %add3A_200 : i32 to vector<16xi32>
    tpu.vector_store_idx %arg8[%broadcast_in_dim3A_202], %broadcast_in_dim3A_203 masked %eq3A_8 : memref<48xi32, #tpu.memory_space<vmem>>[vector<16xi32>], vector<16xi32>, vector<16xi1>
    %broadcast_in_dim3A_204 = arith.constant 29 : i32
    %broadcast_in_dim3A_205 = vector.broadcast %broadcast_in_dim3A_204 : i32 to vector<16xi32>
    %broadcast_in_dim3A_206 = vector.broadcast %while3A_107#13 : i32 to vector<16xi32>
    tpu.vector_store_idx %arg8[%broadcast_in_dim3A_205], %broadcast_in_dim3A_206 masked %eq3A_8 : memref<48xi32, #tpu.memory_space<vmem>>[vector<16xi32>], vector<16xi32>, vector<16xi1>
    %add3A_207 = arith.addi %add3A_200, %while3A_107#13 : i32
    %broadcast_in_dim3A_208 = arith.constant 14 : i32
    %broadcast_in_dim3A_209 = vector.broadcast %broadcast_in_dim3A_208 : i32 to vector<16xi32>
    %broadcast_in_dim3A_210 = vector.broadcast %add3A_207 : i32 to vector<16xi32>
    tpu.vector_store_idx %arg8[%broadcast_in_dim3A_209], %broadcast_in_dim3A_210 masked %eq3A_8 : memref<48xi32, #tpu.memory_space<vmem>>[vector<16xi32>], vector<16xi32>, vector<16xi1>
    %broadcast_in_dim3A_211 = arith.constant 30 : i32
    %broadcast_in_dim3A_212 = vector.broadcast %broadcast_in_dim3A_211 : i32 to vector<16xi32>
    %broadcast_in_dim3A_213 = vector.broadcast %while3A_107#14 : i32 to vector<16xi32>
    tpu.vector_store_idx %arg8[%broadcast_in_dim3A_212], %broadcast_in_dim3A_213 masked %eq3A_8 : memref<48xi32, #tpu.memory_space<vmem>>[vector<16xi32>], vector<16xi32>, vector<16xi1>
    %add3A_214 = arith.addi %add3A_207, %while3A_107#14 : i32
    %broadcast_in_dim3A_215 = arith.constant 15 : i32
    %broadcast_in_dim3A_216 = vector.broadcast %broadcast_in_dim3A_215 : i32 to vector<16xi32>
    %broadcast_in_dim3A_217 = vector.broadcast %add3A_214 : i32 to vector<16xi32>
    tpu.vector_store_idx %arg8[%broadcast_in_dim3A_216], %broadcast_in_dim3A_217 masked %eq3A_8 : memref<48xi32, #tpu.memory_space<vmem>>[vector<16xi32>], vector<16xi32>, vector<16xi1>
    %broadcast_in_dim3A_218 = arith.constant 31 : i32
    %broadcast_in_dim3A_219 = vector.broadcast %broadcast_in_dim3A_218 : i32 to vector<16xi32>
    %broadcast_in_dim3A_220 = vector.broadcast %while3A_107#15 : i32 to vector<16xi32>
    tpu.vector_store_idx %arg8[%broadcast_in_dim3A_219], %broadcast_in_dim3A_220 masked %eq3A_8 : memref<48xi32, #tpu.memory_space<vmem>>[vector<16xi32>], vector<16xi32>, vector<16xi1>
    %add3A_221 = arith.addi %add3A_214, %while3A_107#15 : i32
    %add3A_222 = arith.constant 0 : i32
    %add3A_223 = arith.addi %add3A_222, %while3A_107#0 : i32
    %add3A_224 = arith.addi %add3A_223, %while3A_107#1 : i32
    %add3A_225 = arith.addi %add3A_224, %while3A_107#2 : i32
    %add3A_226 = arith.addi %add3A_225, %while3A_107#3 : i32
    %add3A_227 = arith.addi %add3A_226, %while3A_107#4 : i32
    %add3A_228 = arith.addi %add3A_227, %while3A_107#5 : i32
    %add3A_229 = arith.addi %add3A_228, %while3A_107#6 : i32
    %add3A_230 = arith.addi %add3A_229, %while3A_107#7 : i32
    %add3A_231 = arith.addi %add3A_230, %while3A_107#8 : i32
    %add3A_232 = arith.addi %add3A_231, %while3A_107#9 : i32
    %add3A_233 = arith.addi %add3A_232, %while3A_107#10 : i32
    %add3A_234 = arith.addi %add3A_233, %while3A_107#11 : i32
    %add3A_235 = arith.addi %add3A_234, %while3A_107#12 : i32
    %add3A_236 = arith.addi %add3A_235, %while3A_107#13 : i32
    %add3A_237 = arith.addi %add3A_236, %while3A_107#14 : i32
    %add3A_238 = arith.addi %add3A_237, %while3A_107#15 : i32
    %while3A_239 = arith.constant 0 : i32
    %while3A_240 = arith.constant 0 : i32
    %while3A_241 = arith.subi %select_n3A, %while3A_239 : i32
    %while3A_242 = arith.addi %while3A_239, %while3A_241 : i32
    %while3A_243 = arith.constant 1 : i32
    %while3A_244 = arith.divsi %while3A_241, %while3A_243 : i32
    %while3A_245 = arith.muli %while3A_244, %while3A_243 : i32
    %while3A_246 = arith.addi %while3A_239, %while3A_245 : i32
    %while3A_247 = arith.constant 1 : i32
    %while3A_248:16 = scf.for %while3A_262 = %while3A_239 to %while3A_246 step %while3A_247 iter_args(%while3A_263 = %while3A_240, %while3A_264 = %add3A_223, %while3A_265 = %add3A_224, %while3A_266 = %add3A_225, %while3A_267 = %add3A_226, %while3A_268 = %add3A_227, %while3A_269 = %add3A_228, %while3A_270 = %add3A_229, %while3A_271 = %add3A_230, %while3A_272 = %add3A_231, %while3A_273 = %add3A_232, %while3A_274 = %add3A_233, %while3A_275 = %add3A_234, %while3A_276 = %add3A_235, %while3A_277 = %add3A_236, %while3A_278 = %add3A_237) -> (i32, i32, i32, i32, i32, i32, i32, i32, i32, i32, i32, i32, i32, i32, i32, i32)  : i32 {
      %mul3A_279 = arith.constant 16 : i32
      %mul3A_280 = arith.muli %while3A_262, %mul3A_279 : i32
      %get3A = arith.index_cast %mul3A_280 : i32 to index
      %get3A_281 = tpu.vector_load %arg6[%get3A] {strides = array<i32>} : memref<16400xi32, #tpu.memory_space<vmem>>, vector<16xi32>,
      %mul3A_282 = arith.constant 16 : i32
      %mul3A_283 = arith.muli %while3A_262, %mul3A_282 : i32
      %broadcast_in_dim3A_284 = vector.broadcast %mul3A_283 : i32 to vector<16xi32>
      %add3A_285 = arith.addi %broadcast_in_dim3A_284, %iota3A : vector<16xi32>
      %lt3A_286 = vector.broadcast %scan3A_59 : i32 to vector<16xi32>
      %lt3A_287 = arith.cmpi slt, %add3A_285, %lt3A_286 : vector<16xi32>
      %shift_right_logical3A = arith.constant 21 : i32
      %shift_right_logical3A_288 = vector.broadcast %shift_right_logical3A : i32 to vector<16xi32>
      %shift_right_logical3A_289 = arith.shrui %get3A_281, %shift_right_logical3A_288 : vector<16xi32>
      %jit3A_290 = arith.constant 16 : i32
      %div3A_291 = vector.broadcast %jit3A_290 : i32 to vector<16xi32>
      %div3A_292 = arith.divsi %shift_right_logical3A_289, %div3A_291 : vector<16xi32>
      %sign3A_293 = arith.constant 0 : i32
      %sign3A_294 = vector.broadcast %sign3A_293 : i32 to vector<16xi32>
      %sign3A_295 = arith.cmpi sgt, %shift_right_logical3A_289, %sign3A_294 : vector<16xi32>
      %sign3A_296 = arith.extui %sign3A_295 : vector<16xi1> to vector<16xi32>
      %sign3A_297 = arith.constant 0 : i32
      %sign3A_298 = vector.broadcast %sign3A_297 : i32 to vector<16xi32>
      %sign3A_299 = arith.cmpi slt, %shift_right_logical3A_289, %sign3A_298 : vector<16xi32>
      %sign3A_300 = arith.extui %sign3A_299 : vector<16xi1> to vector<16xi32>
      %sign3A_301 = arith.subi %sign3A_296, %sign3A_300 : vector<16xi32>
      %sign3A_302 = arith.constant 0 : i32
      %sign3A_303 = arith.cmpi sgt, %jit3A_290, %sign3A_302 : i32
      %sign3A_304 = arith.extui %sign3A_303 : i1 to i32
      %sign3A_305 = arith.constant 0 : i32
      %sign3A_306 = arith.cmpi slt, %jit3A_290, %sign3A_305 : i32
      %sign3A_307 = arith.extui %sign3A_306 : i1 to i32
      %sign3A_308 = arith.subi %sign3A_304, %sign3A_307 : i32
      %ne3A_309 = vector.broadcast %sign3A_308 : i32 to vector<16xi32>
      %ne3A_310 = arith.cmpi ne, %sign3A_301, %ne3A_309 : vector<16xi32>
      %rem3A_311 = vector.broadcast %jit3A_290 : i32 to vector<16xi32>
      %rem3A_312 = arith.remsi %shift_right_logical3A_289, %rem3A_311 : vector<16xi32>
      %ne3A_313 = arith.constant 0 : i32
      %ne3A_314 = vector.broadcast %ne3A_313 : i32 to vector<16xi32>
      %ne3A_315 = arith.cmpi ne, %rem3A_312, %ne3A_314 : vector<16xi32>
      %and3A_316 = arith.andi %ne3A_310, %ne3A_315 : vector<16xi1>
      %sub3A_317 = arith.constant 1 : i32
      %sub3A_318 = vector.broadcast %sub3A_317 : i32 to vector<16xi32>
      %sub3A_319 = arith.subi %div3A_292, %sub3A_318 : vector<16xi32>
      %select_n3A_320 = arith.select %and3A_316, %sub3A_319, %div3A_292 : vector<16xi1>, vector<16xi32>
      %eq3A_321 = arith.constant 0 : i32
      %eq3A_322 = vector.broadcast %eq3A_321 : i32 to vector<16xi32>
      %eq3A_323 = arith.cmpi eq, %select_n3A_320, %eq3A_322 : vector<16xi32>
      %and3A_324 = arith.andi %lt3A_287, %eq3A_323 : vector<16xi1>
      %swap3A_325 = arith.index_cast %while3A_263 : i32 to index
      %swap3A_326 = tpu.vector_load %arg7[%swap3A_325] masked %and3A_324 {strides = array<i32>} : memref<16400xi32, #tpu.memory_space<vmem>>, vector<16xi32>, vector<16xi1>
      tpu.vector_store %arg7[%swap3A_325], %get3A_281 masked %and3A_324 {strides = array<i32>} : memref<16400xi32, #tpu.memory_space<vmem>>, vector<16xi32>, vector<16xi1>
      %all_reduce_population_count3A = tpu.all_reduce %and3A_324 {dim = 0 : i64, kind = #tpu.reduction_kind<sum>} : vector<16xi1> -> vector<16xi32>
      %slice3A = vector.extract_strided_slice %all_reduce_population_count3A {offsets = [0], sizes = [1], strides = [1]} : vector<16xi32> to vector<1xi32>
      %squeeze3A = vector.extract %slice3A[0] : i32 from vector<1xi32>
      %add3A_327 = arith.addi %while3A_263, %squeeze3A : i32
      %eq3A_328 = arith.constant 1 : i32
      %eq3A_329 = vector.broadcast %eq3A_328 : i32 to vector<16xi32>
      %eq3A_330 = arith.cmpi eq, %select_n3A_320, %eq3A_329 : vector<16xi32>
      %and3A_331 = arith.andi %lt3A_287, %eq3A_330 : vector<16xi1>
      %swap3A_332 = arith.index_cast %while3A_264 : i32 to index
      %swap3A_333 = tpu.vector_load %arg7[%swap3A_332] masked %and3A_331 {strides = array<i32>} : memref<16400xi32, #tpu.memory_space<vmem>>, vector<16xi32>, vector<16xi1>
      tpu.vector_store %arg7[%swap3A_332], %get3A_281 masked %and3A_331 {strides = array<i32>} : memref<16400xi32, #tpu.memory_space<vmem>>, vector<16xi32>, vector<16xi1>
      %all_reduce_population_count3A_334 = tpu.all_reduce %and3A_331 {dim = 0 : i64, kind = #tpu.reduction_kind<sum>} : vector<16xi1> -> vector<16xi32>
      %slice3A_335 = vector.extract_strided_slice %all_reduce_population_count3A_334 {offsets = [0], sizes = [1], strides = [1]} : vector<16xi32> to vector<1xi32>
      %squeeze3A_336 = vector.extract %slice3A_335[0] : i32 from vector<1xi32>
      %add3A_337 = arith.addi %while3A_264, %squeeze3A_336 : i32
      %eq3A_338 = arith.constant 2 : i32
      %eq3A_339 = vector.broadcast %eq3A_338 : i32 to vector<16xi32>
      %eq3A_340 = arith.cmpi eq, %select_n3A_320, %eq3A_339 : vector<16xi32>
      %and3A_341 = arith.andi %lt3A_287, %eq3A_340 : vector<16xi1>
      %swap3A_342 = arith.index_cast %while3A_265 : i32 to index
      %swap3A_343 = tpu.vector_load %arg7[%swap3A_342] masked %and3A_341 {strides = array<i32>} : memref<16400xi32, #tpu.memory_space<vmem>>, vector<16xi32>, vector<16xi1>
      tpu.vector_store %arg7[%swap3A_342], %get3A_281 masked %and3A_341 {strides = array<i32>} : memref<16400xi32, #tpu.memory_space<vmem>>, vector<16xi32>, vector<16xi1>
      %all_reduce_population_count3A_344 = tpu.all_reduce %and3A_341 {dim = 0 : i64, kind = #tpu.reduction_kind<sum>} : vector<16xi1> -> vector<16xi32>
      %slice3A_345 = vector.extract_strided_slice %all_reduce_population_count3A_344 {offsets = [0], sizes = [1], strides = [1]} : vector<16xi32> to vector<1xi32>
      %squeeze3A_346 = vector.extract %slice3A_345[0] : i32 from vector<1xi32>
      %add3A_347 = arith.addi %while3A_265, %squeeze3A_346 : i32
      %eq3A_348 = arith.constant 3 : i32
      %eq3A_349 = vector.broadcast %eq3A_348 : i32 to vector<16xi32>
      %eq3A_350 = arith.cmpi eq, %select_n3A_320, %eq3A_349 : vector<16xi32>
      %and3A_351 = arith.andi %lt3A_287, %eq3A_350 : vector<16xi1>
      %swap3A_352 = arith.index_cast %while3A_266 : i32 to index
      %swap3A_353 = tpu.vector_load %arg7[%swap3A_352] masked %and3A_351 {strides = array<i32>} : memref<16400xi32, #tpu.memory_space<vmem>>, vector<16xi32>, vector<16xi1>
      tpu.vector_store %arg7[%swap3A_352], %get3A_281 masked %and3A_351 {strides = array<i32>} : memref<16400xi32, #tpu.memory_space<vmem>>, vector<16xi32>, vector<16xi1>
      %all_reduce_population_count3A_354 = tpu.all_reduce %and3A_351 {dim = 0 : i64, kind = #tpu.reduction_kind<sum>} : vector<16xi1> -> vector<16xi32>
      %slice3A_355 = vector.extract_strided_slice %all_reduce_population_count3A_354 {offsets = [0], sizes = [1], strides = [1]} : vector<16xi32> to vector<1xi32>
      %squeeze3A_356 = vector.extract %slice3A_355[0] : i32 from vector<1xi32>
      %add3A_357 = arith.addi %while3A_266, %squeeze3A_356 : i32
      %eq3A_358 = arith.constant 4 : i32
      %eq3A_359 = vector.broadcast %eq3A_358 : i32 to vector<16xi32>
      %eq3A_360 = arith.cmpi eq, %select_n3A_320, %eq3A_359 : vector<16xi32>
      %and3A_361 = arith.andi %lt3A_287, %eq3A_360 : vector<16xi1>
      %swap3A_362 = arith.index_cast %while3A_267 : i32 to index
      %swap3A_363 = tpu.vector_load %arg7[%swap3A_362] masked %and3A_361 {strides = array<i32>} : memref<16400xi32, #tpu.memory_space<vmem>>, vector<16xi32>, vector<16xi1>
      tpu.vector_store %arg7[%swap3A_362], %get3A_281 masked %and3A_361 {strides = array<i32>} : memref<16400xi32, #tpu.memory_space<vmem>>, vector<16xi32>, vector<16xi1>
      %all_reduce_population_count3A_364 = tpu.all_reduce %and3A_361 {dim = 0 : i64, kind = #tpu.reduction_kind<sum>} : vector<16xi1> -> vector<16xi32>
      %slice3A_365 = vector.extract_strided_slice %all_reduce_population_count3A_364 {offsets = [0], sizes = [1], strides = [1]} : vector<16xi32> to vector<1xi32>
      %squeeze3A_366 = vector.extract %slice3A_365[0] : i32 from vector<1xi32>
      %add3A_367 = arith.addi %while3A_267, %squeeze3A_366 : i32
      %eq3A_368 = arith.constant 5 : i32
      %eq3A_369 = vector.broadcast %eq3A_368 : i32 to vector<16xi32>
      %eq3A_370 = arith.cmpi eq, %select_n3A_320, %eq3A_369 : vector<16xi32>
      %and3A_371 = arith.andi %lt3A_287, %eq3A_370 : vector<16xi1>
      %swap3A_372 = arith.index_cast %while3A_268 : i32 to index
      %swap3A_373 = tpu.vector_load %arg7[%swap3A_372] masked %and3A_371 {strides = array<i32>} : memref<16400xi32, #tpu.memory_space<vmem>>, vector<16xi32>, vector<16xi1>
      tpu.vector_store %arg7[%swap3A_372], %get3A_281 masked %and3A_371 {strides = array<i32>} : memref<16400xi32, #tpu.memory_space<vmem>>, vector<16xi32>, vector<16xi1>
      %all_reduce_population_count3A_374 = tpu.all_reduce %and3A_371 {dim = 0 : i64, kind = #tpu.reduction_kind<sum>} : vector<16xi1> -> vector<16xi32>
      %slice3A_375 = vector.extract_strided_slice %all_reduce_population_count3A_374 {offsets = [0], sizes = [1], strides = [1]} : vector<16xi32> to vector<1xi32>
      %squeeze3A_376 = vector.extract %slice3A_375[0] : i32 from vector<1xi32>
      %add3A_377 = arith.addi %while3A_268, %squeeze3A_376 : i32
      %eq3A_378 = arith.constant 6 : i32
      %eq3A_379 = vector.broadcast %eq3A_378 : i32 to vector<16xi32>
      %eq3A_380 = arith.cmpi eq, %select_n3A_320, %eq3A_379 : vector<16xi32>
      %and3A_381 = arith.andi %lt3A_287, %eq3A_380 : vector<16xi1>
      %swap3A_382 = arith.index_cast %while3A_269 : i32 to index
      %swap3A_383 = tpu.vector_load %arg7[%swap3A_382] masked %and3A_381 {strides = array<i32>} : memref<16400xi32, #tpu.memory_space<vmem>>, vector<16xi32>, vector<16xi1>
      tpu.vector_store %arg7[%swap3A_382], %get3A_281 masked %and3A_381 {strides = array<i32>} : memref<16400xi32, #tpu.memory_space<vmem>>, vector<16xi32>, vector<16xi1>
      %all_reduce_population_count3A_384 = tpu.all_reduce %and3A_381 {dim = 0 : i64, kind = #tpu.reduction_kind<sum>} : vector<16xi1> -> vector<16xi32>
      %slice3A_385 = vector.extract_strided_slice %all_reduce_population_count3A_384 {offsets = [0], sizes = [1], strides = [1]} : vector<16xi32> to vector<1xi32>
      %squeeze3A_386 = vector.extract %slice3A_385[0] : i32 from vector<1xi32>
      %add3A_387 = arith.addi %while3A_269, %squeeze3A_386 : i32
      %eq3A_388 = arith.constant 7 : i32
      %eq3A_389 = vector.broadcast %eq3A_388 : i32 to vector<16xi32>
      %eq3A_390 = arith.cmpi eq, %select_n3A_320, %eq3A_389 : vector<16xi32>
      %and3A_391 = arith.andi %lt3A_287, %eq3A_390 : vector<16xi1>
      %swap3A_392 = arith.index_cast %while3A_270 : i32 to index
      %swap3A_393 = tpu.vector_load %arg7[%swap3A_392] masked %and3A_391 {strides = array<i32>} : memref<16400xi32, #tpu.memory_space<vmem>>, vector<16xi32>, vector<16xi1>
      tpu.vector_store %arg7[%swap3A_392], %get3A_281 masked %and3A_391 {strides = array<i32>} : memref<16400xi32, #tpu.memory_space<vmem>>, vector<16xi32>, vector<16xi1>
      %all_reduce_population_count3A_394 = tpu.all_reduce %and3A_391 {dim = 0 : i64, kind = #tpu.reduction_kind<sum>} : vector<16xi1> -> vector<16xi32>
      %slice3A_395 = vector.extract_strided_slice %all_reduce_population_count3A_394 {offsets = [0], sizes = [1], strides = [1]} : vector<16xi32> to vector<1xi32>
      %squeeze3A_396 = vector.extract %slice3A_395[0] : i32 from vector<1xi32>
      %add3A_397 = arith.addi %while3A_270, %squeeze3A_396 : i32
      %eq3A_398 = arith.constant 8 : i32
      %eq3A_399 = vector.broadcast %eq3A_398 : i32 to vector<16xi32>
      %eq3A_400 = arith.cmpi eq, %select_n3A_320, %eq3A_399 : vector<16xi32>
      %and3A_401 = arith.andi %lt3A_287, %eq3A_400 : vector<16xi1>
      %swap3A_402 = arith.index_cast %while3A_271 : i32 to index
      %swap3A_403 = tpu.vector_load %arg7[%swap3A_402] masked %and3A_401 {strides = array<i32>} : memref<16400xi32, #tpu.memory_space<vmem>>, vector<16xi32>, vector<16xi1>
      tpu.vector_store %arg7[%swap3A_402], %get3A_281 masked %and3A_401 {strides = array<i32>} : memref<16400xi32, #tpu.memory_space<vmem>>, vector<16xi32>, vector<16xi1>
      %all_reduce_population_count3A_404 = tpu.all_reduce %and3A_401 {dim = 0 : i64, kind = #tpu.reduction_kind<sum>} : vector<16xi1> -> vector<16xi32>
      %slice3A_405 = vector.extract_strided_slice %all_reduce_population_count3A_404 {offsets = [0], sizes = [1], strides = [1]} : vector<16xi32> to vector<1xi32>
      %squeeze3A_406 = vector.extract %slice3A_405[0] : i32 from vector<1xi32>
      %add3A_407 = arith.addi %while3A_271, %squeeze3A_406 : i32
      %eq3A_408 = arith.constant 9 : i32
      %eq3A_409 = vector.broadcast %eq3A_408 : i32 to vector<16xi32>
      %eq3A_410 = arith.cmpi eq, %select_n3A_320, %eq3A_409 : vector<16xi32>
      %and3A_411 = arith.andi %lt3A_287, %eq3A_410 : vector<16xi1>
      %swap3A_412 = arith.index_cast %while3A_272 : i32 to index
      %swap3A_413 = tpu.vector_load %arg7[%swap3A_412] masked %and3A_411 {strides = array<i32>} : memref<16400xi32, #tpu.memory_space<vmem>>, vector<16xi32>, vector<16xi1>
      tpu.vector_store %arg7[%swap3A_412], %get3A_281 masked %and3A_411 {strides = array<i32>} : memref<16400xi32, #tpu.memory_space<vmem>>, vector<16xi32>, vector<16xi1>
      %all_reduce_population_count3A_414 = tpu.all_reduce %and3A_411 {dim = 0 : i64, kind = #tpu.reduction_kind<sum>} : vector<16xi1> -> vector<16xi32>
      %slice3A_415 = vector.extract_strided_slice %all_reduce_population_count3A_414 {offsets = [0], sizes = [1], strides = [1]} : vector<16xi32> to vector<1xi32>
      %squeeze3A_416 = vector.extract %slice3A_415[0] : i32 from vector<1xi32>
      %add3A_417 = arith.addi %while3A_272, %squeeze3A_416 : i32
      %eq3A_418 = arith.constant 10 : i32
      %eq3A_419 = vector.broadcast %eq3A_418 : i32 to vector<16xi32>
      %eq3A_420 = arith.cmpi eq, %select_n3A_320, %eq3A_419 : vector<16xi32>
      %and3A_421 = arith.andi %lt3A_287, %eq3A_420 : vector<16xi1>
      %swap3A_422 = arith.index_cast %while3A_273 : i32 to index
      %swap3A_423 = tpu.vector_load %arg7[%swap3A_422] masked %and3A_421 {strides = array<i32>} : memref<16400xi32, #tpu.memory_space<vmem>>, vector<16xi32>, vector<16xi1>
      tpu.vector_store %arg7[%swap3A_422], %get3A_281 masked %and3A_421 {strides = array<i32>} : memref<16400xi32, #tpu.memory_space<vmem>>, vector<16xi32>, vector<16xi1>
      %all_reduce_population_count3A_424 = tpu.all_reduce %and3A_421 {dim = 0 : i64, kind = #tpu.reduction_kind<sum>} : vector<16xi1> -> vector<16xi32>
      %slice3A_425 = vector.extract_strided_slice %all_reduce_population_count3A_424 {offsets = [0], sizes = [1], strides = [1]} : vector<16xi32> to vector<1xi32>
      %squeeze3A_426 = vector.extract %slice3A_425[0] : i32 from vector<1xi32>
      %add3A_427 = arith.addi %while3A_273, %squeeze3A_426 : i32
      %eq3A_428 = arith.constant 11 : i32
      %eq3A_429 = vector.broadcast %eq3A_428 : i32 to vector<16xi32>
      %eq3A_430 = arith.cmpi eq, %select_n3A_320, %eq3A_429 : vector<16xi32>
      %and3A_431 = arith.andi %lt3A_287, %eq3A_430 : vector<16xi1>
      %swap3A_432 = arith.index_cast %while3A_274 : i32 to index
      %swap3A_433 = tpu.vector_load %arg7[%swap3A_432] masked %and3A_431 {strides = array<i32>} : memref<16400xi32, #tpu.memory_space<vmem>>, vector<16xi32>, vector<16xi1>
      tpu.vector_store %arg7[%swap3A_432], %get3A_281 masked %and3A_431 {strides = array<i32>} : memref<16400xi32, #tpu.memory_space<vmem>>, vector<16xi32>, vector<16xi1>
      %all_reduce_population_count3A_434 = tpu.all_reduce %and3A_431 {dim = 0 : i64, kind = #tpu.reduction_kind<sum>} : vector<16xi1> -> vector<16xi32>
      %slice3A_435 = vector.extract_strided_slice %all_reduce_population_count3A_434 {offsets = [0], sizes = [1], strides = [1]} : vector<16xi32> to vector<1xi32>
      %squeeze3A_436 = vector.extract %slice3A_435[0] : i32 from vector<1xi32>
      %add3A_437 = arith.addi %while3A_274, %squeeze3A_436 : i32
      %eq3A_438 = arith.constant 12 : i32
      %eq3A_439 = vector.broadcast %eq3A_438 : i32 to vector<16xi32>
      %eq3A_440 = arith.cmpi eq, %select_n3A_320, %eq3A_439 : vector<16xi32>
      %and3A_441 = arith.andi %lt3A_287, %eq3A_440 : vector<16xi1>
      %swap3A_442 = arith.index_cast %while3A_275 : i32 to index
      %swap3A_443 = tpu.vector_load %arg7[%swap3A_442] masked %and3A_441 {strides = array<i32>} : memref<16400xi32, #tpu.memory_space<vmem>>, vector<16xi32>, vector<16xi1>
      tpu.vector_store %arg7[%swap3A_442], %get3A_281 masked %and3A_441 {strides = array<i32>} : memref<16400xi32, #tpu.memory_space<vmem>>, vector<16xi32>, vector<16xi1>
      %all_reduce_population_count3A_444 = tpu.all_reduce %and3A_441 {dim = 0 : i64, kind = #tpu.reduction_kind<sum>} : vector<16xi1> -> vector<16xi32>
      %slice3A_445 = vector.extract_strided_slice %all_reduce_population_count3A_444 {offsets = [0], sizes = [1], strides = [1]} : vector<16xi32> to vector<1xi32>
      %squeeze3A_446 = vector.extract %slice3A_445[0] : i32 from vector<1xi32>
      %add3A_447 = arith.addi %while3A_275, %squeeze3A_446 : i32
      %eq3A_448 = arith.constant 13 : i32
      %eq3A_449 = vector.broadcast %eq3A_448 : i32 to vector<16xi32>
      %eq3A_450 = arith.cmpi eq, %select_n3A_320, %eq3A_449 : vector<16xi32>
      %and3A_451 = arith.andi %lt3A_287, %eq3A_450 : vector<16xi1>
      %swap3A_452 = arith.index_cast %while3A_276 : i32 to index
      %swap3A_453 = tpu.vector_load %arg7[%swap3A_452] masked %and3A_451 {strides = array<i32>} : memref<16400xi32, #tpu.memory_space<vmem>>, vector<16xi32>, vector<16xi1>
      tpu.vector_store %arg7[%swap3A_452], %get3A_281 masked %and3A_451 {strides = array<i32>} : memref<16400xi32, #tpu.memory_space<vmem>>, vector<16xi32>, vector<16xi1>
      %all_reduce_population_count3A_454 = tpu.all_reduce %and3A_451 {dim = 0 : i64, kind = #tpu.reduction_kind<sum>} : vector<16xi1> -> vector<16xi32>
      %slice3A_455 = vector.extract_strided_slice %all_reduce_population_count3A_454 {offsets = [0], sizes = [1], strides = [1]} : vector<16xi32> to vector<1xi32>
      %squeeze3A_456 = vector.extract %slice3A_455[0] : i32 from vector<1xi32>
      %add3A_457 = arith.addi %while3A_276, %squeeze3A_456 : i32
      %eq3A_458 = arith.constant 14 : i32
      %eq3A_459 = vector.broadcast %eq3A_458 : i32 to vector<16xi32>
      %eq3A_460 = arith.cmpi eq, %select_n3A_320, %eq3A_459 : vector<16xi32>
      %and3A_461 = arith.andi %lt3A_287, %eq3A_460 : vector<16xi1>
      %swap3A_462 = arith.index_cast %while3A_277 : i32 to index
      %swap3A_463 = tpu.vector_load %arg7[%swap3A_462] masked %and3A_461 {strides = array<i32>} : memref<16400xi32, #tpu.memory_space<vmem>>, vector<16xi32>, vector<16xi1>
      tpu.vector_store %arg7[%swap3A_462], %get3A_281 masked %and3A_461 {strides = array<i32>} : memref<16400xi32, #tpu.memory_space<vmem>>, vector<16xi32>, vector<16xi1>
      %all_reduce_population_count3A_464 = tpu.all_reduce %and3A_461 {dim = 0 : i64, kind = #tpu.reduction_kind<sum>} : vector<16xi1> -> vector<16xi32>
      %slice3A_465 = vector.extract_strided_slice %all_reduce_population_count3A_464 {offsets = [0], sizes = [1], strides = [1]} : vector<16xi32> to vector<1xi32>
      %squeeze3A_466 = vector.extract %slice3A_465[0] : i32 from vector<1xi32>
      %add3A_467 = arith.addi %while3A_277, %squeeze3A_466 : i32
      %eq3A_468 = arith.constant 15 : i32
      %eq3A_469 = vector.broadcast %eq3A_468 : i32 to vector<16xi32>
      %eq3A_470 = arith.cmpi eq, %select_n3A_320, %eq3A_469 : vector<16xi32>
      %and3A_471 = arith.andi %lt3A_287, %eq3A_470 : vector<16xi1>
      %swap3A_472 = arith.index_cast %while3A_278 : i32 to index
      %swap3A_473 = tpu.vector_load %arg7[%swap3A_472] masked %and3A_471 {strides = array<i32>} : memref<16400xi32, #tpu.memory_space<vmem>>, vector<16xi32>, vector<16xi1>
      tpu.vector_store %arg7[%swap3A_472], %get3A_281 masked %and3A_471 {strides = array<i32>} : memref<16400xi32, #tpu.memory_space<vmem>>, vector<16xi32>, vector<16xi1>
      %all_reduce_population_count3A_474 = tpu.all_reduce %and3A_471 {dim = 0 : i64, kind = #tpu.reduction_kind<sum>} : vector<16xi1> -> vector<16xi32>
      %slice3A_475 = vector.extract_strided_slice %all_reduce_population_count3A_474 {offsets = [0], sizes = [1], strides = [1]} : vector<16xi32> to vector<1xi32>
      %squeeze3A_476 = vector.extract %slice3A_475[0] : i32 from vector<1xi32>
      %add3A_477 = arith.addi %while3A_278, %squeeze3A_476 : i32
      scf.yield %add3A_327, %add3A_337, %add3A_347, %add3A_357, %add3A_367, %add3A_377, %add3A_387, %add3A_397, %add3A_407, %add3A_417, %add3A_427, %add3A_437, %add3A_447, %add3A_457, %add3A_467, %add3A_477 : i32, i32, i32, i32, i32, i32, i32, i32, i32, i32, i32, i32, i32, i32, i32, i32
    }
    %while3A_249 = arith.constant 1 : i32
    %while3A_250:16 = scf.for %while3A_262 = %while3A_246 to %while3A_242 step %while3A_249 iter_args(%while3A_263 = %while3A_248#0, %while3A_264 = %while3A_248#1, %while3A_265 = %while3A_248#2, %while3A_266 = %while3A_248#3, %while3A_267 = %while3A_248#4, %while3A_268 = %while3A_248#5, %while3A_269 = %while3A_248#6, %while3A_270 = %while3A_248#7, %while3A_271 = %while3A_248#8, %while3A_272 = %while3A_248#9, %while3A_273 = %while3A_248#10, %while3A_274 = %while3A_248#11, %while3A_275 = %while3A_248#12, %while3A_276 = %while3A_248#13, %while3A_277 = %while3A_248#14, %while3A_278 = %while3A_248#15) -> (i32, i32, i32, i32, i32, i32, i32, i32, i32, i32, i32, i32, i32, i32, i32, i32)  : i32 {
      %mul3A_279 = arith.constant 16 : i32
      %mul3A_280 = arith.muli %while3A_262, %mul3A_279 : i32
      %get3A = arith.index_cast %mul3A_280 : i32 to index
      %get3A_281 = tpu.vector_load %arg6[%get3A] {strides = array<i32>} : memref<16400xi32, #tpu.memory_space<vmem>>, vector<16xi32>,
      %mul3A_282 = arith.constant 16 : i32
      %mul3A_283 = arith.muli %while3A_262, %mul3A_282 : i32
      %broadcast_in_dim3A_284 = vector.broadcast %mul3A_283 : i32 to vector<16xi32>
      %add3A_285 = arith.addi %broadcast_in_dim3A_284, %iota3A : vector<16xi32>
      %lt3A_286 = vector.broadcast %scan3A_59 : i32 to vector<16xi32>
      %lt3A_287 = arith.cmpi slt, %add3A_285, %lt3A_286 : vector<16xi32>
      %shift_right_logical3A = arith.constant 21 : i32
      %shift_right_logical3A_288 = vector.broadcast %shift_right_logical3A : i32 to vector<16xi32>
      %shift_right_logical3A_289 = arith.shrui %get3A_281, %shift_right_logical3A_288 : vector<16xi32>
      %jit3A_290 = arith.constant 16 : i32
      %div3A_291 = vector.broadcast %jit3A_290 : i32 to vector<16xi32>
      %div3A_292 = arith.divsi %shift_right_logical3A_289, %div3A_291 : vector<16xi32>
      %sign3A_293 = arith.constant 0 : i32
      %sign3A_294 = vector.broadcast %sign3A_293 : i32 to vector<16xi32>
      %sign3A_295 = arith.cmpi sgt, %shift_right_logical3A_289, %sign3A_294 : vector<16xi32>
      %sign3A_296 = arith.extui %sign3A_295 : vector<16xi1> to vector<16xi32>
      %sign3A_297 = arith.constant 0 : i32
      %sign3A_298 = vector.broadcast %sign3A_297 : i32 to vector<16xi32>
      %sign3A_299 = arith.cmpi slt, %shift_right_logical3A_289, %sign3A_298 : vector<16xi32>
      %sign3A_300 = arith.extui %sign3A_299 : vector<16xi1> to vector<16xi32>
      %sign3A_301 = arith.subi %sign3A_296, %sign3A_300 : vector<16xi32>
      %sign3A_302 = arith.constant 0 : i32
      %sign3A_303 = arith.cmpi sgt, %jit3A_290, %sign3A_302 : i32
      %sign3A_304 = arith.extui %sign3A_303 : i1 to i32
      %sign3A_305 = arith.constant 0 : i32
      %sign3A_306 = arith.cmpi slt, %jit3A_290, %sign3A_305 : i32
      %sign3A_307 = arith.extui %sign3A_306 : i1 to i32
      %sign3A_308 = arith.subi %sign3A_304, %sign3A_307 : i32
      %ne3A_309 = vector.broadcast %sign3A_308 : i32 to vector<16xi32>
      %ne3A_310 = arith.cmpi ne, %sign3A_301, %ne3A_309 : vector<16xi32>
      %rem3A_311 = vector.broadcast %jit3A_290 : i32 to vector<16xi32>
      %rem3A_312 = arith.remsi %shift_right_logical3A_289, %rem3A_311 : vector<16xi32>
      %ne3A_313 = arith.constant 0 : i32
      %ne3A_314 = vector.broadcast %ne3A_313 : i32 to vector<16xi32>
      %ne3A_315 = arith.cmpi ne, %rem3A_312, %ne3A_314 : vector<16xi32>
      %and3A_316 = arith.andi %ne3A_310, %ne3A_315 : vector<16xi1>
      %sub3A_317 = arith.constant 1 : i32
      %sub3A_318 = vector.broadcast %sub3A_317 : i32 to vector<16xi32>
      %sub3A_319 = arith.subi %div3A_292, %sub3A_318 : vector<16xi32>
      %select_n3A_320 = arith.select %and3A_316, %sub3A_319, %div3A_292 : vector<16xi1>, vector<16xi32>
      %eq3A_321 = arith.constant 0 : i32
      %eq3A_322 = vector.broadcast %eq3A_321 : i32 to vector<16xi32>
      %eq3A_323 = arith.cmpi eq, %select_n3A_320, %eq3A_322 : vector<16xi32>
      %and3A_324 = arith.andi %lt3A_287, %eq3A_323 : vector<16xi1>
      %swap3A_325 = arith.index_cast %while3A_263 : i32 to index
      %swap3A_326 = tpu.vector_load %arg7[%swap3A_325] masked %and3A_324 {strides = array<i32>} : memref<16400xi32, #tpu.memory_space<vmem>>, vector<16xi32>, vector<16xi1>
      tpu.vector_store %arg7[%swap3A_325], %get3A_281 masked %and3A_324 {strides = array<i32>} : memref<16400xi32, #tpu.memory_space<vmem>>, vector<16xi32>, vector<16xi1>
      %all_reduce_population_count3A = tpu.all_reduce %and3A_324 {dim = 0 : i64, kind = #tpu.reduction_kind<sum>} : vector<16xi1> -> vector<16xi32>
      %slice3A = vector.extract_strided_slice %all_reduce_population_count3A {offsets = [0], sizes = [1], strides = [1]} : vector<16xi32> to vector<1xi32>
      %squeeze3A = vector.extract %slice3A[0] : i32 from vector<1xi32>
      %add3A_327 = arith.addi %while3A_263, %squeeze3A : i32
      %eq3A_328 = arith.constant 1 : i32
      %eq3A_329 = vector.broadcast %eq3A_328 : i32 to vector<16xi32>
      %eq3A_330 = arith.cmpi eq, %select_n3A_320, %eq3A_329 : vector<16xi32>
      %and3A_331 = arith.andi %lt3A_287, %eq3A_330 : vector<16xi1>
      %swap3A_332 = arith.index_cast %while3A_264 : i32 to index
      %swap3A_333 = tpu.vector_load %arg7[%swap3A_332] masked %and3A_331 {strides = array<i32>} : memref<16400xi32, #tpu.memory_space<vmem>>, vector<16xi32>, vector<16xi1>
      tpu.vector_store %arg7[%swap3A_332], %get3A_281 masked %and3A_331 {strides = array<i32>} : memref<16400xi32, #tpu.memory_space<vmem>>, vector<16xi32>, vector<16xi1>
      %all_reduce_population_count3A_334 = tpu.all_reduce %and3A_331 {dim = 0 : i64, kind = #tpu.reduction_kind<sum>} : vector<16xi1> -> vector<16xi32>
      %slice3A_335 = vector.extract_strided_slice %all_reduce_population_count3A_334 {offsets = [0], sizes = [1], strides = [1]} : vector<16xi32> to vector<1xi32>
      %squeeze3A_336 = vector.extract %slice3A_335[0] : i32 from vector<1xi32>
      %add3A_337 = arith.addi %while3A_264, %squeeze3A_336 : i32
      %eq3A_338 = arith.constant 2 : i32
      %eq3A_339 = vector.broadcast %eq3A_338 : i32 to vector<16xi32>
      %eq3A_340 = arith.cmpi eq, %select_n3A_320, %eq3A_339 : vector<16xi32>
      %and3A_341 = arith.andi %lt3A_287, %eq3A_340 : vector<16xi1>
      %swap3A_342 = arith.index_cast %while3A_265 : i32 to index
      %swap3A_343 = tpu.vector_load %arg7[%swap3A_342] masked %and3A_341 {strides = array<i32>} : memref<16400xi32, #tpu.memory_space<vmem>>, vector<16xi32>, vector<16xi1>
      tpu.vector_store %arg7[%swap3A_342], %get3A_281 masked %and3A_341 {strides = array<i32>} : memref<16400xi32, #tpu.memory_space<vmem>>, vector<16xi32>, vector<16xi1>
      %all_reduce_population_count3A_344 = tpu.all_reduce %and3A_341 {dim = 0 : i64, kind = #tpu.reduction_kind<sum>} : vector<16xi1> -> vector<16xi32>
      %slice3A_345 = vector.extract_strided_slice %all_reduce_population_count3A_344 {offsets = [0], sizes = [1], strides = [1]} : vector<16xi32> to vector<1xi32>
      %squeeze3A_346 = vector.extract %slice3A_345[0] : i32 from vector<1xi32>
      %add3A_347 = arith.addi %while3A_265, %squeeze3A_346 : i32
      %eq3A_348 = arith.constant 3 : i32
      %eq3A_349 = vector.broadcast %eq3A_348 : i32 to vector<16xi32>
      %eq3A_350 = arith.cmpi eq, %select_n3A_320, %eq3A_349 : vector<16xi32>
      %and3A_351 = arith.andi %lt3A_287, %eq3A_350 : vector<16xi1>
      %swap3A_352 = arith.index_cast %while3A_266 : i32 to index
      %swap3A_353 = tpu.vector_load %arg7[%swap3A_352] masked %and3A_351 {strides = array<i32>} : memref<16400xi32, #tpu.memory_space<vmem>>, vector<16xi32>, vector<16xi1>
      tpu.vector_store %arg7[%swap3A_352], %get3A_281 masked %and3A_351 {strides = array<i32>} : memref<16400xi32, #tpu.memory_space<vmem>>, vector<16xi32>, vector<16xi1>
      %all_reduce_population_count3A_354 = tpu.all_reduce %and3A_351 {dim = 0 : i64, kind = #tpu.reduction_kind<sum>} : vector<16xi1> -> vector<16xi32>
      %slice3A_355 = vector.extract_strided_slice %all_reduce_population_count3A_354 {offsets = [0], sizes = [1], strides = [1]} : vector<16xi32> to vector<1xi32>
      %squeeze3A_356 = vector.extract %slice3A_355[0] : i32 from vector<1xi32>
      %add3A_357 = arith.addi %while3A_266, %squeeze3A_356 : i32
      %eq3A_358 = arith.constant 4 : i32
      %eq3A_359 = vector.broadcast %eq3A_358 : i32 to vector<16xi32>
      %eq3A_360 = arith.cmpi eq, %select_n3A_320, %eq3A_359 : vector<16xi32>
      %and3A_361 = arith.andi %lt3A_287, %eq3A_360 : vector<16xi1>
      %swap3A_362 = arith.index_cast %while3A_267 : i32 to index
      %swap3A_363 = tpu.vector_load %arg7[%swap3A_362] masked %and3A_361 {strides = array<i32>} : memref<16400xi32, #tpu.memory_space<vmem>>, vector<16xi32>, vector<16xi1>
      tpu.vector_store %arg7[%swap3A_362], %get3A_281 masked %and3A_361 {strides = array<i32>} : memref<16400xi32, #tpu.memory_space<vmem>>, vector<16xi32>, vector<16xi1>
      %all_reduce_population_count3A_364 = tpu.all_reduce %and3A_361 {dim = 0 : i64, kind = #tpu.reduction_kind<sum>} : vector<16xi1> -> vector<16xi32>
      %slice3A_365 = vector.extract_strided_slice %all_reduce_population_count3A_364 {offsets = [0], sizes = [1], strides = [1]} : vector<16xi32> to vector<1xi32>
      %squeeze3A_366 = vector.extract %slice3A_365[0] : i32 from vector<1xi32>
      %add3A_367 = arith.addi %while3A_267, %squeeze3A_366 : i32
      %eq3A_368 = arith.constant 5 : i32
      %eq3A_369 = vector.broadcast %eq3A_368 : i32 to vector<16xi32>
      %eq3A_370 = arith.cmpi eq, %select_n3A_320, %eq3A_369 : vector<16xi32>
      %and3A_371 = arith.andi %lt3A_287, %eq3A_370 : vector<16xi1>
      %swap3A_372 = arith.index_cast %while3A_268 : i32 to index
      %swap3A_373 = tpu.vector_load %arg7[%swap3A_372] masked %and3A_371 {strides = array<i32>} : memref<16400xi32, #tpu.memory_space<vmem>>, vector<16xi32>, vector<16xi1>
      tpu.vector_store %arg7[%swap3A_372], %get3A_281 masked %and3A_371 {strides = array<i32>} : memref<16400xi32, #tpu.memory_space<vmem>>, vector<16xi32>, vector<16xi1>
      %all_reduce_population_count3A_374 = tpu.all_reduce %and3A_371 {dim = 0 : i64, kind = #tpu.reduction_kind<sum>} : vector<16xi1> -> vector<16xi32>
      %slice3A_375 = vector.extract_strided_slice %all_reduce_population_count3A_374 {offsets = [0], sizes = [1], strides = [1]} : vector<16xi32> to vector<1xi32>
      %squeeze3A_376 = vector.extract %slice3A_375[0] : i32 from vector<1xi32>
      %add3A_377 = arith.addi %while3A_268, %squeeze3A_376 : i32
      %eq3A_378 = arith.constant 6 : i32
      %eq3A_379 = vector.broadcast %eq3A_378 : i32 to vector<16xi32>
      %eq3A_380 = arith.cmpi eq, %select_n3A_320, %eq3A_379 : vector<16xi32>
      %and3A_381 = arith.andi %lt3A_287, %eq3A_380 : vector<16xi1>
      %swap3A_382 = arith.index_cast %while3A_269 : i32 to index
      %swap3A_383 = tpu.vector_load %arg7[%swap3A_382] masked %and3A_381 {strides = array<i32>} : memref<16400xi32, #tpu.memory_space<vmem>>, vector<16xi32>, vector<16xi1>
      tpu.vector_store %arg7[%swap3A_382], %get3A_281 masked %and3A_381 {strides = array<i32>} : memref<16400xi32, #tpu.memory_space<vmem>>, vector<16xi32>, vector<16xi1>
      %all_reduce_population_count3A_384 = tpu.all_reduce %and3A_381 {dim = 0 : i64, kind = #tpu.reduction_kind<sum>} : vector<16xi1> -> vector<16xi32>
      %slice3A_385 = vector.extract_strided_slice %all_reduce_population_count3A_384 {offsets = [0], sizes = [1], strides = [1]} : vector<16xi32> to vector<1xi32>
      %squeeze3A_386 = vector.extract %slice3A_385[0] : i32 from vector<1xi32>
      %add3A_387 = arith.addi %while3A_269, %squeeze3A_386 : i32
      %eq3A_388 = arith.constant 7 : i32
      %eq3A_389 = vector.broadcast %eq3A_388 : i32 to vector<16xi32>
      %eq3A_390 = arith.cmpi eq, %select_n3A_320, %eq3A_389 : vector<16xi32>
      %and3A_391 = arith.andi %lt3A_287, %eq3A_390 : vector<16xi1>
      %swap3A_392 = arith.index_cast %while3A_270 : i32 to index
      %swap3A_393 = tpu.vector_load %arg7[%swap3A_392] masked %and3A_391 {strides = array<i32>} : memref<16400xi32, #tpu.memory_space<vmem>>, vector<16xi32>, vector<16xi1>
      tpu.vector_store %arg7[%swap3A_392], %get3A_281 masked %and3A_391 {strides = array<i32>} : memref<16400xi32, #tpu.memory_space<vmem>>, vector<16xi32>, vector<16xi1>
      %all_reduce_population_count3A_394 = tpu.all_reduce %and3A_391 {dim = 0 : i64, kind = #tpu.reduction_kind<sum>} : vector<16xi1> -> vector<16xi32>
      %slice3A_395 = vector.extract_strided_slice %all_reduce_population_count3A_394 {offsets = [0], sizes = [1], strides = [1]} : vector<16xi32> to vector<1xi32>
      %squeeze3A_396 = vector.extract %slice3A_395[0] : i32 from vector<1xi32>
      %add3A_397 = arith.addi %while3A_270, %squeeze3A_396 : i32
      %eq3A_398 = arith.constant 8 : i32
      %eq3A_399 = vector.broadcast %eq3A_398 : i32 to vector<16xi32>
      %eq3A_400 = arith.cmpi eq, %select_n3A_320, %eq3A_399 : vector<16xi32>
      %and3A_401 = arith.andi %lt3A_287, %eq3A_400 : vector<16xi1>
      %swap3A_402 = arith.index_cast %while3A_271 : i32 to index
      %swap3A_403 = tpu.vector_load %arg7[%swap3A_402] masked %and3A_401 {strides = array<i32>} : memref<16400xi32, #tpu.memory_space<vmem>>, vector<16xi32>, vector<16xi1>
      tpu.vector_store %arg7[%swap3A_402], %get3A_281 masked %and3A_401 {strides = array<i32>} : memref<16400xi32, #tpu.memory_space<vmem>>, vector<16xi32>, vector<16xi1>
      %all_reduce_population_count3A_404 = tpu.all_reduce %and3A_401 {dim = 0 : i64, kind = #tpu.reduction_kind<sum>} : vector<16xi1> -> vector<16xi32>
      %slice3A_405 = vector.extract_strided_slice %all_reduce_population_count3A_404 {offsets = [0], sizes = [1], strides = [1]} : vector<16xi32> to vector<1xi32>
      %squeeze3A_406 = vector.extract %slice3A_405[0] : i32 from vector<1xi32>
      %add3A_407 = arith.addi %while3A_271, %squeeze3A_406 : i32
      %eq3A_408 = arith.constant 9 : i32
      %eq3A_409 = vector.broadcast %eq3A_408 : i32 to vector<16xi32>
      %eq3A_410 = arith.cmpi eq, %select_n3A_320, %eq3A_409 : vector<16xi32>
      %and3A_411 = arith.andi %lt3A_287, %eq3A_410 : vector<16xi1>
      %swap3A_412 = arith.index_cast %while3A_272 : i32 to index
      %swap3A_413 = tpu.vector_load %arg7[%swap3A_412] masked %and3A_411 {strides = array<i32>} : memref<16400xi32, #tpu.memory_space<vmem>>, vector<16xi32>, vector<16xi1>
      tpu.vector_store %arg7[%swap3A_412], %get3A_281 masked %and3A_411 {strides = array<i32>} : memref<16400xi32, #tpu.memory_space<vmem>>, vector<16xi32>, vector<16xi1>
      %all_reduce_population_count3A_414 = tpu.all_reduce %and3A_411 {dim = 0 : i64, kind = #tpu.reduction_kind<sum>} : vector<16xi1> -> vector<16xi32>
      %slice3A_415 = vector.extract_strided_slice %all_reduce_population_count3A_414 {offsets = [0], sizes = [1], strides = [1]} : vector<16xi32> to vector<1xi32>
      %squeeze3A_416 = vector.extract %slice3A_415[0] : i32 from vector<1xi32>
      %add3A_417 = arith.addi %while3A_272, %squeeze3A_416 : i32
      %eq3A_418 = arith.constant 10 : i32
      %eq3A_419 = vector.broadcast %eq3A_418 : i32 to vector<16xi32>
      %eq3A_420 = arith.cmpi eq, %select_n3A_320, %eq3A_419 : vector<16xi32>
      %and3A_421 = arith.andi %lt3A_287, %eq3A_420 : vector<16xi1>
      %swap3A_422 = arith.index_cast %while3A_273 : i32 to index
      %swap3A_423 = tpu.vector_load %arg7[%swap3A_422] masked %and3A_421 {strides = array<i32>} : memref<16400xi32, #tpu.memory_space<vmem>>, vector<16xi32>, vector<16xi1>
      tpu.vector_store %arg7[%swap3A_422], %get3A_281 masked %and3A_421 {strides = array<i32>} : memref<16400xi32, #tpu.memory_space<vmem>>, vector<16xi32>, vector<16xi1>
      %all_reduce_population_count3A_424 = tpu.all_reduce %and3A_421 {dim = 0 : i64, kind = #tpu.reduction_kind<sum>} : vector<16xi1> -> vector<16xi32>
      %slice3A_425 = vector.extract_strided_slice %all_reduce_population_count3A_424 {offsets = [0], sizes = [1], strides = [1]} : vector<16xi32> to vector<1xi32>
      %squeeze3A_426 = vector.extract %slice3A_425[0] : i32 from vector<1xi32>
      %add3A_427 = arith.addi %while3A_273, %squeeze3A_426 : i32
      %eq3A_428 = arith.constant 11 : i32
      %eq3A_429 = vector.broadcast %eq3A_428 : i32 to vector<16xi32>
      %eq3A_430 = arith.cmpi eq, %select_n3A_320, %eq3A_429 : vector<16xi32>
      %and3A_431 = arith.andi %lt3A_287, %eq3A_430 : vector<16xi1>
      %swap3A_432 = arith.index_cast %while3A_274 : i32 to index
      %swap3A_433 = tpu.vector_load %arg7[%swap3A_432] masked %and3A_431 {strides = array<i32>} : memref<16400xi32, #tpu.memory_space<vmem>>, vector<16xi32>, vector<16xi1>
      tpu.vector_store %arg7[%swap3A_432], %get3A_281 masked %and3A_431 {strides = array<i32>} : memref<16400xi32, #tpu.memory_space<vmem>>, vector<16xi32>, vector<16xi1>
      %all_reduce_population_count3A_434 = tpu.all_reduce %and3A_431 {dim = 0 : i64, kind = #tpu.reduction_kind<sum>} : vector<16xi1> -> vector<16xi32>
      %slice3A_435 = vector.extract_strided_slice %all_reduce_population_count3A_434 {offsets = [0], sizes = [1], strides = [1]} : vector<16xi32> to vector<1xi32>
      %squeeze3A_436 = vector.extract %slice3A_435[0] : i32 from vector<1xi32>
      %add3A_437 = arith.addi %while3A_274, %squeeze3A_436 : i32
      %eq3A_438 = arith.constant 12 : i32
      %eq3A_439 = vector.broadcast %eq3A_438 : i32 to vector<16xi32>
      %eq3A_440 = arith.cmpi eq, %select_n3A_320, %eq3A_439 : vector<16xi32>
      %and3A_441 = arith.andi %lt3A_287, %eq3A_440 : vector<16xi1>
      %swap3A_442 = arith.index_cast %while3A_275 : i32 to index
      %swap3A_443 = tpu.vector_load %arg7[%swap3A_442] masked %and3A_441 {strides = array<i32>} : memref<16400xi32, #tpu.memory_space<vmem>>, vector<16xi32>, vector<16xi1>
      tpu.vector_store %arg7[%swap3A_442], %get3A_281 masked %and3A_441 {strides = array<i32>} : memref<16400xi32, #tpu.memory_space<vmem>>, vector<16xi32>, vector<16xi1>
      %all_reduce_population_count3A_444 = tpu.all_reduce %and3A_441 {dim = 0 : i64, kind = #tpu.reduction_kind<sum>} : vector<16xi1> -> vector<16xi32>
      %slice3A_445 = vector.extract_strided_slice %all_reduce_population_count3A_444 {offsets = [0], sizes = [1], strides = [1]} : vector<16xi32> to vector<1xi32>
      %squeeze3A_446 = vector.extract %slice3A_445[0] : i32 from vector<1xi32>
      %add3A_447 = arith.addi %while3A_275, %squeeze3A_446 : i32
      %eq3A_448 = arith.constant 13 : i32
      %eq3A_449 = vector.broadcast %eq3A_448 : i32 to vector<16xi32>
      %eq3A_450 = arith.cmpi eq, %select_n3A_320, %eq3A_449 : vector<16xi32>
      %and3A_451 = arith.andi %lt3A_287, %eq3A_450 : vector<16xi1>
      %swap3A_452 = arith.index_cast %while3A_276 : i32 to index
      %swap3A_453 = tpu.vector_load %arg7[%swap3A_452] masked %and3A_451 {strides = array<i32>} : memref<16400xi32, #tpu.memory_space<vmem>>, vector<16xi32>, vector<16xi1>
      tpu.vector_store %arg7[%swap3A_452], %get3A_281 masked %and3A_451 {strides = array<i32>} : memref<16400xi32, #tpu.memory_space<vmem>>, vector<16xi32>, vector<16xi1>
      %all_reduce_population_count3A_454 = tpu.all_reduce %and3A_451 {dim = 0 : i64, kind = #tpu.reduction_kind<sum>} : vector<16xi1> -> vector<16xi32>
      %slice3A_455 = vector.extract_strided_slice %all_reduce_population_count3A_454 {offsets = [0], sizes = [1], strides = [1]} : vector<16xi32> to vector<1xi32>
      %squeeze3A_456 = vector.extract %slice3A_455[0] : i32 from vector<1xi32>
      %add3A_457 = arith.addi %while3A_276, %squeeze3A_456 : i32
      %eq3A_458 = arith.constant 14 : i32
      %eq3A_459 = vector.broadcast %eq3A_458 : i32 to vector<16xi32>
      %eq3A_460 = arith.cmpi eq, %select_n3A_320, %eq3A_459 : vector<16xi32>
      %and3A_461 = arith.andi %lt3A_287, %eq3A_460 : vector<16xi1>
      %swap3A_462 = arith.index_cast %while3A_277 : i32 to index
      %swap3A_463 = tpu.vector_load %arg7[%swap3A_462] masked %and3A_461 {strides = array<i32>} : memref<16400xi32, #tpu.memory_space<vmem>>, vector<16xi32>, vector<16xi1>
      tpu.vector_store %arg7[%swap3A_462], %get3A_281 masked %and3A_461 {strides = array<i32>} : memref<16400xi32, #tpu.memory_space<vmem>>, vector<16xi32>, vector<16xi1>
      %all_reduce_population_count3A_464 = tpu.all_reduce %and3A_461 {dim = 0 : i64, kind = #tpu.reduction_kind<sum>} : vector<16xi1> -> vector<16xi32>
      %slice3A_465 = vector.extract_strided_slice %all_reduce_population_count3A_464 {offsets = [0], sizes = [1], strides = [1]} : vector<16xi32> to vector<1xi32>
      %squeeze3A_466 = vector.extract %slice3A_465[0] : i32 from vector<1xi32>
      %add3A_467 = arith.addi %while3A_277, %squeeze3A_466 : i32
      %eq3A_468 = arith.constant 15 : i32
      %eq3A_469 = vector.broadcast %eq3A_468 : i32 to vector<16xi32>
      %eq3A_470 = arith.cmpi eq, %select_n3A_320, %eq3A_469 : vector<16xi32>
      %and3A_471 = arith.andi %lt3A_287, %eq3A_470 : vector<16xi1>
      %swap3A_472 = arith.index_cast %while3A_278 : i32 to index
      %swap3A_473 = tpu.vector_load %arg7[%swap3A_472] masked %and3A_471 {strides = array<i32>} : memref<16400xi32, #tpu.memory_space<vmem>>, vector<16xi32>, vector<16xi1>
      tpu.vector_store %arg7[%swap3A_472], %get3A_281 masked %and3A_471 {strides = array<i32>} : memref<16400xi32, #tpu.memory_space<vmem>>, vector<16xi32>, vector<16xi1>
      %all_reduce_population_count3A_474 = tpu.all_reduce %and3A_471 {dim = 0 : i64, kind = #tpu.reduction_kind<sum>} : vector<16xi1> -> vector<16xi32>
      %slice3A_475 = vector.extract_strided_slice %all_reduce_population_count3A_474 {offsets = [0], sizes = [1], strides = [1]} : vector<16xi32> to vector<1xi32>
      %squeeze3A_476 = vector.extract %slice3A_475[0] : i32 from vector<1xi32>
      %add3A_477 = arith.addi %while3A_278, %squeeze3A_476 : i32
      scf.yield %add3A_327, %add3A_337, %add3A_347, %add3A_357, %add3A_367, %add3A_377, %add3A_387, %add3A_397, %add3A_407, %add3A_417, %add3A_427, %add3A_437, %add3A_447, %add3A_457, %add3A_467, %add3A_477 : i32, i32, i32, i32, i32, i32, i32, i32, i32, i32, i32, i32, i32, i32, i32, i32
    }
    %scan3A_251 = arith.constant 0 : i32
    %scan3A_252 = arith.constant 0 : i32
    %scan3A_253 = arith.constant 245 : i32
    %scan3A_254 = arith.addi %scan3A_252, %scan3A_253 : i32
    %scan3A_255 = arith.constant 1 : i32
    %scan3A_256 = scf.for %scan3A_262 = %scan3A_252 to %scan3A_254 step %scan3A_255 iter_args(%scan3A_263 = %scan3A_251) -> (i32)  : i32 {
      %jit3A_264 = arith.constant 5 : i32
      %eq3A_265 = arith.constant 0 : i32
      %eq3A_266 = arith.cmpi eq, %jit3A_264, %eq3A_265 : i32
      %jit3A_267 = arith.constant 1 : i32
      %select_n3A_268 = arith.select %eq3A_266, %jit3A_267, %jit3A_264 : i32
      %rem3A_269 = arith.remsi %scan3A_262, %select_n3A_268 : i32
      %ne3A_270 = arith.constant 0 : i32
      %ne3A_271 = arith.cmpi ne, %rem3A_269, %ne3A_270 : i32
      %lt3A_272 = arith.constant 0 : i32
      %lt3A_273 = arith.cmpi slt, %rem3A_269, %lt3A_272 : i32
      %lt3A_274 = arith.constant 0 : i32
      %lt3A_275 = arith.cmpi slt, %select_n3A_268, %lt3A_274 : i32
      %ne3A_276 = arith.xori %lt3A_273, %lt3A_275 : i1
      %and3A_277 = arith.andi %ne3A_276, %ne3A_271 : i1
      %add3A_278 = arith.addi %rem3A_269, %select_n3A_268 : i32
      %select_n3A_279 = arith.select %and3A_277, %add3A_278, %rem3A_269 : i32
      %add3A_280 = arith.addi %mul3A_2, %scan3A_262 : i32
      %add3A_281 = arith.constant 5 : i32
      %add3A_282 = arith.addi %scan3A_262, %add3A_281 : i32
      %sub3A_283 = arith.constant 1 : i32
      %sub3A_284 = arith.subi %add3A_282, %sub3A_283 : i32
      %add3A_285 = arith.constant 5 : i32
      %add3A_286 = arith.addi %scan3A_262, %add3A_285 : i32
      %sub3A_287 = arith.constant 1 : i32
      %sub3A_288 = arith.subi %add3A_286, %sub3A_287 : i32
      %jit3A_289 = arith.constant 5 : i32
      %eq3A_290 = arith.constant 0 : i32
      %eq3A_291 = arith.cmpi eq, %jit3A_289, %eq3A_290 : i32
      %jit3A_292 = arith.constant 1 : i32
      %select_n3A_293 = arith.select %eq3A_291, %jit3A_292, %jit3A_289 : i32
      %rem3A_294 = arith.remsi %sub3A_288, %select_n3A_293 : i32
      %ne3A_295 = arith.constant 0 : i32
      %ne3A_296 = arith.cmpi ne, %rem3A_294, %ne3A_295 : i32
      %lt3A_297 = arith.constant 0 : i32
      %lt3A_298 = arith.cmpi slt, %rem3A_294, %lt3A_297 : i32
      %lt3A_299 = arith.constant 0 : i32
      %lt3A_300 = arith.cmpi slt, %select_n3A_293, %lt3A_299 : i32
      %ne3A_301 = arith.xori %lt3A_298, %lt3A_300 : i1
      %and3A_302 = arith.andi %ne3A_301, %ne3A_296 : i1
      %add3A_303 = arith.addi %rem3A_294, %select_n3A_293 : i32
      %select_n3A_304 = arith.select %and3A_302, %add3A_303, %rem3A_294 : i32
      %add3A_305 = arith.addi %mul3A_2, %sub3A_284 : i32
      %lt3A_306 = arith.constant 245 : i32
      %lt3A_307 = arith.cmpi slt, %sub3A_284, %lt3A_306 : i32
      %lt3A_308 = arith.constant 7813 : i32
      %lt3A_309 = arith.cmpi slt, %add3A_305, %lt3A_308 : i32
      %and3A_310 = arith.andi %lt3A_307, %lt3A_309 : i1
      %convert_element_type3A_311 = arith.extui %and3A_310 : i1 to i32
      %cond3A_312 = arith.constant 0 : i32
      %cond3A_313 = arith.cmpi ne, %convert_element_type3A_311, %cond3A_312 : i32
      scf.if %cond3A_313 {
        %mul3A_406 = arith.constant 128 : i32
        %mul3A_407 = arith.muli %add3A_305, %mul3A_406 : i32
        %multiple_of3A = tpu.assume_multiple %mul3A_407, 128 : i32
        %dma_start3A = arith.constant 0 : i32
        %dma_start3A_408 = arith.constant 0 : i32
        %dma_start3A_409 = tpu.memref_slice %arg9[%select_n3A_304, %dma_start3A, %dma_start3A_408] : memref<5x64x128xf32, #tpu.memory_space<vmem>> -> memref<1x64x128xf32, #tpu.memory_space<vmem>>
        %dma_start3A_410 = tpu.memref_squeeze %dma_start3A_409 : memref<1x64x128xf32, #tpu.memory_space<vmem>> -> memref<64x128xf32, #tpu.memory_space<vmem>>
        %dma_start3A_411 = arith.constant 0 : i32
        %dma_start3A_412 = tpu.memref_slice %arg2[%dma_start3A_411, %multiple_of3A] : memref<64x1000000xf32, #tpu.memory_space<hbm>> -> memref<64x128xf32, #tpu.memory_space<hbm>>
        %dma_start3A_413 = arith.constant 0 : i32
        %dma_start3A_414 = arith.constant 0 : i32
        %dma_start3A_415 = tpu.memref_slice %arg9[%select_n3A_304, %dma_start3A_413, %dma_start3A_414] : memref<5x64x128xf32, #tpu.memory_space<vmem>> -> memref<1x64x128xf32, #tpu.memory_space<vmem>>
        %dma_start3A_416 = tpu.memref_squeeze %dma_start3A_415 : memref<1x64x128xf32, #tpu.memory_space<vmem>> -> memref<64x128xf32, #tpu.memory_space<vmem>>
        %dma_start3A_417 = arith.constant 0 : i32
        %dma_start3A_418 = tpu.memref_slice %arg2[%dma_start3A_417, %multiple_of3A] : memref<64x1000000xf32, #tpu.memory_space<hbm>> -> memref<64x128xf32, #tpu.memory_space<hbm>>
        tpu.enqueue_dma source(%dma_start3A_418 : memref<64x128xf32, #tpu.memory_space<hbm>>) target(%dma_start3A_416 : memref<64x128xf32, #tpu.memory_space<vmem>>) target_semaphore(%arg14 : memref<!tpu.dma_semaphore, #tpu.memory_space<semaphore_mem>>)
        %dma_start3A_419 = arith.constant 0 : i32
        %dma_start3A_420 = arith.constant 0 : i32
        %dma_start3A_421 = tpu.memref_slice %arg10[%select_n3A_304, %dma_start3A_419, %dma_start3A_420] : memref<5x64x128xf32, #tpu.memory_space<vmem>> -> memref<1x64x128xf32, #tpu.memory_space<vmem>>
        %dma_start3A_422 = tpu.memref_squeeze %dma_start3A_421 : memref<1x64x128xf32, #tpu.memory_space<vmem>> -> memref<64x128xf32, #tpu.memory_space<vmem>>
        %dma_start3A_423 = arith.constant 0 : i32
        %dma_start3A_424 = tpu.memref_slice %arg3[%dma_start3A_423, %multiple_of3A] : memref<64x1000000xf32, #tpu.memory_space<hbm>> -> memref<64x128xf32, #tpu.memory_space<hbm>>
        %dma_start3A_425 = arith.constant 0 : i32
        %dma_start3A_426 = arith.constant 0 : i32
        %dma_start3A_427 = tpu.memref_slice %arg10[%select_n3A_304, %dma_start3A_425, %dma_start3A_426] : memref<5x64x128xf32, #tpu.memory_space<vmem>> -> memref<1x64x128xf32, #tpu.memory_space<vmem>>
        %dma_start3A_428 = tpu.memref_squeeze %dma_start3A_427 : memref<1x64x128xf32, #tpu.memory_space<vmem>> -> memref<64x128xf32, #tpu.memory_space<vmem>>
        %dma_start3A_429 = arith.constant 0 : i32
        %dma_start3A_430 = tpu.memref_slice %arg3[%dma_start3A_429, %multiple_of3A] : memref<64x1000000xf32, #tpu.memory_space<hbm>> -> memref<64x128xf32, #tpu.memory_space<hbm>>
        tpu.enqueue_dma source(%dma_start3A_430 : memref<64x128xf32, #tpu.memory_space<hbm>>) target(%dma_start3A_428 : memref<64x128xf32, #tpu.memory_space<vmem>>) target_semaphore(%arg15 : memref<!tpu.dma_semaphore, #tpu.memory_space<semaphore_mem>>)
      } else {
      }
      %broadcast_in_dim3A_314 = vector.broadcast %select_n3A_279 : i32 to vector<16xi32>
      %jit3A_315 = arith.constant 16 : i32
      %div3A_316 = arith.divsi %scan3A_262, %jit3A_315 : i32
      %sign3A_317 = arith.constant 0 : i32
      %sign3A_318 = arith.cmpi sgt, %scan3A_262, %sign3A_317 : i32
      %sign3A_319 = arith.extui %sign3A_318 : i1 to i32
      %sign3A_320 = arith.constant 0 : i32
      %sign3A_321 = arith.cmpi slt, %scan3A_262, %sign3A_320 : i32
      %sign3A_322 = arith.extui %sign3A_321 : i1 to i32
      %sign3A_323 = arith.subi %sign3A_319, %sign3A_322 : i32
      %sign3A_324 = arith.constant 0 : i32
      %sign3A_325 = arith.cmpi sgt, %jit3A_315, %sign3A_324 : i32
      %sign3A_326 = arith.extui %sign3A_325 : i1 to i32
      %sign3A_327 = arith.constant 0 : i32
      %sign3A_328 = arith.cmpi slt, %jit3A_315, %sign3A_327 : i32
      %sign3A_329 = arith.extui %sign3A_328 : i1 to i32
      %sign3A_330 = arith.subi %sign3A_326, %sign3A_329 : i32
      %ne3A_331 = arith.cmpi ne, %sign3A_323, %sign3A_330 : i32
      %rem3A_332 = arith.remsi %scan3A_262, %jit3A_315 : i32
      %ne3A_333 = arith.constant 0 : i32
      %ne3A_334 = arith.cmpi ne, %rem3A_332, %ne3A_333 : i32
      %and3A_335 = arith.andi %ne3A_331, %ne3A_334 : i1
      %sub3A_336 = arith.constant 1 : i32
      %sub3A_337 = arith.subi %div3A_316, %sub3A_336 : i32
      %select_n3A_338 = arith.select %and3A_335, %sub3A_337, %div3A_316 : i32
      %get3A = arith.index_cast %select_n3A_338 : i32 to index
      %get3A_339 = tpu.vector_load %arg8[%get3A] {strides = array<i32>} : memref<48xi32, #tpu.memory_space<vmem>>, vector<16xi32>,
      %slice3A = vector.extract_strided_slice %get3A_339 {offsets = [0], sizes = [1], strides = [1]} : vector<16xi32> to vector<1xi32>
      %squeeze3A = vector.extract %slice3A[0] : i32 from vector<1xi32>
      %add3A_340 = arith.constant 16 : i32
      %add3A_341 = arith.addi %add3A_340, %select_n3A_338 : i32
      %get3A_342 = arith.index_cast %add3A_341 : i32 to index
      %get3A_343 = tpu.vector_load %arg8[%get3A_342] {strides = array<i32>} : memref<48xi32, #tpu.memory_space<vmem>>, vector<16xi32>,
      %slice3A_344 = vector.extract_strided_slice %get3A_343 {offsets = [0], sizes = [1], strides = [1]} : vector<16xi32> to vector<1xi32>
      %squeeze3A_345 = vector.extract %slice3A_344[0] : i32 from vector<1xi32>
      %add3A_346 = arith.constant 16 : i32
      %add3A_347 = arith.addi %squeeze3A_345, %add3A_346 : i32
      %sub3A_348 = arith.constant 1 : i32
      %sub3A_349 = arith.subi %add3A_347, %sub3A_348 : i32
      %jit3A_350 = arith.constant 16 : i32
      %div3A_351 = arith.divsi %sub3A_349, %jit3A_350 : i32
      %sign3A_352 = arith.constant 0 : i32
      %sign3A_353 = arith.cmpi sgt, %sub3A_349, %sign3A_352 : i32
      %sign3A_354 = arith.extui %sign3A_353 : i1 to i32
      %sign3A_355 = arith.constant 0 : i32
      %sign3A_356 = arith.cmpi slt, %sub3A_349, %sign3A_355 : i32
      %sign3A_357 = arith.extui %sign3A_356 : i1 to i32
      %sign3A_358 = arith.subi %sign3A_354, %sign3A_357 : i32
      %sign3A_359 = arith.constant 0 : i32
      %sign3A_360 = arith.cmpi sgt, %jit3A_350, %sign3A_359 : i32
      %sign3A_361 = arith.extui %sign3A_360 : i1 to i32
      %sign3A_362 = arith.constant 0 : i32
      %sign3A_363 = arith.cmpi slt, %jit3A_350, %sign3A_362 : i32
      %sign3A_364 = arith.extui %sign3A_363 : i1 to i32
      %sign3A_365 = arith.subi %sign3A_361, %sign3A_364 : i32
      %ne3A_366 = arith.cmpi ne, %sign3A_358, %sign3A_365 : i32
      %rem3A_367 = arith.remsi %sub3A_349, %jit3A_350 : i32
      %ne3A_368 = arith.constant 0 : i32
      %ne3A_369 = arith.cmpi ne, %rem3A_367, %ne3A_368 : i32
      %and3A_370 = arith.andi %ne3A_366, %ne3A_369 : i1
      %sub3A_371 = arith.constant 1 : i32
      %sub3A_372 = arith.subi %div3A_351, %sub3A_371 : i32
      %select_n3A_373 = arith.select %and3A_370, %sub3A_372, %div3A_351 : i32
      %while3A_374 = arith.constant 0 : i32
      %while3A_375 = arith.constant 0 : i32
      %while3A_376 = arith.subi %select_n3A_373, %while3A_374 : i32
      %while3A_377 = arith.addi %while3A_374, %while3A_376 : i32
      %while3A_378 = arith.constant 1 : i32
      %while3A_379 = arith.divsi %while3A_376, %while3A_378 : i32
      %while3A_380 = arith.muli %while3A_379, %while3A_378 : i32
      %while3A_381 = arith.addi %while3A_374, %while3A_380 : i32
      %while3A_382 = arith.constant 1 : i32
      %while3A_383 = scf.for %while3A_406 = %while3A_374 to %while3A_381 step %while3A_382 iter_args(%while3A_407 = %while3A_375) -> (i32)  : i32 {
        %mul3A_408 = arith.constant 16 : i32
        %mul3A_409 = arith.muli %while3A_406, %mul3A_408 : i32
        %add3A_410 = arith.addi %squeeze3A, %mul3A_409 : i32
        %get3A_411 = arith.index_cast %add3A_410 : i32 to index
        %get3A_412 = tpu.vector_load %arg7[%get3A_411] {strides = array<i32>} : memref<16400xi32, #tpu.memory_space<vmem>>, vector<16xi32>,
        %mul3A_413 = arith.constant 16 : i32
        %mul3A_414 = arith.muli %while3A_406, %mul3A_413 : i32
        %broadcast_in_dim3A_415 = vector.broadcast %mul3A_414 : i32 to vector<16xi32>
        %add3A_416 = arith.addi %broadcast_in_dim3A_415, %iota3A : vector<16xi32>
        %lt3A_417 = vector.broadcast %squeeze3A_345 : i32 to vector<16xi32>
        %lt3A_418 = arith.cmpi slt, %add3A_416, %lt3A_417 : vector<16xi32>
        %shift_right_logical3A = arith.constant 21 : i32
        %shift_right_logical3A_419 = vector.broadcast %shift_right_logical3A : i32 to vector<16xi32>
        %shift_right_logical3A_420 = arith.shrui %get3A_412, %shift_right_logical3A_419 : vector<16xi32>
        %sub3A_421 = arith.subi %add3A_280, %mul3A_2 : i32
        %eq3A_422 = vector.broadcast %sub3A_421 : i32 to vector<16xi32>
        %eq3A_423 = arith.cmpi eq, %shift_right_logical3A_420, %eq3A_422 : vector<16xi32>
        %and3A_424 = arith.andi %lt3A_418, %eq3A_423 : vector<16xi1>
        %swap3A_425 = arith.index_cast %while3A_407 : i32 to index
        %swap3A_426 = tpu.vector_load %arg11[%swap3A_425] masked %and3A_424 {strides = array<i32>} : memref<4112xi32, #tpu.memory_space<vmem>>, vector<16xi32>, vector<16xi1>
        tpu.vector_store %arg11[%swap3A_425], %get3A_412 masked %and3A_424 {strides = array<i32>} : memref<4112xi32, #tpu.memory_space<vmem>>, vector<16xi32>, vector<16xi1>
        %all_reduce_population_count3A = tpu.all_reduce %and3A_424 {dim = 0 : i64, kind = #tpu.reduction_kind<sum>} : vector<16xi1> -> vector<16xi32>
        %slice3A_427 = vector.extract_strided_slice %all_reduce_population_count3A {offsets = [0], sizes = [1], strides = [1]} : vector<16xi32> to vector<1xi32>
        %squeeze3A_428 = vector.extract %slice3A_427[0] : i32 from vector<1xi32>
        %add3A_429 = arith.addi %while3A_407, %squeeze3A_428 : i32
        scf.yield %add3A_429 : i32
      }
      %while3A_384 = arith.constant 1 : i32
      %while3A_385 = scf.for %while3A_406 = %while3A_381 to %while3A_377 step %while3A_384 iter_args(%while3A_407 = %while3A_383) -> (i32)  : i32 {
        %mul3A_408 = arith.constant 16 : i32
        %mul3A_409 = arith.muli %while3A_406, %mul3A_408 : i32
        %add3A_410 = arith.addi %squeeze3A, %mul3A_409 : i32
        %get3A_411 = arith.index_cast %add3A_410 : i32 to index
        %get3A_412 = tpu.vector_load %arg7[%get3A_411] {strides = array<i32>} : memref<16400xi32, #tpu.memory_space<vmem>>, vector<16xi32>,
        %mul3A_413 = arith.constant 16 : i32
        %mul3A_414 = arith.muli %while3A_406, %mul3A_413 : i32
        %broadcast_in_dim3A_415 = vector.broadcast %mul3A_414 : i32 to vector<16xi32>
        %add3A_416 = arith.addi %broadcast_in_dim3A_415, %iota3A : vector<16xi32>
        %lt3A_417 = vector.broadcast %squeeze3A_345 : i32 to vector<16xi32>
        %lt3A_418 = arith.cmpi slt, %add3A_416, %lt3A_417 : vector<16xi32>
        %shift_right_logical3A = arith.constant 21 : i32
        %shift_right_logical3A_419 = vector.broadcast %shift_right_logical3A : i32 to vector<16xi32>
        %shift_right_logical3A_420 = arith.shrui %get3A_412, %shift_right_logical3A_419 : vector<16xi32>
        %sub3A_421 = arith.subi %add3A_280, %mul3A_2 : i32
        %eq3A_422 = vector.broadcast %sub3A_421 : i32 to vector<16xi32>
        %eq3A_423 = arith.cmpi eq, %shift_right_logical3A_420, %eq3A_422 : vector<16xi32>
        %and3A_424 = arith.andi %lt3A_418, %eq3A_423 : vector<16xi1>
        %swap3A_425 = arith.index_cast %while3A_407 : i32 to index
        %swap3A_426 = tpu.vector_load %arg11[%swap3A_425] masked %and3A_424 {strides = array<i32>} : memref<4112xi32, #tpu.memory_space<vmem>>, vector<16xi32>, vector<16xi1>
        tpu.vector_store %arg11[%swap3A_425], %get3A_412 masked %and3A_424 {strides = array<i32>} : memref<4112xi32, #tpu.memory_space<vmem>>, vector<16xi32>, vector<16xi1>
        %all_reduce_population_count3A = tpu.all_reduce %and3A_424 {dim = 0 : i64, kind = #tpu.reduction_kind<sum>} : vector<16xi1> -> vector<16xi32>
        %slice3A_427 = vector.extract_strided_slice %all_reduce_population_count3A {offsets = [0], sizes = [1], strides = [1]} : vector<16xi32> to vector<1xi32>
        %squeeze3A_428 = vector.extract %slice3A_427[0] : i32 from vector<1xi32>
        %add3A_429 = arith.addi %while3A_407, %squeeze3A_428 : i32
        scf.yield %add3A_429 : i32
      }
      %add3A_386 = arith.addi %mul3A_2, %scan3A_262 : i32
      %lt3A_387 = arith.constant 245 : i32
      %lt3A_388 = arith.cmpi slt, %scan3A_262, %lt3A_387 : i32
      %lt3A_389 = arith.constant 7813 : i32
      %lt3A_390 = arith.cmpi slt, %add3A_386, %lt3A_389 : i32
      %and3A_391 = arith.andi %lt3A_388, %lt3A_390 : i1
      %convert_element_type3A_392 = arith.extui %and3A_391 : i1 to i32
      %cond3A_393 = arith.constant 0 : i32
      %cond3A_394 = arith.cmpi ne, %convert_element_type3A_392, %cond3A_393 : i32
      scf.if %cond3A_394 {
        %mul3A_406 = arith.constant 128 : i32
        %mul3A_407 = arith.muli %add3A_386, %mul3A_406 : i32
        %multiple_of3A = tpu.assume_multiple %mul3A_407, 128 : i32
        %dma_wait3A = arith.constant 0 : i32
        %dma_wait3A_408 = arith.constant 0 : i32
        %dma_wait3A_409 = tpu.memref_slice %arg9[%select_n3A_279, %dma_wait3A, %dma_wait3A_408] : memref<5x64x128xf32, #tpu.memory_space<vmem>> -> memref<1x64x128xf32, #tpu.memory_space<vmem>>
        %dma_wait3A_410 = tpu.memref_squeeze %dma_wait3A_409 : memref<1x64x128xf32, #tpu.memory_space<vmem>> -> memref<64x128xf32, #tpu.memory_space<vmem>>
        %dma_wait3A_411 = arith.constant 0 : i32
        %dma_wait3A_412 = tpu.memref_slice %arg2[%dma_wait3A_411, %multiple_of3A] : memref<64x1000000xf32, #tpu.memory_space<hbm>> -> memref<64x128xf32, #tpu.memory_space<hbm>>
        %dma_wait3A_413 = arith.constant 0 : i32
        %dma_wait3A_414 = arith.constant 0 : i32
        %dma_wait3A_415 = tpu.memref_slice %arg9[%select_n3A_279, %dma_wait3A_413, %dma_wait3A_414] : memref<5x64x128xf32, #tpu.memory_space<vmem>> -> memref<1x64x128xf32, #tpu.memory_space<vmem>>
        %dma_wait3A_416 = tpu.memref_squeeze %dma_wait3A_415 : memref<1x64x128xf32, #tpu.memory_space<vmem>> -> memref<64x128xf32, #tpu.memory_space<vmem>>
        %dma_wait3A_417 = arith.constant 0 : i32
        %dma_wait3A_418 = tpu.memref_slice %arg2[%dma_wait3A_417, %multiple_of3A] : memref<64x1000000xf32, #tpu.memory_space<hbm>> -> memref<64x128xf32, #tpu.memory_space<hbm>>
        tpu.wait_dma2 semaphore(%arg14 : memref<!tpu.dma_semaphore, #tpu.memory_space<semaphore_mem>>) src(%dma_wait3A_418 : memref<64x128xf32, #tpu.memory_space<hbm>>) dst(%dma_wait3A_416 : memref<64x128xf32, #tpu.memory_space<vmem>>)
        %dma_wait3A_419 = arith.constant 0 : i32
        %dma_wait3A_420 = arith.constant 0 : i32
        %dma_wait3A_421 = tpu.memref_slice %arg10[%select_n3A_279, %dma_wait3A_419, %dma_wait3A_420] : memref<5x64x128xf32, #tpu.memory_space<vmem>> -> memref<1x64x128xf32, #tpu.memory_space<vmem>>
        %dma_wait3A_422 = tpu.memref_squeeze %dma_wait3A_421 : memref<1x64x128xf32, #tpu.memory_space<vmem>> -> memref<64x128xf32, #tpu.memory_space<vmem>>
        %dma_wait3A_423 = arith.constant 0 : i32
        %dma_wait3A_424 = tpu.memref_slice %arg3[%dma_wait3A_423, %multiple_of3A] : memref<64x1000000xf32, #tpu.memory_space<hbm>> -> memref<64x128xf32, #tpu.memory_space<hbm>>
        %dma_wait3A_425 = arith.constant 0 : i32
        %dma_wait3A_426 = arith.constant 0 : i32
        %dma_wait3A_427 = tpu.memref_slice %arg10[%select_n3A_279, %dma_wait3A_425, %dma_wait3A_426] : memref<5x64x128xf32, #tpu.memory_space<vmem>> -> memref<1x64x128xf32, #tpu.memory_space<vmem>>
        %dma_wait3A_428 = tpu.memref_squeeze %dma_wait3A_427 : memref<1x64x128xf32, #tpu.memory_space<vmem>> -> memref<64x128xf32, #tpu.memory_space<vmem>>
        %dma_wait3A_429 = arith.constant 0 : i32
        %dma_wait3A_430 = tpu.memref_slice %arg3[%dma_wait3A_429, %multiple_of3A] : memref<64x1000000xf32, #tpu.memory_space<hbm>> -> memref<64x128xf32, #tpu.memory_space<hbm>>
        tpu.wait_dma2 semaphore(%arg15 : memref<!tpu.dma_semaphore, #tpu.memory_space<semaphore_mem>>) src(%dma_wait3A_430 : memref<64x128xf32, #tpu.memory_space<hbm>>) dst(%dma_wait3A_428 : memref<64x128xf32, #tpu.memory_space<vmem>>)
      } else {
      }
      %while3A_395 = arith.constant 0 : i32
      %while3A_396 = arith.subi %while3A_385, %while3A_395 : i32
      %while3A_397 = arith.addi %while3A_395, %while3A_396 : i32
      %while3A_398 = arith.constant 1 : i32
      %while3A_399 = arith.divsi %while3A_396, %while3A_398 : i32
      %while3A_400 = arith.muli %while3A_399, %while3A_398 : i32
      %while3A_401 = arith.addi %while3A_395, %while3A_400 : i32
      %while3A_402 = arith.constant 1 : i32
      %while3A_403 = scf.for %while3A_406 = %while3A_395 to %while3A_401 step %while3A_402 iter_args(%while3A_407 = %scan3A_263) -> (i32)  : i32 {
        %get3A_408 = arith.index_cast %while3A_406 : i32 to index
        %get3A_409 = tpu.vector_load %arg11[%get3A_408] {strides = array<i32>} : memref<4112xi32, #tpu.memory_space<vmem>>, vector<16xi32>,
        %slice3A_410 = vector.extract_strided_slice %get3A_409 {offsets = [0], sizes = [1], strides = [1]} : vector<16xi32> to vector<1xi32>
        %squeeze3A_411 = vector.extract %slice3A_410[0] : i32 from vector<1xi32>
        %shift_right_logical3A = arith.constant 14 : i32
        %shift_right_logical3A_412 = arith.shrui %squeeze3A_411, %shift_right_logical3A : i32
        %and3A_413 = arith.constant 16383 : i32
        %and3A_414 = arith.andi %squeeze3A_411, %and3A_413 : i32
        %broadcast_in_dim3A_415 = vector.broadcast %while3A_407 : i32 to vector<16xi32>
        %jit3A_416 = arith.constant 128 : i32
        %eq3A_417 = arith.constant 0 : i32
        %eq3A_418 = arith.cmpi eq, %jit3A_416, %eq3A_417 : i32
        %jit3A_419 = arith.constant 1 : i32
        %select_n3A_420 = arith.select %eq3A_418, %jit3A_419, %jit3A_416 : i32
        %rem3A_421 = arith.remsi %shift_right_logical3A_412, %select_n3A_420 : i32
        %ne3A_422 = arith.constant 0 : i32
        %ne3A_423 = arith.cmpi ne, %rem3A_421, %ne3A_422 : i32
        %lt3A_424 = arith.constant 0 : i32
        %lt3A_425 = arith.cmpi slt, %rem3A_421, %lt3A_424 : i32
        %lt3A_426 = arith.constant 0 : i32
        %lt3A_427 = arith.cmpi slt, %select_n3A_420, %lt3A_426 : i32
        %ne3A_428 = arith.xori %lt3A_425, %lt3A_427 : i1
        %and3A_429 = arith.andi %ne3A_428, %ne3A_423 : i1
        %add3A_430 = arith.addi %rem3A_421, %select_n3A_420 : i32
        %select_n3A_431 = arith.select %and3A_429, %add3A_430, %rem3A_421 : i32
        %broadcast_in_dim3A_432 = vector.broadcast %select_n3A_431 : i32 to vector<16xi32>
        %add3A_433 = arith.constant 0 : i32
        %add3A_434 = vector.broadcast %add3A_433 : i32 to vector<16xi32>
        %add3A_435 = arith.addi %iota3A, %add3A_434 : vector<16xi32>
        %gather3A = tpu.vector_load_idx %arg9[%broadcast_in_dim3A_314, %add3A_435, %broadcast_in_dim3A_432] : memref<5x64x128xf32, #tpu.memory_space<vmem>>[vector<16xi32>, vector<16xi32>, vector<16xi32>], vector<16xf32>,
        %add3A_436 = arith.constant 0 : i32
        %add3A_437 = vector.broadcast %add3A_436 : i32 to vector<16xi32>
        %add3A_438 = arith.addi %iota3A, %add3A_437 : vector<16xi32>
        tpu.vector_store_idx %arg12[%broadcast_in_dim3A_415, %add3A_438], %gather3A : memref<64x128xf32, #tpu.memory_space<vmem>>[vector<16xi32>, vector<16xi32>], vector<16xf32>,
        %gather3A_439 = tpu.vector_load_idx %arg10[%broadcast_in_dim3A_314, %add3A_435, %broadcast_in_dim3A_432] : memref<5x64x128xf32, #tpu.memory_space<vmem>>[vector<16xi32>, vector<16xi32>, vector<16xi32>], vector<16xf32>,
        %add3A_440 = arith.constant 64 : i32
        %add3A_441 = vector.broadcast %add3A_440 : i32 to vector<16xi32>
        %add3A_442 = arith.addi %iota3A, %add3A_441 : vector<16xi32>
        %add3A_443 = arith.constant 0 : i32
        %add3A_444 = vector.broadcast %add3A_443 : i32 to vector<16xi32>
        %add3A_445 = arith.addi %add3A_442, %add3A_444 : vector<16xi32>
        tpu.vector_store_idx %arg12[%broadcast_in_dim3A_415, %add3A_445], %gather3A_439 : memref<64x128xf32, #tpu.memory_space<vmem>>[vector<16xi32>, vector<16xi32>], vector<16xf32>,
        %add3A_446 = arith.constant 16 : i32
        %add3A_447 = vector.broadcast %add3A_446 : i32 to vector<16xi32>
        %add3A_448 = arith.addi %iota3A, %add3A_447 : vector<16xi32>
        %gather3A_449 = tpu.vector_load_idx %arg9[%broadcast_in_dim3A_314, %add3A_448, %broadcast_in_dim3A_432] : memref<5x64x128xf32, #tpu.memory_space<vmem>>[vector<16xi32>, vector<16xi32>, vector<16xi32>], vector<16xf32>,
        %add3A_450 = arith.constant 16 : i32
        %add3A_451 = vector.broadcast %add3A_450 : i32 to vector<16xi32>
        %add3A_452 = arith.addi %iota3A, %add3A_451 : vector<16xi32>
        tpu.vector_store_idx %arg12[%broadcast_in_dim3A_415, %add3A_452], %gather3A_449 : memref<64x128xf32, #tpu.memory_space<vmem>>[vector<16xi32>, vector<16xi32>], vector<16xf32>,
        %gather3A_453 = tpu.vector_load_idx %arg10[%broadcast_in_dim3A_314, %add3A_448, %broadcast_in_dim3A_432] : memref<5x64x128xf32, #tpu.memory_space<vmem>>[vector<16xi32>, vector<16xi32>, vector<16xi32>], vector<16xf32>,
        %add3A_454 = arith.constant 64 : i32
        %add3A_455 = vector.broadcast %add3A_454 : i32 to vector<16xi32>
        %add3A_456 = arith.addi %iota3A, %add3A_455 : vector<16xi32>
        %add3A_457 = arith.constant 16 : i32
        %add3A_458 = vector.broadcast %add3A_457 : i32 to vector<16xi32>
        %add3A_459 = arith.addi %add3A_456, %add3A_458 : vector<16xi32>
        tpu.vector_store_idx %arg12[%broadcast_in_dim3A_415, %add3A_459], %gather3A_453 : memref<64x128xf32, #tpu.memory_space<vmem>>[vector<16xi32>, vector<16xi32>], vector<16xf32>,
        %add3A_460 = arith.constant 32 : i32
        %add3A_461 = vector.broadcast %add3A_460 : i32 to vector<16xi32>
        %add3A_462 = arith.addi %iota3A, %add3A_461 : vector<16xi32>
        %gather3A_463 = tpu.vector_load_idx %arg9[%broadcast_in_dim3A_314, %add3A_462, %broadcast_in_dim3A_432] : memref<5x64x128xf32, #tpu.memory_space<vmem>>[vector<16xi32>, vector<16xi32>, vector<16xi32>], vector<16xf32>,
        %add3A_464 = arith.constant 32 : i32
        %add3A_465 = vector.broadcast %add3A_464 : i32 to vector<16xi32>
        %add3A_466 = arith.addi %iota3A, %add3A_465 : vector<16xi32>
        tpu.vector_store_idx %arg12[%broadcast_in_dim3A_415, %add3A_466], %gather3A_463 : memref<64x128xf32, #tpu.memory_space<vmem>>[vector<16xi32>, vector<16xi32>], vector<16xf32>,
        %gather3A_467 = tpu.vector_load_idx %arg10[%broadcast_in_dim3A_314, %add3A_462, %broadcast_in_dim3A_432] : memref<5x64x128xf32, #tpu.memory_space<vmem>>[vector<16xi32>, vector<16xi32>, vector<16xi32>], vector<16xf32>,
        %add3A_468 = arith.constant 64 : i32
        %add3A_469 = vector.broadcast %add3A_468 : i32 to vector<16xi32>
        %add3A_470 = arith.addi %iota3A, %add3A_469 : vector<16xi32>
        %add3A_471 = arith.constant 32 : i32
        %add3A_472 = vector.broadcast %add3A_471 : i32 to vector<16xi32>
        %add3A_473 = arith.addi %add3A_470, %add3A_472 : vector<16xi32>
        tpu.vector_store_idx %arg12[%broadcast_in_dim3A_415, %add3A_473], %gather3A_467 : memref<64x128xf32, #tpu.memory_space<vmem>>[vector<16xi32>, vector<16xi32>], vector<16xf32>,
        %add3A_474 = arith.constant 48 : i32
        %add3A_475 = vector.broadcast %add3A_474 : i32 to vector<16xi32>
        %add3A_476 = arith.addi %iota3A, %add3A_475 : vector<16xi32>
        %gather3A_477 = tpu.vector_load_idx %arg9[%broadcast_in_dim3A_314, %add3A_476, %broadcast_in_dim3A_432] : memref<5x64x128xf32, #tpu.memory_space<vmem>>[vector<16xi32>, vector<16xi32>, vector<16xi32>], vector<16xf32>,
        %add3A_478 = arith.constant 48 : i32
        %add3A_479 = vector.broadcast %add3A_478 : i32 to vector<16xi32>
        %add3A_480 = arith.addi %iota3A, %add3A_479 : vector<16xi32>
        tpu.vector_store_idx %arg12[%broadcast_in_dim3A_415, %add3A_480], %gather3A_477 : memref<64x128xf32, #tpu.memory_space<vmem>>[vector<16xi32>, vector<16xi32>], vector<16xf32>,
        %gather3A_481 = tpu.vector_load_idx %arg10[%broadcast_in_dim3A_314, %add3A_476, %broadcast_in_dim3A_432] : memref<5x64x128xf32, #tpu.memory_space<vmem>>[vector<16xi32>, vector<16xi32>, vector<16xi32>], vector<16xf32>,
        %add3A_482 = arith.constant 64 : i32
        %add3A_483 = vector.broadcast %add3A_482 : i32 to vector<16xi32>
        %add3A_484 = arith.addi %iota3A, %add3A_483 : vector<16xi32>
        %add3A_485 = arith.constant 48 : i32
        %add3A_486 = vector.broadcast %add3A_485 : i32 to vector<16xi32>
        %add3A_487 = arith.addi %add3A_484, %add3A_486 : vector<16xi32>
        tpu.vector_store_idx %arg12[%broadcast_in_dim3A_415, %add3A_487], %gather3A_481 : memref<64x128xf32, #tpu.memory_space<vmem>>[vector<16xi32>, vector<16xi32>], vector<16xf32>,
        %broadcast_in_dim3A_488 = vector.broadcast %and3A_414 : i32 to vector<16xi32>
        tpu.vector_store_idx %arg13[%broadcast_in_dim3A_415], %broadcast_in_dim3A_488 masked %eq3A_8 : memref<64xi32, #tpu.memory_space<vmem>>[vector<16xi32>], vector<16xi32>, vector<16xi1>
        %add3A_489 = arith.constant 1 : i32
        %add3A_490 = arith.addi %while3A_407, %add3A_489 : i32
        %eq3A_491 = arith.constant 64 : i32
        %eq3A_492 = arith.cmpi eq, %add3A_490, %eq3A_491 : i32
        %convert_element_type3A_493 = arith.extui %eq3A_492 : i1 to i32
        %cond3A_494 = arith.constant 0 : i32
        %cond3A_495 = arith.cmpi ne, %convert_element_type3A_493, %cond3A_494 : i32
        scf.if %cond3A_495 {
          %dma_start3A = arith.constant 0 : i32
          %dma_start3A_500 = arith.constant 0 : i32
          %dma_start3A_501 = tpu.memref_slice %arg5[%dma_start3A, %dma_start3A_500] : memref<16392x128xf32, #tpu.memory_space<hbm>> -> memref<16392x128xf32, #tpu.memory_space<hbm>>
          tpu.enqueue_indirect_dma source(%arg12 : memref<64x128xf32, #tpu.memory_space<vmem>>) target(%dma_start3A_501 : memref<16392x128xf32, #tpu.memory_space<hbm>>) offsets(%arg13 : memref<64xi32, #tpu.memory_space<vmem>>) semaphore(%arg16 : memref<!tpu.dma_semaphore, #tpu.memory_space<semaphore_mem>>)
          %dma_wait3A = arith.constant 0 : i32
          %dma_wait3A_502 = arith.constant 0 : i32
          %dma_wait3A_503 = tpu.memref_slice %arg5[%dma_wait3A, %dma_wait3A_502] : memref<16392x128xf32, #tpu.memory_space<hbm>> -> memref<16392x128xf32, #tpu.memory_space<hbm>>
          tpu.wait_indirect_dma semaphore(%arg16 : memref<!tpu.dma_semaphore, #tpu.memory_space<semaphore_mem>>) src(%arg12 : memref<64x128xf32, #tpu.memory_space<vmem>>) dst(%dma_wait3A_503 : memref<16392x128xf32, #tpu.memory_space<hbm>>)
          %broadcast_in_dim3A_504 = arith.constant 16384 : i32
          %broadcast_in_dim3A_505 = vector.broadcast %broadcast_in_dim3A_504 : i32 to vector<16xi32>
          %swap3A_506 = arith.constant 0 : index
          %swap3A_507 = tpu.vector_load %arg13[%swap3A_506] {strides = array<i32>} : memref<64xi32, #tpu.memory_space<vmem>>, vector<16xi32>,
          tpu.vector_store %arg13[%swap3A_506], %broadcast_in_dim3A_505 {strides = array<i32>} : memref<64xi32, #tpu.memory_space<vmem>>, vector<16xi32>,
          %broadcast_in_dim3A_508 = arith.constant 16384 : i32
          %broadcast_in_dim3A_509 = vector.broadcast %broadcast_in_dim3A_508 : i32 to vector<16xi32>
          %swap3A_510 = arith.constant 16 : index
          %swap3A_511 = tpu.vector_load %arg13[%swap3A_510] {strides = array<i32>} : memref<64xi32, #tpu.memory_space<vmem>>, vector<16xi32>,
          tpu.vector_store %arg13[%swap3A_510], %broadcast_in_dim3A_509 {strides = array<i32>} : memref<64xi32, #tpu.memory_space<vmem>>, vector<16xi32>,
          %broadcast_in_dim3A_512 = arith.constant 16384 : i32
          %broadcast_in_dim3A_513 = vector.broadcast %broadcast_in_dim3A_512 : i32 to vector<16xi32>
          %swap3A_514 = arith.constant 32 : index
          %swap3A_515 = tpu.vector_load %arg13[%swap3A_514] {strides = array<i32>} : memref<64xi32, #tpu.memory_space<vmem>>, vector<16xi32>,
          tpu.vector_store %arg13[%swap3A_514], %broadcast_in_dim3A_513 {strides = array<i32>} : memref<64xi32, #tpu.memory_space<vmem>>, vector<16xi32>,
          %broadcast_in_dim3A_516 = arith.constant 16384 : i32
          %broadcast_in_dim3A_517 = vector.broadcast %broadcast_in_dim3A_516 : i32 to vector<16xi32>
          %swap3A_518 = arith.constant 48 : index
          %swap3A_519 = tpu.vector_load %arg13[%swap3A_518] {strides = array<i32>} : memref<64xi32, #tpu.memory_space<vmem>>, vector<16xi32>,
          tpu.vector_store %arg13[%swap3A_518], %broadcast_in_dim3A_517 {strides = array<i32>} : memref<64xi32, #tpu.memory_space<vmem>>, vector<16xi32>,
        } else {
        }
        %eq3A_496 = arith.constant 64 : i32
        %eq3A_497 = arith.cmpi eq, %add3A_490, %eq3A_496 : i32
        %jit3A_498 = arith.constant 0 : i32
        %select_n3A_499 = arith.select %eq3A_497, %jit3A_498, %add3A_490 : i32
        scf.yield %select_n3A_499 : i32
      }
      %while3A_404 = arith.constant 1 : i32
      %while3A_405 = scf.for %while3A_406 = %while3A_401 to %while3A_397 step %while3A_404 iter_args(%while3A_407 = %while3A_403) -> (i32)  : i32 {
        %get3A_408 = arith.index_cast %while3A_406 : i32 to index
        %get3A_409 = tpu.vector_load %arg11[%get3A_408] {strides = array<i32>} : memref<4112xi32, #tpu.memory_space<vmem>>, vector<16xi32>,
        %slice3A_410 = vector.extract_strided_slice %get3A_409 {offsets = [0], sizes = [1], strides = [1]} : vector<16xi32> to vector<1xi32>
        %squeeze3A_411 = vector.extract %slice3A_410[0] : i32 from vector<1xi32>
        %shift_right_logical3A = arith.constant 14 : i32
        %shift_right_logical3A_412 = arith.shrui %squeeze3A_411, %shift_right_logical3A : i32
        %and3A_413 = arith.constant 16383 : i32
        %and3A_414 = arith.andi %squeeze3A_411, %and3A_413 : i32
        %broadcast_in_dim3A_415 = vector.broadcast %while3A_407 : i32 to vector<16xi32>
        %jit3A_416 = arith.constant 128 : i32
        %eq3A_417 = arith.constant 0 : i32
        %eq3A_418 = arith.cmpi eq, %jit3A_416, %eq3A_417 : i32
        %jit3A_419 = arith.constant 1 : i32
        %select_n3A_420 = arith.select %eq3A_418, %jit3A_419, %jit3A_416 : i32
        %rem3A_421 = arith.remsi %shift_right_logical3A_412, %select_n3A_420 : i32
        %ne3A_422 = arith.constant 0 : i32
        %ne3A_423 = arith.cmpi ne, %rem3A_421, %ne3A_422 : i32
        %lt3A_424 = arith.constant 0 : i32
        %lt3A_425 = arith.cmpi slt, %rem3A_421, %lt3A_424 : i32
        %lt3A_426 = arith.constant 0 : i32
        %lt3A_427 = arith.cmpi slt, %select_n3A_420, %lt3A_426 : i32
        %ne3A_428 = arith.xori %lt3A_425, %lt3A_427 : i1
        %and3A_429 = arith.andi %ne3A_428, %ne3A_423 : i1
        %add3A_430 = arith.addi %rem3A_421, %select_n3A_420 : i32
        %select_n3A_431 = arith.select %and3A_429, %add3A_430, %rem3A_421 : i32
        %broadcast_in_dim3A_432 = vector.broadcast %select_n3A_431 : i32 to vector<16xi32>
        %add3A_433 = arith.constant 0 : i32
        %add3A_434 = vector.broadcast %add3A_433 : i32 to vector<16xi32>
        %add3A_435 = arith.addi %iota3A, %add3A_434 : vector<16xi32>
        %gather3A = tpu.vector_load_idx %arg9[%broadcast_in_dim3A_314, %add3A_435, %broadcast_in_dim3A_432] : memref<5x64x128xf32, #tpu.memory_space<vmem>>[vector<16xi32>, vector<16xi32>, vector<16xi32>], vector<16xf32>,
        %add3A_436 = arith.constant 0 : i32
        %add3A_437 = vector.broadcast %add3A_436 : i32 to vector<16xi32>
        %add3A_438 = arith.addi %iota3A, %add3A_437 : vector<16xi32>
        tpu.vector_store_idx %arg12[%broadcast_in_dim3A_415, %add3A_438], %gather3A : memref<64x128xf32, #tpu.memory_space<vmem>>[vector<16xi32>, vector<16xi32>], vector<16xf32>,
        %gather3A_439 = tpu.vector_load_idx %arg10[%broadcast_in_dim3A_314, %add3A_435, %broadcast_in_dim3A_432] : memref<5x64x128xf32, #tpu.memory_space<vmem>>[vector<16xi32>, vector<16xi32>, vector<16xi32>], vector<16xf32>,
        %add3A_440 = arith.constant 64 : i32
        %add3A_441 = vector.broadcast %add3A_440 : i32 to vector<16xi32>
        %add3A_442 = arith.addi %iota3A, %add3A_441 : vector<16xi32>
        %add3A_443 = arith.constant 0 : i32
        %add3A_444 = vector.broadcast %add3A_443 : i32 to vector<16xi32>
        %add3A_445 = arith.addi %add3A_442, %add3A_444 : vector<16xi32>
        tpu.vector_store_idx %arg12[%broadcast_in_dim3A_415, %add3A_445], %gather3A_439 : memref<64x128xf32, #tpu.memory_space<vmem>>[vector<16xi32>, vector<16xi32>], vector<16xf32>,
        %add3A_446 = arith.constant 16 : i32
        %add3A_447 = vector.broadcast %add3A_446 : i32 to vector<16xi32>
        %add3A_448 = arith.addi %iota3A, %add3A_447 : vector<16xi32>
        %gather3A_449 = tpu.vector_load_idx %arg9[%broadcast_in_dim3A_314, %add3A_448, %broadcast_in_dim3A_432] : memref<5x64x128xf32, #tpu.memory_space<vmem>>[vector<16xi32>, vector<16xi32>, vector<16xi32>], vector<16xf32>,
        %add3A_450 = arith.constant 16 : i32
        %add3A_451 = vector.broadcast %add3A_450 : i32 to vector<16xi32>
        %add3A_452 = arith.addi %iota3A, %add3A_451 : vector<16xi32>
        tpu.vector_store_idx %arg12[%broadcast_in_dim3A_415, %add3A_452], %gather3A_449 : memref<64x128xf32, #tpu.memory_space<vmem>>[vector<16xi32>, vector<16xi32>], vector<16xf32>,
        %gather3A_453 = tpu.vector_load_idx %arg10[%broadcast_in_dim3A_314, %add3A_448, %broadcast_in_dim3A_432] : memref<5x64x128xf32, #tpu.memory_space<vmem>>[vector<16xi32>, vector<16xi32>, vector<16xi32>], vector<16xf32>,
        %add3A_454 = arith.constant 64 : i32
        %add3A_455 = vector.broadcast %add3A_454 : i32 to vector<16xi32>
        %add3A_456 = arith.addi %iota3A, %add3A_455 : vector<16xi32>
        %add3A_457 = arith.constant 16 : i32
        %add3A_458 = vector.broadcast %add3A_457 : i32 to vector<16xi32>
        %add3A_459 = arith.addi %add3A_456, %add3A_458 : vector<16xi32>
        tpu.vector_store_idx %arg12[%broadcast_in_dim3A_415, %add3A_459], %gather3A_453 : memref<64x128xf32, #tpu.memory_space<vmem>>[vector<16xi32>, vector<16xi32>], vector<16xf32>,
        %add3A_460 = arith.constant 32 : i32
        %add3A_461 = vector.broadcast %add3A_460 : i32 to vector<16xi32>
        %add3A_462 = arith.addi %iota3A, %add3A_461 : vector<16xi32>
        %gather3A_463 = tpu.vector_load_idx %arg9[%broadcast_in_dim3A_314, %add3A_462, %broadcast_in_dim3A_432] : memref<5x64x128xf32, #tpu.memory_space<vmem>>[vector<16xi32>, vector<16xi32>, vector<16xi32>], vector<16xf32>,
        %add3A_464 = arith.constant 32 : i32
        %add3A_465 = vector.broadcast %add3A_464 : i32 to vector<16xi32>
        %add3A_466 = arith.addi %iota3A, %add3A_465 : vector<16xi32>
        tpu.vector_store_idx %arg12[%broadcast_in_dim3A_415, %add3A_466], %gather3A_463 : memref<64x128xf32, #tpu.memory_space<vmem>>[vector<16xi32>, vector<16xi32>], vector<16xf32>,
        %gather3A_467 = tpu.vector_load_idx %arg10[%broadcast_in_dim3A_314, %add3A_462, %broadcast_in_dim3A_432] : memref<5x64x128xf32, #tpu.memory_space<vmem>>[vector<16xi32>, vector<16xi32>, vector<16xi32>], vector<16xf32>,
        %add3A_468 = arith.constant 64 : i32
        %add3A_469 = vector.broadcast %add3A_468 : i32 to vector<16xi32>
        %add3A_470 = arith.addi %iota3A, %add3A_469 : vector<16xi32>
        %add3A_471 = arith.constant 32 : i32
        %add3A_472 = vector.broadcast %add3A_471 : i32 to vector<16xi32>
        %add3A_473 = arith.addi %add3A_470, %add3A_472 : vector<16xi32>
        tpu.vector_store_idx %arg12[%broadcast_in_dim3A_415, %add3A_473], %gather3A_467 : memref<64x128xf32, #tpu.memory_space<vmem>>[vector<16xi32>, vector<16xi32>], vector<16xf32>,
        %add3A_474 = arith.constant 48 : i32
        %add3A_475 = vector.broadcast %add3A_474 : i32 to vector<16xi32>
        %add3A_476 = arith.addi %iota3A, %add3A_475 : vector<16xi32>
        %gather3A_477 = tpu.vector_load_idx %arg9[%broadcast_in_dim3A_314, %add3A_476, %broadcast_in_dim3A_432] : memref<5x64x128xf32, #tpu.memory_space<vmem>>[vector<16xi32>, vector<16xi32>, vector<16xi32>], vector<16xf32>,
        %add3A_478 = arith.constant 48 : i32
        %add3A_479 = vector.broadcast %add3A_478 : i32 to vector<16xi32>
        %add3A_480 = arith.addi %iota3A, %add3A_479 : vector<16xi32>
        tpu.vector_store_idx %arg12[%broadcast_in_dim3A_415, %add3A_480], %gather3A_477 : memref<64x128xf32, #tpu.memory_space<vmem>>[vector<16xi32>, vector<16xi32>], vector<16xf32>,
        %gather3A_481 = tpu.vector_load_idx %arg10[%broadcast_in_dim3A_314, %add3A_476, %broadcast_in_dim3A_432] : memref<5x64x128xf32, #tpu.memory_space<vmem>>[vector<16xi32>, vector<16xi32>, vector<16xi32>], vector<16xf32>,
        %add3A_482 = arith.constant 64 : i32
        %add3A_483 = vector.broadcast %add3A_482 : i32 to vector<16xi32>
        %add3A_484 = arith.addi %iota3A, %add3A_483 : vector<16xi32>
        %add3A_485 = arith.constant 48 : i32
        %add3A_486 = vector.broadcast %add3A_485 : i32 to vector<16xi32>
        %add3A_487 = arith.addi %add3A_484, %add3A_486 : vector<16xi32>
        tpu.vector_store_idx %arg12[%broadcast_in_dim3A_415, %add3A_487], %gather3A_481 : memref<64x128xf32, #tpu.memory_space<vmem>>[vector<16xi32>, vector<16xi32>], vector<16xf32>,
        %broadcast_in_dim3A_488 = vector.broadcast %and3A_414 : i32 to vector<16xi32>
        tpu.vector_store_idx %arg13[%broadcast_in_dim3A_415], %broadcast_in_dim3A_488 masked %eq3A_8 : memref<64xi32, #tpu.memory_space<vmem>>[vector<16xi32>], vector<16xi32>, vector<16xi1>
        %add3A_489 = arith.constant 1 : i32
        %add3A_490 = arith.addi %while3A_407, %add3A_489 : i32
        %eq3A_491 = arith.constant 64 : i32
        %eq3A_492 = arith.cmpi eq, %add3A_490, %eq3A_491 : i32
        %convert_element_type3A_493 = arith.extui %eq3A_492 : i1 to i32
        %cond3A_494 = arith.constant 0 : i32
        %cond3A_495 = arith.cmpi ne, %convert_element_type3A_493, %cond3A_494 : i32
        scf.if %cond3A_495 {
          %dma_start3A = arith.constant 0 : i32
          %dma_start3A_500 = arith.constant 0 : i32
          %dma_start3A_501 = tpu.memref_slice %arg5[%dma_start3A, %dma_start3A_500] : memref<16392x128xf32, #tpu.memory_space<hbm>> -> memref<16392x128xf32, #tpu.memory_space<hbm>>
          tpu.enqueue_indirect_dma source(%arg12 : memref<64x128xf32, #tpu.memory_space<vmem>>) target(%dma_start3A_501 : memref<16392x128xf32, #tpu.memory_space<hbm>>) offsets(%arg13 : memref<64xi32, #tpu.memory_space<vmem>>) semaphore(%arg16 : memref<!tpu.dma_semaphore, #tpu.memory_space<semaphore_mem>>)
          %dma_wait3A = arith.constant 0 : i32
          %dma_wait3A_502 = arith.constant 0 : i32
          %dma_wait3A_503 = tpu.memref_slice %arg5[%dma_wait3A, %dma_wait3A_502] : memref<16392x128xf32, #tpu.memory_space<hbm>> -> memref<16392x128xf32, #tpu.memory_space<hbm>>
          tpu.wait_indirect_dma semaphore(%arg16 : memref<!tpu.dma_semaphore, #tpu.memory_space<semaphore_mem>>) src(%arg12 : memref<64x128xf32, #tpu.memory_space<vmem>>) dst(%dma_wait3A_503 : memref<16392x128xf32, #tpu.memory_space<hbm>>)
          %broadcast_in_dim3A_504 = arith.constant 16384 : i32
          %broadcast_in_dim3A_505 = vector.broadcast %broadcast_in_dim3A_504 : i32 to vector<16xi32>
          %swap3A_506 = arith.constant 0 : index
          %swap3A_507 = tpu.vector_load %arg13[%swap3A_506] {strides = array<i32>} : memref<64xi32, #tpu.memory_space<vmem>>, vector<16xi32>,
          tpu.vector_store %arg13[%swap3A_506], %broadcast_in_dim3A_505 {strides = array<i32>} : memref<64xi32, #tpu.memory_space<vmem>>, vector<16xi32>,
          %broadcast_in_dim3A_508 = arith.constant 16384 : i32
          %broadcast_in_dim3A_509 = vector.broadcast %broadcast_in_dim3A_508 : i32 to vector<16xi32>
          %swap3A_510 = arith.constant 16 : index
          %swap3A_511 = tpu.vector_load %arg13[%swap3A_510] {strides = array<i32>} : memref<64xi32, #tpu.memory_space<vmem>>, vector<16xi32>,
          tpu.vector_store %arg13[%swap3A_510], %broadcast_in_dim3A_509 {strides = array<i32>} : memref<64xi32, #tpu.memory_space<vmem>>, vector<16xi32>,
          %broadcast_in_dim3A_512 = arith.constant 16384 : i32
          %broadcast_in_dim3A_513 = vector.broadcast %broadcast_in_dim3A_512 : i32 to vector<16xi32>
          %swap3A_514 = arith.constant 32 : index
          %swap3A_515 = tpu.vector_load %arg13[%swap3A_514] {strides = array<i32>} : memref<64xi32, #tpu.memory_space<vmem>>, vector<16xi32>,
          tpu.vector_store %arg13[%swap3A_514], %broadcast_in_dim3A_513 {strides = array<i32>} : memref<64xi32, #tpu.memory_space<vmem>>, vector<16xi32>,
          %broadcast_in_dim3A_516 = arith.constant 16384 : i32
          %broadcast_in_dim3A_517 = vector.broadcast %broadcast_in_dim3A_516 : i32 to vector<16xi32>
          %swap3A_518 = arith.constant 48 : index
          %swap3A_519 = tpu.vector_load %arg13[%swap3A_518] {strides = array<i32>} : memref<64xi32, #tpu.memory_space<vmem>>, vector<16xi32>,
          tpu.vector_store %arg13[%swap3A_518], %broadcast_in_dim3A_517 {strides = array<i32>} : memref<64xi32, #tpu.memory_space<vmem>>, vector<16xi32>,
        } else {
        }
        %eq3A_496 = arith.constant 64 : i32
        %eq3A_497 = arith.cmpi eq, %add3A_490, %eq3A_496 : i32
        %jit3A_498 = arith.constant 0 : i32
        %select_n3A_499 = arith.select %eq3A_497, %jit3A_498, %add3A_490 : i32
        scf.yield %select_n3A_499 : i32
      }
      scf.yield %while3A_405 : i32
    }
    %scan3A_257 = arith.constant 245 : i32
    %gt3A = arith.constant 0 : i32
    %gt3A_258 = arith.cmpi sgt, %scan3A_256, %gt3A : i32
    %convert_element_type3A_259 = arith.extui %gt3A_258 : i1 to i32
    %cond3A_260 = arith.constant 0 : i32
    %cond3A_261 = arith.cmpi ne, %convert_element_type3A_259, %cond3A_260 : i32
    scf.if %cond3A_261 {
      %dma_start3A = arith.constant 0 : i32
      %dma_start3A_262 = arith.constant 0 : i32
      %dma_start3A_263 = tpu.memref_slice %arg5[%dma_start3A, %dma_start3A_262] : memref<16392x128xf32, #tpu.memory_space<hbm>> -> memref<16392x128xf32, #tpu.memory_space<hbm>>
      tpu.enqueue_indirect_dma source(%arg12 : memref<64x128xf32, #tpu.memory_space<vmem>>) target(%dma_start3A_263 : memref<16392x128xf32, #tpu.memory_space<hbm>>) offsets(%arg13 : memref<64xi32, #tpu.memory_space<vmem>>) semaphore(%arg16 : memref<!tpu.dma_semaphore, #tpu.memory_space<semaphore_mem>>)
      %dma_wait3A = arith.constant 0 : i32
      %dma_wait3A_264 = arith.constant 0 : i32
      %dma_wait3A_265 = tpu.memref_slice %arg5[%dma_wait3A, %dma_wait3A_264] : memref<16392x128xf32, #tpu.memory_space<hbm>> -> memref<16392x128xf32, #tpu.memory_space<hbm>>
      tpu.wait_indirect_dma semaphore(%arg16 : memref<!tpu.dma_semaphore, #tpu.memory_space<semaphore_mem>>) src(%arg12 : memref<64x128xf32, #tpu.memory_space<vmem>>) dst(%dma_wait3A_265 : memref<16392x128xf32, #tpu.memory_space<hbm>>)
    } else {
    }
    return
  }
}

</mosaic_0001>

<sc_bundles>
// kernel: kernel.3.cloned.1.call-start
scs
__scs_entry_jumppad:
0x0: {  	(pc) =	sbr.rel $0x88, $3  }
0x1: {  	(tag) =	ssettag $0x0;
	lr =	simm.s32 $0x1  }
0x2: {  	[smem:$0x3F9E] =	sst lr;
	_ =	strace $0xD0000000  }
0x3: {  	_ = 	snop  }
0x4: {  	_ = 	snop  }
0x5: {  	_ = 	snop  }
0x6: {  	_ = 	snop  }
0x7: {  	_ = 	snop  }
__scs_overlays_trampoline_lowered:
0x8: {  	[smem:$0x3FAD] =	sst s0  }
0x9: {  	[smem:$0x3FAE] =	sst s1  }
0xa: {  	[smem:$0x3FAF] =	sst s2  }
0xb: {  	[smem:$0x3FB0] =	sst s3  }
0xc: {  	[smem:$0x3FB1] =	sst s4  }
0xd: {  	[smem:$0x3FB2] =	sst s5  }
0xe: {  	[smem:$0x3FB3] =	sst s6  }
0xf: {  	[smem:$0x3FB4] =	sst s7  }
0x10: {  	[smem:$0x3FB5] =	sst s8  }
0x11: {  	[smem:$0x3FB6] =	sst s9;
	s0 =	simm.s32 @!p0 $0x0  }
0x12: {  	s1 =	sld [smem:$0x3F9C];
	s0 =	simm.s32 @p0 $0x1  }
0x13: {  	[smem:$0x3FB7] =	sst s0;
	s0 =	simm.s32 @!p1 $0x0  }
0x14: {  	s2 =	sld [smem:$0x3F9B];
	s0 =	simm.s32 @p1 $0x1  }
0x15: {  	[smem:$0x3FB8] =	sst s0;
	s0 =	simm.s32 @!p2 $0x0  }
0x16: {  	s3 =	sld [smem:$0x3FDB];
	s0 =	simm.s32 @p2 $0x1  }
0x17: {  	s4 =	simm.s32 $0x1BF5;
	[smem:$0x3FBA] =	sst s0  }
0x18: {  	s0 =	sld [smem:$0x3F9D];
	_ =	swait.ge [sflag:s4], $0x0  }
0x19: {  	s7 =	sld [smem:$0x3F9E]  }
0x1a: {  	s8 =	sadd.s32 $0xFFFFE003, lr  }
0x1b: {  	s9 =	sadd.s32 $0xFFFFFEF7, lr;
	s5 =	simm.s32 $0xFFFFFFFF;
	p2 =	slt.u32 s8, $0xFFFFF086  }
0x1c: {  	p1 =	slt.u32 s9, $0xF7A;
	s5 =	simm.s32 @!p2 $0x0  }
0x1d: {  	s5 =	simm.s32 @p1 $0x1;
	p0 =	seq.s32 s7, s2  }
0x1e: {  	s7 =	smul.u32 @!p0 $0xF7A, s2;
	p2 =	seq.s32 @!p0 s5, $0x0  }
0x1f: {  	s9 =	smul.u32 $0xF7A, s1;
	s8 =	simm.s32 @!p0 $0x1BF5;
	p2 =	por !p2, p0  }
0x20: {  	[sflag:s8] =	ssyncset.s32 @!p0 $0xFFFFF086;
	s6 =	sadd.s32 @!p0 s3, s7;
	s7 =	simm.s32 @!p0 $0x108  }
0x21: {  	s3 =	sadd.s32 s3, s9;
	s6 =	sadd.s32 @!p0 $0x88, s6;
	s7 =	simm.s32 @p2 $0x1082  }
0x22: {  	[simem:s7], [sflag:s8] =	dma.local @!p0 [hbm:s6], $0xF7A  }
0x23: {  	s9 =	sor.u32 $0xD0000000, s2;
	s6 =	simm.s32 $0x108;
	_ =	swait.ge @!p0 [sflag:s8], $0x0  }
0x24: {  	s3 =	sadd.s32 $0x88, s3;
	s6 =	simm.s32 @!p1 $0x1082;
	[sflag:s4] =	ssyncset.s32 $0xFFFFF086  }
0x25: {  	[simem:s6], [sflag:s4] =	dma.local [hbm:s3], $0xF7A  }
0x26: {  	[smem:$0x3F9E] =	sst s1;
	(tag) =	ssettag s2;
	_ =	strace s9  }
0x27: {  	s1 =	sld [smem:$0x3FAE]  }
0x28: {  	s2 =	sld [smem:$0x3FAF]  }
0x29: {  	s4 =	sld [smem:$0x3FB1]  }
0x2a: {  	p0 =	seq.s32 s5, $0x0;
	s5 =	sld [smem:$0x3FB2]  }
0x2b: {  	s6 =	sld [smem:$0x3FB3]  }
0x2c: {  	s7 =	sld [smem:$0x3FB4]  }
0x2d: {  	s3 =	simm.s32 $0x108;
	s8 =	sld [smem:$0x3FB5]  }
0x2e: {  	s3 =	simm.s32 @!p0 $0x1082;
	s9 =	sld [smem:$0x3FB6]  }
0x2f: {  	lr =	sadd.s32 s0, s3;
	s0 =	sld [smem:$0x3FAD]  }
0x30: {  	s3 =	sld [smem:$0x3FB0]  }
0x31: {  	[smem:$0x3FB9] =	sst s10  }
0x32: {  	s10 =	sld [smem:$0x3FB7];
	_ =	sdelay $0x3  }
0x33: {  	p0 =	seq.s32 s10, $0x1;
	s10 =	sld [smem:$0x3FB9];
	_ =	sdelay $0x3  }
0x34: {  	[smem:$0x3FB9] =	sst s10  }
0x35: {  	s10 =	sld [smem:$0x3FB8];
	_ =	sdelay $0x3  }
0x36: {  	p1 =	seq.s32 s10, $0x1;
	s10 =	sld [smem:$0x3FB9];
	_ =	sdelay $0x3  }
0x37: {  	[smem:$0x3FB9] =	sst s10  }
0x38: {  	s10 =	sld [smem:$0x3FBA]  }
0x39: {  	_ = 	snop;
	(pc) =	sbr.ind lr, $3  }
0x3a: {  	_ = 	snop  }
0x3b: {  	_ = 	snop  }
0x3c: {  	p2 =	seq.s32 s10, $0x1;
	s10 =	sld [smem:$0x3FB9]  }
0x3d: {  	_ =	shalt  }
0x3e: {  	_ =	shalt  }
0x3f: {  	_ =	shalt  }
0x40: {  	_ =	shalt  }
0x41: {  	_ =	shalt  }
0x42: {  	_ =	shalt  }
0x43: {  	_ =	shalt  }
0x44: {  	_ =	shalt  }
0x45: {  	_ =	shalt  }
0x46: {  	_ =	shalt  }
0x47: {  	_ =	shalt  }
0x48: {  	_ =	shalt  }
0x49: {  	_ =	shalt  }
0x4a: {  	_ =	shalt  }
0x4b: {  	_ =	shalt  }
0x4c: {  	_ =	shalt  }
0x4d: {  	_ =	shalt  }
0x4e: {  	_ =	shalt  }
0x4f: {  	_ =	shalt  }
0x50: {  	_ =	shalt  }
0x51: {  	_ =	shalt  }
0x52: {  	_ =	shalt  }
0x53: {  	_ =	shalt  }
0x54: {  	_ =	shalt  }
0x55: {  	_ =	shalt  }
0x56: {  	_ =	shalt  }
0x57: {  	_ =	shalt  }
0x58: {  	_ =	shalt  }
0x59: {  	_ =	shalt  }
0x5a: {  	_ =	shalt  }
0x5b: {  	_ =	shalt  }
0x5c: {  	_ =	shalt  }
0x5d: {  	_ =	shalt  }
0x5e: {  	_ =	shalt  }
0x5f: {  	_ =	shalt  }
0x60: {  	_ =	shalt  }
0x61: {  	_ =	shalt  }
0x62: {  	_ =	shalt  }
0x63: {  	_ =	shalt  }
0x64: {  	_ =	shalt  }
0x65: {  	_ =	shalt  }
0x66: {  	_ =	shalt  }
0x67: {  	_ =	shalt  }
0x68: {  	_ =	shalt  }
0x69: {  	_ =	shalt  }
0x6a: {  	_ =	shalt  }
0x6b: {  	_ =	shalt  }
0x6c: {  	_ =	shalt  }
0x6d: {  	_ =	shalt  }
0x6e: {  	_ =	shalt  }
0x6f: {  	_ =	shalt  }
0x70: {  	_ =	shalt  }
0x71: {  	_ =	shalt  }
0x72: {  	_ =	shalt  }
0x73: {  	_ =	shalt  }
0x74: {  	_ =	shalt  }
0x75: {  	_ =	shalt  }
0x76: {  	_ =	shalt  }
0x77: {  	_ =	shalt  }
0x78: {  	_ =	shalt  }
0x79: {  	_ =	shalt  }
0x7a: {  	_ =	shalt  }
0x7b: {  	_ =	shalt  }
0x7c: {  	_ =	shalt  }
0x7d: {  	_ =	shalt  }
0x7e: {  	_ =	shalt  }
0x7f: {  	_ =	shalt  }
0x80: {  	_ =	shalt  }
0x81: {  	_ =	shalt  }
0x82: {  	_ =	shalt  }
0x83: {  	_ =	shalt  }
0x84: {  	_ =	shalt  }
0x85: {  	_ =	shalt  }
0x86: {  	_ =	shalt  }
0x87: {  	_ =	shalt  }
.Lfunc_end0:
.L_simem_size_0:
called_computation_lowered:
.L_overlay_start_0:
0x88: {  	s2 =	sld [smem:$0x3FD9]  }
0x89: {  	s3 =	sld [smem:$0x3FFE];
	_ =	sdelay $0x1  }
0x8a: {  	s1 =	srdreg.scid  }
0x8b: {  	s0 =	sand.u32 $0x1, s1  }
0x8c: {  	s17 =	sshll.u32 s0, $0xA;
	s2 =	sadd.s32 s3, s2  }
0x8d: {  	s2 =	sadd.s32 s2, s17  }
0x8e: {  	[smem:$0x3FC5] =	sst s2  }
0x8f: {  	_ = 	snop  }
0x90: {  	s2 =	sld [smem:$0x3FC9]  }
0x91: {  	s18 =	sld [smem:$0x3FC8]  }
0x92: {  	s4 =	sld [smem:$0x3FC7];
	(tm) =	ssettm $0x1  }
0x93: {  	s5 =	sld [smem:$0x3FFB];
	_ =	sdelay $0x3  }
0x94: {  	_ =	strace s5  }
0x95: {  	s5 =	sld [smem:$0x3FFC];
	_ =	sdelay $0x3  }
0x96: {  	_ =	strace s5  }
0x97: {  	s5 =	sld [smem:$0x3FFD];
	_ =	sdelay $0x3  }
0x98: {  	_ =	strace s5  }
0x99: {  	_ =	strace $0x8FFFFFFF  }
0x9a: {  	s19 =	sld [smem:$0x3FDB];
	_ =	sdelay $0x1  }
0x9b: {  	s6 =	simm.s32 $_scs_section_size  }
0x9c: {  	s7 =	simm.s32 $_size__tile_overlayer_lowered;
	s8 =	simm.s32 $_tile_overlayer_lowered  }
0x9d: {  	s22 =	simm.s32 $0x1BFF;
	s21 =	sshll.u32 s8, $0x1;
	s5 =	sadd.s32 s6, s19  }
0x9e: {  	s9 =	simm.s32 $0x0;
	s20 =	sshll.u32 s7, $0x1;
	s7 =	sadd.s32 s21, s5  }
0x9f: {  	[timem:s9], [sflag:s22] =	dma.local [hbm:s7], s20  }
0xa0: {  	_ =	swait.ge [sflag:s22], s20  }
0xa1: {  	s6 =	ssub.s32 $0x0, s20;
	[sflag:s22] =	ssyncset.done $0x0  }
0xa2: {  	[sflag:s22] =	ssyncadd.s32 s6;
	_ =	sdelay $0x1  }
0xa3: {  	s23 =	simm.s32 $0x1B8B  }
0xa4: {  	_ =	swait.ge [sflag:s23], $0x1  }
0xa5: {  	[sflag:s23] =	ssyncset.done $0x0  }
0xa6: {  	s25 =	simm.s32 $0x1B8E;
	s24 =	sld [smem:$0x3FFE];
	[sflag:s23] =	ssyncadd.s32 $0xFFFFFFFF  }
0xa7: {  	s26 =	simm.s32 $execute0_lowered;
	[smem:$0x3FD2] =	sst s25  }
0xa8: {  	s7 =	sshll.u32 s26, $0x1;
	_ =	strace $0x80000046;
	[dreg:$0x1] =	wrdreg $0xFFFFFFFF  }
0xa9: {  	s28 =	simm.s32 $_size_execute0_lowered;
	s5 =	sadd.s32 s5, s7;
	[dreg:$0x0] =	wrdreg $0x0  }
0xaa: {  	s7 =	sshll.u32 s28, $0x1;
	[dreg:$0x2] =	wrdreg s5  }
0xab: {  	[dreg:$0x3] =	wrdreg s7  }
0xac: {  	[dreg:$0x4] =	wrdreg $0xC0  }
0xad: {  	_ =	task [dreg:s9], $0x5FFFF  }
0xae: {  	[dreg:$0x1] =	wrdreg $0xFFFFFFFF  }
0xaf: {  	[dreg:$0x0] =	wrdreg $0x60  }
0xb0: {  	[dreg:$0x2] =	wrdreg s2  }
0xb1: {  	[dreg:$0x3] =	wrdreg s18  }
0xb2: {  	[dreg:$0x4] =	wrdreg s4  }
0xb3: {  	[dreg:$0x5] =	wrdreg s24  }
0xb4: {  	[dreg:$0x6] =	wrdreg $0x9  }
0xb5: {  	_ =	task.clear_ibuf [dreg:s9], $0x7FFFF;
	_ =	strace $0x90000046  }
0xb6: {  	s29 =	simm.s32 $0x9;
	_ =	strace $0x80000048  }
0xb7: {  	_ =	swait.ge [sflag:s29], $0x1  }
0xb8: {  	[sflag:s29] =	ssyncadd.s32 $0xFFFFFFFF  }
0xb9: {  	_ =	strace $0x90000048  }
0xba: {  	_ =	sfence  }
0xbb: {  	s30 =	sld [smem:$0x0];
	_ =	sdelay $0x2  }
0xbc: {  	s31 =	sshll.u32 s1, $0xD;
	s1 =	sshrl.u32 s1, $0x2  }
0xbd: {  	s3 =	sand.u32 $0x4000, s31;
	s1 =	sadd.s32 s1, s30  }
0xbe: {  	s0 =	sor.u32 s3, s0;
	s1 =	sshll.u32 s1, $0x11  }
0xbf: {  	s0 =	sor.u32 s1, s0  }
0xc0: {  	s0 =	sadd.s32 $0x8F2B, s0  }
0xc1: {  	[sflag:s0] =	ssyncadd.remote.s32 $0x1  }
0xc2: {  	_ =	sfence.sel $0xFFFF  }
0xc3: {  	[dreg:$0x0] =	wrdreg $0xFFFFFFFF;
	(pc) =	sbr.abs _section_cstart, $3  }
0xc4: {  	[dreg:$0x1] =	wrdreg $0xFFFFFFFF  }
0xc5: {  	_ =	task.clear_ibuf [dreg:s9], $0x2FFFF;
	_ =	strace $0x9FFFFFFF  }
0xc6: {  	(tm) =	ssettm $0x7FFFFFFF  }
0xc7: {  	_ =	shalt  }
tec
execute0_lowered:
.L_overlay_start_1:
0x0: {  	(tag) =	ssettag $0x1  }
0x1: {  	s0 =	srdreg.scid;
	v2 =	vimm.s32 $0x4000;
	v3 =	vlaneseq.u32  }
0x2: {  	s1 =	stileid.u32;
	s19 =	rddreg [dreg:$0x0];
	v4 =	vimm.s32 $0x0;
	v5 =	vimm.s32 $0x10;
	v6 =	vimm.s32 $0x1  }
0x3: {  	s29 =	rddreg [dreg:$0x1];
	v7 =	vimm.s32 $0x11;
	v8 =	vimm.s32 $0x2;
	v9 =	vimm.s32 $0x12;
	s0 =	sand.u32 $0x1, s0;
	s1 =	sshll.u32 s1, $0x1  }
0x4: {  	s14 =	rddreg [dreg:$0x3];
	s15 =	simm.s32 $0x0;
	v10 =	vimm.s32 $0x3;
	v11 =	vimm.s32 $0x13;
	v12 =	vimm.s32 $0x4;
	s3 =	sor.u32 s0, s1  }
0x5: {  	v13 =	vimm.s32 $0x14;
	v14 =	vimm.s32 $0x5;
	v15 =	vimm.s32 $0x15;
	s30 =	simm.s32 $0x1D200;
	s31 =	simm.s32 $0x1F200;
	s4 =	smul.u32 $0x7A80, s3  }
0x6: {  	v16 =	vimm.s32 $0x6;
	v17 =	vimm.s32 $0x16;
	v18 =	vimm.s32 $0x7;
	s8 =	simm.s32 $0x0;
	[smem:$0x7FF] =	sst s15;
	s0 =	ssub.s32 $0x2, s0  }
0x7: {  	v19 =	vimm.s32 $0x17;
	v20 =	vimm.s32 $0x8;
	v21 =	vimm.s32 $0x18;
	_ =	strace $0x80000047;
	s7 =	sshrl.u32 s0, $0x1;
	s16 =	sadd.s32 s19, s4  }
0x8: {  	v22 =	vimm.s32 $0x9;
	v23 =	vimm.s32 $0x19;
	v24 =	vimm.s32 $0xA;
	s0 =	ssub.s32 s0, s7;
	s17 =	sadd.s32 s29, s4;
	[dreg:$0x5] =	wrdreg s16  }
0x9: {  	v25 =	vimm.s32 $0x1A;
	v26 =	vimm.s32 $0xB;
	v27 =	vimm.s32 $0x1B;
	s18 =	sadd.s32 $0x80, s4;
	s0 =	smax.u32 s0, $0x1;
	[dreg:$0x6] =	wrdreg s17  }
0xa: {  	v28 =	vimm.s32 $0xC;
	v29 =	vimm.s32 $0x1C;
	v30 =	vimm.s32 $0xD;
	s6 =	sadd.s32 $0x600, s14;
	s20 =	sadd.s32 s19, s18;
	[dreg:$0xd] =	wrdreg s0  }
0xb: {  	v32 =	vimm.s32 $0x1D;
	v33 =	vimm.s32 $0xE;
	v34 =	vimm.s32 $0x1E;
	s22 =	sadd.s32 $0x100, s4;
	s21 =	sadd.s32 s29, s18;
	[dreg:$0x7] =	wrdreg s20  }
.Ltmp0:
0xc: {  	v35 =	vimm.s32 $0xF;
	v36 =	vimm.s32 $0x1F;
	v31 =	vmul.u32 $0x80, v3;
	s23 =	sadd.s32 s19, s22;
	[dreg:$0x8] =	wrdreg s21;
	(pc) =	sbr.rel .LBB2_1-.Ltmp0, $4  }
0xd: {  	v40 =	vor.u32 $0x40, v3;
	v41 =	vor.u32 $0x10, v3;
	v42 =	vor.u32 $0x50, v3;
	s25 =	sadd.s32 $0x180, s4;
	s24 =	sadd.s32 s29, s22;
	[dreg:$0x9] =	wrdreg s23  }
0xe: {  	v43 =	vor.u32 $0x20, v3;
	v44 =	vor.u32 $0x60, v3;
	v45 =	vor.u32 $0x30, v3;
	s7 =	smul.u32 $0xF5, s3;
	s26 =	sadd.s32 s19, s25;
	[dreg:$0xa] =	wrdreg s24  }
0xf: {  	v46 =	vor.u32 $0x70, v3;
	v37 =	vor.u32 $0x800, v31;
	v38 =	vor.u32 $0x1000, v31;
	s5 =	sadd.s32 $0x7A80, s4;
	s28 =	sadd.s32 s29, s25;
	[dreg:$0xb] =	wrdreg s26  }
0x10: {  	v39 =	vor.u32 $0x1800, v31;
	v0 =	vmov s4;
	v1 =	vmov s5;
	[dreg:$0xc] =	wrdreg s28;
	s20 =	simm.s32 $0x8180;
	s21 =	simm.s32 $0x12180  }
.LBB2_28:
0x11: {  	p0 =	slt.s32 s0, $0x1  }
0x12: {  	s0 =	simm.s32 @!p0 $0x40;
	s1 =	simm.s32 @!p0 $0x1F200;
	s2 =	simm.s32 @!p0 $0x1D200  }
0x13: {  	[hbm4b:s6+s0] =	stream.indirect.scatter @!p0 [tilespmem:s2], [sflag:$0x3], $0x80, s1, s0, $0xb8;
	[tilespmem:$0x1F280] =	vst v63  }
0x14: {  	s0 =	simm.s32 @!p0 $0x3  }
0x15: {  	_ =	swait.ge @!p0 [sflag:s0], $0x2000  }
0x16: {  	s8 =	rddreg [dreg:$0xe]  }
0x17: {  	s28 =	rddreg [dreg:$0xd];
	s8 =	sadd.s32 $0x1, s8  }
0x18: {  	p1 =	sne.s32 s8, s28  }
.Ltmp1:
0x19: {  	_ = 	snop;
	(pc) =	sbr.rel @!p1 .LBB2_29-.Ltmp1, $3  }
0x1a: {  	_ =	sdelay $0x1  }
0x1b: {  	[sflag:s0] =	ssyncset.done @!p0 $0x0  }
0x1c: {  	[sflag:s0] =	ssyncadd.s32 @!p0 $0xFFFFE000  }
.LBB2_1:
0x1d: {  	s0 =	rddreg [dreg:$0x2];
	s1 =	simm.s32 $0x0;
	s11 =	simm.s32 $0x4  }
0x1e: {  	[tilespmem:s1], [sflag:$0x4] =	stream.linear.gather [hbm4b:s0+s1], $0x4000, $0x38;
	[tilespmem:$0x1F280] =	vst v63  }
0x1f: {  	_ =	swait.ge [sflag:s11], $0x4000  }
0x20: {  	[sflag:s11] =	ssyncset.done $0x0  }
0x21: {  	[sflag:s11] =	ssyncadd.s32 $0xFFFFC000  }
0x22: {  	[tilespmem:$0x1F200] =	vst v2  }
0x23: {  	[tilespmem:$0x1F210] =	vst v2  }
0x24: {  	[tilespmem:$0x1F220] =	vst v2  }
0x25: {  	s2 =	simm.s32 $0x400;
	s3 =	simm.s32 $0x7A1400;
	s12 =	rddreg [dreg:$0x5];
	[tilespmem:$0x1F230] =	vst v2  }
0x26: {  	[tilespmem:s20], [sflag:$0x1] =	stream.strided.gather [hbm4b:s12+s2], $0x2000, s3, s2, $0x38;
	[tilespmem:$0x1F280] =	vst v63  }
0x27: {  	s13 =	rddreg [dreg:$0x6]  }
0x28: {  	[tilespmem:s21], [sflag:$0x2] =	stream.strided.gather [hbm4b:s13+s2], $0x2000, s3, s2, $0x38;
	[tilespmem:$0x1F280] =	vst v63  }
0x29: {  	s4 =	simm.s32 $0xA180;
	s14 =	rddreg [dreg:$0x7]  }
0x2a: {  	[tilespmem:s4], [sflag:$0x1] =	stream.strided.gather [hbm4b:s14+s2], $0x2000, s3, s2, $0x38;
	[tilespmem:$0x1F280] =	vst v63  }
0x2b: {  	s16 =	simm.s32 $0x14180;
	s15 =	rddreg [dreg:$0x8]  }
0x2c: {  	[tilespmem:s16], [sflag:$0x2] =	stream.strided.gather [hbm4b:s15+s2], $0x2000, s3, s2, $0x38;
	[tilespmem:$0x1F280] =	vst v63  }
0x2d: {  	s18 =	simm.s32 $0xC180;
	s17 =	rddreg [dreg:$0x9]  }
0x2e: {  	[tilespmem:s18], [sflag:$0x1] =	stream.strided.gather [hbm4b:s17+s2], $0x2000, s3, s2, $0x38;
	[tilespmem:$0x1F280] =	vst v63  }
0x2f: {  	s23 =	simm.s32 $0x16180;
	s22 =	rddreg [dreg:$0xa]  }
0x30: {  	[tilespmem:s23], [sflag:$0x2] =	stream.strided.gather [hbm4b:s22+s2], $0x2000, s3, s2, $0x38;
	[tilespmem:$0x1F280] =	vst v63  }
0x31: {  	s25 =	simm.s32 $0xE180;
	s24 =	rddreg [dreg:$0xb]  }
0x32: {  	[tilespmem:s25], [sflag:$0x1] =	stream.strided.gather [hbm4b:s24+s2], $0x2000, s3, s2, $0x38;
	[tilespmem:$0x1F280] =	vst v63  }
0x33: {  	s28 =	simm.s32 $0x18180;
	s26 =	rddreg [dreg:$0xc]  }
0x34: {  	[tilespmem:s28], [sflag:$0x2] =	stream.strided.gather [hbm4b:s26+s2], $0x2000, s3, s2, $0x38;
	[tilespmem:$0x1F280] =	vst v63  }
0x35: {  	v47 =	vld [tilespmem:s1+$0x0];
	_ =	sdelay $0x4  }
0x36: {  	vm0 =	vge.s32 v47, v0;
	vm1 =	vlt.s32 v47, v1  }
0x37: {  	vm0 =	vmand vm0, vm1  }
0x38: {  	v48 =	vmpcnt.ones.xlane vm0;
	_ =	sdelay $0x1  }
0x39: {  	(v2sf) =	vpush v48, $0x0  }
0x3a: {  	v47 =	vsub.s32 v47, v0  }
0x3b: {  	v47 =	vshll.u32 v47, $0xE  }
0x3c: {  	v47 =	vadd.s32 s1, v47  }
0x3d: {  	v47 =	vadd.s32 v3, v47  }
0x3e: {  	s0 =	simm.s32 $0x10;
	[tilespmem:s1+$0x0] =	vst.msk vm0, v47  }
0x3f: {  	v47 =	vld [tilespmem:s0+$0x0];
	_ =	sdelay $0x4  }
0x40: {  	vm0 =	vge.s32 v47, v0;
	vm1 =	vlt.s32 v47, v1  }
0x41: {  	v47 =	vsub.s32 v47, v0;
	vm0 =	vmand vm0, vm1  }
0x42: {  	v47 =	vshll.u32 v47, $0xE;
	v63 =	vmpcnt.ones.xlane vm0  }
0x43: {  	v47 =	vadd.s32 s0, v47  }
0x44: {  	s4 =	simm.s32 $0x0;
	s3 =	simm.s32 $0x20;
	v47 =	vadd.s32 v3, v47;
	(v2sf) =	vpush v63, $0x0;
	s5 =	spop (v2sf)  }
.LBB2_2:
0x45: {  	p0 =	sne.s32 s3, $0x3FF0  }
0x46: {  	s4 =	sadd.s32 s4, s5;
	s5 =	smov.u32 s3;
	s3 =	sadd.s32 $0x10, s3  }
0x47: {  	[tilespmem:s4+$0x0] =	vst.msk vm0, v47  }
0x48: {  	s0 =	sadd.s32 $0x10, s0  }
0x49: {  	v47 =	vld [tilespmem:s0+$0x0];
	_ =	sdelay $0x4  }
0x4a: {  	vm0 =	vge.s32 v47, v0;
	vm1 =	vlt.s32 v47, v1;
	v47 =	vsub.s32 v47, v0  }
.Ltmp2:
0x4b: {  	vm0 =	vmand vm0, vm1;
	v47 =	vshll.u32 v47, $0xE;
	(pc) =	sbr.rel @p0 .LBB2_2-.Ltmp2, $4  }
0x4c: {  	v47 =	vadd.s32 s5, v47;
	v48 =	vmpcnt.ones.xlane vm0  }
0x4d: {  	v47 =	vadd.s32 v3, v47  }
0x4e: {  	(v2sf) =	vpush v48, $0x0  }
0x4f: {  	s5 =	spop (v2sf)  }
0x50: {  	_ =	sdelay $0xc  }
0x51: {  	s0 =	sadd.s32 s4, s5;
	s3 =	spop (v2sf)  }
0x52: {  	s3 =	sadd.s32 s0, s3  }
0x53: {  	s25 =	sadd.s32 $0xF, s3  }
0x54: {  	s26 =	sand.u32 $0xF, s25  }
0x55: {  	s28 =	sshra.s32 s25, $0x1F;
	p1 =	slt.s32 s25, $0x1;
	p0 =	sne.s32 s26, $0x0  }
0x56: {  	s5 =	sshrl.u32 s28, $0x1C;
	p0 =	por !p1, !p0  }
0x57: {  	s4 =	sadd.s32 s5, s25;
	s5 =	simm.s32 $0x1;
	p0 =	por !p0, !p0  }
0x58: {  	s4 =	sshra.s32 s4, $0x4;
	s5 =	simm.s32 @!p0 $0x0  }
0x59: {  	s5 =	ssub.s32 s4, s5  }
0x5a: {  	p1 =	slt.s32 s5, $0x1  }
.Ltmp3:
0x5b: {  	_ = 	snop;
	(pc) =	sbr.rel @p1 .LBB2_4-.Ltmp3, $2  }
0x5c: {  	_ =	sdelay $0x2  }
0x5d: {  	[dreg:$0xe] =	wrdreg s8;
	[tilespmem:s0+$0x0] =	vst.msk vm0, v47;
	v47 =	vmov s3;
	p0 =	sne.s32 s5, $0x1;
	s0 =	sadd.s32 $0xFFFFFFFF, s5  }
0x5e: {  	s1 =	simm.s32 $0x0  }
0x5f: {  	v48 =	vld [tilespmem:s1+$0x0];
	_ =	sdelay $0x4  }
0x60: {  	v49 =	vor.u32 s1, v3;
	v50 =	vshrl.u32 v48, $0x19  }
0x61: {  	vm0 =	vlt.s32 v49, v47;
	vm2 =	veq.s32 v50, $0x0;
	vm1 =	veq.s32 v50, $0x1  }
0x62: {  	vm4 =	veq.s32 v50, $0x3;
	vm5 =	veq.s32 v50, $0x4;
	vm3 =	veq.s32 v50, $0x6  }
0x63: {  	vm6 =	veq.s32 v50, $0x7;
	vm7 =	veq.s32 v50, $0xC;
	vm8 =	veq.s32 v50, $0x9  }
0x64: {  	vm9 =	veq.s32 v50, $0xA;
	vm14 =	veq.s32 v50, $0x8;
	vm15 =	veq.s32 v50, $0xD  }
0x65: {  	vm5 =	vmand vm0, vm5;
	vm8 =	vmand vm0, vm8;
	vm7 =	vmand vm0, vm7  }
0x66: {  	vm13 =	vmand vm0, vm9;
	vm4 =	vmand vm0, vm4;
	v59 =	vmpcnt.ones.xlane vm8  }
0x67: {  	v60 =	vmpcnt.ones.xlane vm13;
	v51 =	vmpcnt.ones.xlane vm5;
	vm5 =	veq.s32 v50, $0xE  }
0x68: {  	v61 =	vmpcnt.ones.xlane vm7;
	vm5 =	vmand vm0, vm5;
	(v2sf) =	vpush v59, $0x0  }
0x69: {  	vm7 =	vmand vm0, vm15;
	v53 =	vmpcnt.ones.xlane vm5;
	(v2sf) =	vpush v60, $0x0  }
0x6a: {  	v62 =	vmpcnt.ones.xlane vm4;
	vm4 =	veq.s32 v50, $0x2;
	(v2sf) =	vpush v61, $0x0  }
0x6b: {  	v52 =	vmpcnt.ones.xlane vm7;
	vm4 =	vmand vm0, vm4;
	(v2sf) =	vpush v53, $0x0  }
.Ltmp4:
0x6c: {  	vm5 =	vmand vm0, vm6;
	v49 =	vmpcnt.ones.xlane vm4;
	(v2sf) =	vpush v51, $0x0;
	(pc) =	sbr.rel @!p0 .LBB2_6-.Ltmp4, $4  }
0x6d: {  	v54 =	vmpcnt.ones.xlane vm5;
	vm5 =	vmand vm0, vm14;
	(v2sf) =	vpush v52, $0x0  }
0x6e: {  	v63 =	vmpcnt.ones.xlane vm5;
	vm5 =	veq.s32 v50, $0x5;
	(v2sf) =	vpush v62, $0x0  }
0x6f: {  	vm4 =	veq.s32 v50, $0xF;
	vm5 =	vmand vm0, vm5;
	(v2sf) =	vpush v54, $0x0  }
0x70: {  	s5 =	sadd.s32 $0xFFFFFFFF, s5;
	s8 =	simm.s32 $0x10;
	p2 =	por $0x0, $0x0;
	v48 =	vmpcnt.ones.xlane vm5;
	vm5 =	veq.s32 v50, $0xB;
	(v2sf) =	vpush v63, $0x0  }
0x71: {  	vm2 =	vmand vm0, vm2  }
0x72: {  	v50 =	vld [tilespmem:s8+$0x0];
	(v2sf) =	vpush v49, $0x0;
	v63 =	vmpcnt.ones.xlane vm2;
	vm2 =	vmand vm0, vm3  }
0x73: {  	vm3 =	vmand vm0, vm5;
	(v2sf) =	vpush v48, $0x0;
	v51 =	vmpcnt.ones.xlane vm2  }
0x74: {  	vm1 =	vmand vm0, vm1;
	v54 =	vmpcnt.ones.xlane vm3;
	(v2sf) =	vpush v63, $0x0  }
0x75: {  	v56 =	vor.u32 s8, v3;
	v55 =	vmpcnt.ones.xlane vm1;
	(v2sf) =	vpush v51, $0x0  }
0x76: {  	vm6 =	vmand vm0, vm4;
	vm0 =	vlt.s32 v56, v47;
	(v2sf) =	vpush v54, $0x0  }
0x77: {  	v57 =	vmpcnt.ones.xlane vm6;
	v50 =	vshrl.u32 v50, $0x19;
	(v2sf) =	vpush v55, $0x0  }
0x78: {  	vm2 =	veq.s32 v50, $0x0;
	vm1 =	veq.s32 v50, $0x1;
	s4 =	spop (v2sf);
	vm4 =	veq.s32 v50, $0x3  }
0x79: {  	vm7 =	veq.s32 v50, $0x4;
	vm3 =	veq.s32 v50, $0x6;
	vm5 =	veq.s32 v50, $0x7;
	s10 =	spop (v2sf)  }
0x7a: {  	vm8 =	veq.s32 v50, $0xC;
	vm9 =	veq.s32 v50, $0x9;
	vm10 =	veq.s32 v50, $0xA;
	s11 =	spop (v2sf)  }
0x7b: {  	vm15 =	veq.s32 v50, $0x8;
	vm6 =	vmand vm0, vm7;
	vm7 =	vmand vm0, vm9;
	s12 =	spop (v2sf)  }
0x7c: {  	vm8 =	vmand vm0, vm8;
	(v2sf) =	vpush v57, $0x0;
	v58 =	vmpcnt.ones.xlane vm7;
	s13 =	spop (v2sf)  }
0x7d: {  	vm4 =	vmand vm0, vm4;
	vm7 =	vmand vm0, vm10;
	v60 =	vmpcnt.ones.xlane vm6;
	s14 =	spop (v2sf)  }
0x7e: {  	p3 =	sne.s32 s5, $0x1;
	s5 =	sadd.s32 $0xFFFFFFFF, s5;
	vm6 =	veq.s32 v50, $0xE;
	v59 =	vmpcnt.ones.xlane vm7;
	(v2sf) =	vpush v58, $0x0;
	s15 =	spop (v2sf)  }
0x7f: {  	p2 =	por $0x1, $0x1;
	s9 =	sadd.s32 $0x0, s4;
	vm5 =	vmand vm0, vm5;
	v61 =	vmpcnt.ones.xlane vm8;
	vm6 =	vmand vm0, vm6;
	s2 =	spop (v2sf)  }
0x80: {  	s10 =	sadd.s32 $0x0, s10;
	vm7 =	veq.s32 v50, $0xD;
	s11 =	sadd.s32 $0x0, s11;
	v53 =	vmpcnt.ones.xlane vm6;
	(v2sf) =	vpush v59, $0x0;
	s16 =	spop (v2sf)  }
0x81: {  	v54 =	vmpcnt.ones.xlane vm5;
	vm7 =	vmand vm0, vm7;
	s12 =	sadd.s32 $0x0, s12;
	s13 =	sadd.s32 $0x0, s13;
	(v2sf) =	vpush v61, $0x0;
	s17 =	spop (v2sf)  }
0x82: {  	vm5 =	vmand vm0, vm15;
	v52 =	vmpcnt.ones.xlane vm7;
	s14 =	sadd.s32 $0x0, s14;
	s15 =	sadd.s32 $0x0, s15;
	(v2sf) =	vpush v53, $0x0;
	s18 =	spop (v2sf)  }
.Ltmp5:
0x83: {  	v62 =	vmpcnt.ones.xlane vm4;
	vm4 =	veq.s32 v50, $0x2;
	s22 =	sadd.s32 $0x0, s2;
	(v2sf) =	vpush v60, $0x0;
	s3 =	spop (v2sf);
	(pc) =	sbr.rel @!p3 .LBB2_8-.Ltmp5, $4  }
0x84: {  	v63 =	vmpcnt.ones.xlane vm5;
	vm5 =	veq.s32 v50, $0x5;
	s23 =	sadd.s32 $0x0, s16;
	(v2sf) =	vpush v52, $0x0;
	s16 =	sadd.s32 $0x0, s17;
	s17 =	spop (v2sf)  }
0x85: {  	vm4 =	vmand vm0, vm4;
	vm5 =	vmand vm0, vm5;
	(v2sf) =	vpush v62, $0x0;
	s26 =	sadd.s32 $0x0, s18;
	s18 =	simm.s32 $0x0;
	s19 =	spop (v2sf)  }
0x86: {  	v49 =	vmpcnt.ones.xlane vm4;
	vm4 =	veq.s32 v50, $0xF;
	(v2sf) =	vpush v54, $0x0;
	s24 =	sadd.s32 $0x0, s3;
	s25 =	sadd.s32 $0x0, s17;
	s29 =	spop (v2sf)  }
0x87: {  	v48 =	vmpcnt.ones.xlane vm5;
	vm5 =	veq.s32 v50, $0xB;
	(v2sf) =	vpush v63, $0x0;
	s28 =	sadd.s32 $0x0, s19;
	s19 =	simm.s32 $0x20;
	s17 =	sadd.s32 $0x0, s29  }
.LBB2_9:
0x88: {  	v50 =	vld [tilespmem:s19+$0x0];
	p3 =	sne.s32 s5, $0x1;
	s5 =	sadd.s32 $0xFFFFFFFF, s5;
	vm2 =	vmand vm0, vm2;
	vm5 =	vmand vm0, vm5;
	(v2sf) =	vpush v49, $0x0  }
0x89: {  	v49 =	vmpcnt.ones.xlane vm2;
	vm2 =	vmand vm0, vm3;
	v51 =	vmpcnt.ones.xlane vm5  }
0x8a: {  	vm1 =	vmand vm0, vm1;
	v52 =	vmpcnt.ones.xlane vm2;
	(v2sf) =	vpush v48, $0x0  }
0x8b: {  	v48 =	vmpcnt.ones.xlane vm1;
	(v2sf) =	vpush v49, $0x0;
	s4 =	spop (v2sf)  }
0x8c: {  	vm6 =	vmand vm0, vm4;
	s8 =	sadd.s32 $0x10, s8;
	(v2sf) =	vpush v52, $0x0;
	s18 =	sadd.s32 s18, s4  }
0x8d: {  	v49 =	vor.u32 s8, v3;
	v50 =	vshrl.u32 v50, $0x19;
	s4 =	spop (v2sf);
	(v2sf) =	vpush v51, $0x0  }
0x8e: {  	vm2 =	veq.s32 v50, $0x0;
	vm1 =	veq.s32 v50, $0x1;
	s9 =	sadd.s32 s9, s4;
	(v2sf) =	vpush v48, $0x0  }
0x8f: {  	vm0 =	vlt.s32 v49, v47;
	vm4 =	veq.s32 v50, $0x3;
	vm7 =	veq.s32 v50, $0x4;
	s4 =	spop (v2sf)  }
0x90: {  	vm3 =	veq.s32 v50, $0x6;
	vm5 =	veq.s32 v50, $0x7;
	vm8 =	veq.s32 v50, $0xC;
	s10 =	sadd.s32 s10, s4;
	s4 =	spop (v2sf)  }
0x91: {  	vm9 =	veq.s32 v50, $0x9;
	vm10 =	veq.s32 v50, $0xA;
	v48 =	vmpcnt.ones.xlane vm6;
	s11 =	sadd.s32 s11, s4;
	s4 =	spop (v2sf)  }
0x92: {  	vm6 =	vmand vm0, vm7;
	vm7 =	vmand vm0, vm9;
	vm8 =	vmand vm0, vm8;
	s12 =	sadd.s32 s12, s4;
	s4 =	spop (v2sf)  }
0x93: {  	v49 =	vmpcnt.ones.xlane vm7;
	vm7 =	vmand vm0, vm10;
	s13 =	sadd.s32 s13, s4;
	s4 =	spop (v2sf);
	(v2sf) =	vpush v48, $0x0  }
0x94: {  	vm9 =	veq.s32 v50, $0x8;
	v48 =	vmpcnt.ones.xlane vm7;
	vm7 =	veq.s32 v50, $0xD;
	s14 =	sadd.s32 s14, s4;
	s4 =	spop (v2sf)  }
0x95: {  	v51 =	vmpcnt.ones.xlane vm6;
	vm6 =	veq.s32 v50, $0xE;
	(v2sf) =	vpush v49, $0x0;
	s15 =	sadd.s32 s15, s4;
	s4 =	spop (v2sf)  }
0x96: {  	vm6 =	vmand vm0, vm6;
	vm7 =	vmand vm0, vm7;
	v49 =	vmpcnt.ones.xlane vm8;
	s22 =	sadd.s32 s22, s4;
	s4 =	spop (v2sf)  }
0x97: {  	v53 =	vmpcnt.ones.xlane vm6;
	v52 =	vmpcnt.ones.xlane vm7;
	(v2sf) =	vpush v48, $0x0;
	s23 =	sadd.s32 s23, s4;
	s4 =	spop (v2sf)  }
0x98: {  	vm4 =	vmand vm0, vm4;
	vm5 =	vmand vm0, vm5;
	(v2sf) =	vpush v49, $0x0;
	s16 =	sadd.s32 s16, s4  }
0x99: {  	v54 =	vmpcnt.ones.xlane vm5;
	vm5 =	vmand vm0, vm9;
	(v2sf) =	vpush v53, $0x0;
	s4 =	spop (v2sf)  }
.Ltmp6:
0x9a: {  	v48 =	vmpcnt.ones.xlane vm4;
	v53 =	vmpcnt.ones.xlane vm5;
	(v2sf) =	vpush v51, $0x0;
	s3 =	spop (v2sf);
	(pc) =	sbr.rel @p3 .LBB2_9-.Ltmp6, $4  }
0x9b: {  	vm4 =	veq.s32 v50, $0x2;
	vm5 =	veq.s32 v50, $0x5;
	(v2sf) =	vpush v52, $0x0;
	s24 =	sadd.s32 s24, s3;
	s3 =	spop (v2sf)  }
0x9c: {  	vm4 =	vmand vm0, vm4;
	vm5 =	vmand vm0, vm5;
	(v2sf) =	vpush v48, $0x0;
	s25 =	sadd.s32 s25, s3;
	s3 =	spop (v2sf)  }
0x9d: {  	v49 =	vmpcnt.ones.xlane vm4;
	s26 =	sadd.s32 s26, s4;
	v48 =	vmpcnt.ones.xlane vm5;
	(v2sf) =	vpush v54, $0x0;
	s28 =	sadd.s32 s28, s3;
	s3 =	spop (v2sf)  }
0x9e: {  	s19 =	sadd.s32 $0x10, s19;
	vm4 =	veq.s32 v50, $0xF;
	vm5 =	veq.s32 v50, $0xB;
	(v2sf) =	vpush v53, $0x0;
	s17 =	sadd.s32 s17, s3  }
.LBB2_10:
0x9f: {  	vm2 =	vmand vm0, vm2  }
0xa0: {  	(v2sf) =	vpush v49, $0x0;
	vm13 =	vmand vm0, vm3;
	v60 =	vmpcnt.ones.xlane vm2  }
0xa1: {  	v50 =	vmpcnt.ones.xlane vm13;
	(v2sf) =	vpush v48, $0x0  }
0xa2: {  	vm14 =	vmand vm0, vm5;
	(v2sf) =	vpush v60, $0x0  }
0xa3: {  	vm1 =	vmand vm0, vm1;
	v61 =	vmpcnt.ones.xlane vm14;
	(v2sf) =	vpush v50, $0x0  }
0xa4: {  	vm15 =	vmand vm0, vm4;
	v62 =	vmpcnt.ones.xlane vm1  }
0xa5: {  	v63 =	vmpcnt.ones.xlane vm15;
	s3 =	spop @p2 (v2sf);
	(v2sf) =	vpush v61, $0x0  }
0xa6: {  	s4 =	spop (v2sf);
	(v2sf) =	vpush v62, $0x0  }
0xa7: {  	(v2sf) =	vpush v63, $0x0;
	s5 =	spop (v2sf)  }
0xa8: {  	s3 =	sadd.s32 @p2 s18, s3;
	s8 =	spop (v2sf)  }
0xa9: {  	[dreg:$0x10] =	wrdreg s3;
	s1 =	spop (v2sf)  }
0xaa: {  	s18 =	sadd.s32 s9, s4;
	s10 =	sadd.s32 s10, s5;
	s2 =	spop (v2sf)  }
0xab: {  	[dreg:$0xf] =	wrdreg s10;
	s29 =	spop (v2sf);
	s4 =	sadd.s32 s13, s2  }
0xac: {  	s19 =	spop (v2sf);
	s13 =	sadd.s32 s14, s29;
	s29 =	rddreg [dreg:$0x1]  }
0xad: {  	s9 =	sadd.s32 s11, s8;
	[dreg:$0x12] =	wrdreg s19;
	s19 =	spop (v2sf)  }
0xae: {  	s5 =	sadd.s32 s12, s1;
	s3 =	spop (v2sf);
	s14 =	rddreg [dreg:$0x12]  }
0xaf: {  	[dreg:$0x11] =	wrdreg s19;
	s19 =	spop (v2sf);
	s11 =	sadd.s32 s15, s14  }
0xb0: {  	s15 =	rddreg [dreg:$0x11];
	s12 =	sadd.s32 s23, s3;
	s1 =	spop (v2sf)  }
0xb1: {  	s15 =	sadd.s32 s22, s15;
	s8 =	sadd.s32 s16, s19;
	s2 =	spop (v2sf)  }
0xb2: {  	s16 =	simm.s32 $0x0;
	s14 =	spop (v2sf);
	s22 =	sadd.s32 s24, s2  }
.Ltmp7:
0xb3: {  	s24 =	sadd.s32 s26, s1;
	s1 =	rddreg [dreg:$0x10];
	(pc) =	sbr.rel .LBB2_11-.Ltmp7, $4  }
0xb4: {  	s2 =	smov.u32 s5;
	s5 =	smov.u32 s9;
	s19 =	spop (v2sf)  }
0xb5: {  	s9 =	rddreg [dreg:$0xf];
	s23 =	sadd.s32 s25, s14;
	s25 =	spop (v2sf)  }
0xb6: {  	s16 =	smov.u32 @p2 s1;
	s10 =	sadd.s32 s28, s19;
	s26 =	spop (v2sf)  }
0xb7: {  	s19 =	rddreg [dreg:$0x0];
	s14 =	sadd.s32 s17, s25;
	s16 =	sadd.s32 s16, s26  }
.LBB2_4:
0xb8: {  	s22 =	simm.s32 $0x0  }
0xb9: {  	s14 =	simm.s32 $0x0;
	s8 =	simm.s32 $0x0;
	s11 =	simm.s32 $0x0  }
0xba: {  	s4 =	simm.s32 $0x0;
	s24 =	simm.s32 $0x0;
	s23 =	simm.s32 $0x0  }
0xbb: {  	s15 =	simm.s32 $0x0;
	s12 =	simm.s32 $0x0;
	s18 =	simm.s32 $0x0  }
0xbc: {  	s9 =	simm.s32 $0x0;
	s10 =	simm.s32 $0x0;
	s5 =	simm.s32 $0x0  }
0xbd: {  	s13 =	simm.s32 $0x0;
	s2 =	simm.s32 $0x0;
	s16 =	simm.s32 $0x0  }
.LBB2_11:
0xbe: {  	_ =	sdelay $0x2  }
0xbf: {  	s1 =	simm.s32 $0x8100  }
0xc0: {  	v48 =	vmov s22;
	[tilespmem:v4+s1+$0x0] =	vst.idx.msk $0x1, v4  }
0xc1: {  	[tilespmem:v5+s1+$0x0] =	vst.idx.msk $0x1, v48  }
0xc2: {  	v59 =	vmov s14;
	s26 =	sadd.s32 s22, s14;
	[tilespmem:v6+s1+$0x0] =	vst.idx.msk $0x1, v48  }
0xc3: {  	v60 =	vmov s26;
	[tilespmem:v7+s1+$0x0] =	vst.idx.msk $0x1, v59  }
0xc4: {  	v61 =	vmov s8;
	s8 =	sadd.s32 s8, s26;
	[tilespmem:v8+s1+$0x0] =	vst.idx.msk $0x1, v60  }
0xc5: {  	v62 =	vmov s8;
	[tilespmem:v9+s1+$0x0] =	vst.idx.msk $0x1, v61  }
0xc6: {  	v63 =	vmov s11;
	s11 =	sadd.s32 s11, s8;
	[tilespmem:v10+s1+$0x0] =	vst.idx.msk $0x1, v62  }
0xc7: {  	v52 =	vmov s11;
	[tilespmem:v11+s1+$0x0] =	vst.idx.msk $0x1, v63  }
0xc8: {  	v53 =	vmov s4;
	s14 =	sadd.s32 s4, s11;
	[tilespmem:v12+s1+$0x0] =	vst.idx.msk $0x1, v52  }
0xc9: {  	v54 =	vmov s14;
	[tilespmem:v13+s1+$0x0] =	vst.idx.msk $0x1, v53  }
0xca: {  	v55 =	vmov s24;
	s3 =	sadd.s32 s24, s14;
	[tilespmem:v14+s1+$0x0] =	vst.idx.msk $0x1, v54  }
0xcb: {  	v56 =	vmov s3;
	[tilespmem:v15+s1+$0x0] =	vst.idx.msk $0x1, v55  }
0xcc: {  	v57 =	vmov s23;
	s23 =	sadd.s32 s23, s3;
	[tilespmem:v16+s1+$0x0] =	vst.idx.msk $0x1, v56  }
0xcd: {  	v58 =	vmov s23;
	[tilespmem:v17+s1+$0x0] =	vst.idx.msk $0x1, v57  }
0xce: {  	v59 =	vmov s15;
	s24 =	sadd.s32 s15, s23;
	[tilespmem:v18+s1+$0x0] =	vst.idx.msk $0x1, v58  }
0xcf: {  	v60 =	vmov s24;
	[tilespmem:v19+s1+$0x0] =	vst.idx.msk $0x1, v59  }
0xd0: {  	v61 =	vmov s12;
	s25 =	sadd.s32 s12, s24;
	[tilespmem:v20+s1+$0x0] =	vst.idx.msk $0x1, v60  }
0xd1: {  	v62 =	vmov s25;
	[tilespmem:v21+s1+$0x0] =	vst.idx.msk $0x1, v61  }
0xd2: {  	v63 =	vmov s18;
	s28 =	sadd.s32 s18, s25;
	[tilespmem:v22+s1+$0x0] =	vst.idx.msk $0x1, v62  }
0xd3: {  	v52 =	vmov s28;
	[tilespmem:v23+s1+$0x0] =	vst.idx.msk $0x1, v63  }
0xd4: {  	v53 =	vmov s9;
	s9 =	sadd.s32 s9, s28;
	[tilespmem:v24+s1+$0x0] =	vst.idx.msk $0x1, v52  }
0xd5: {  	v54 =	vmov s9;
	[tilespmem:v25+s1+$0x0] =	vst.idx.msk $0x1, v53  }
0xd6: {  	v55 =	vmov s10;
	s10 =	sadd.s32 s10, s9;
	[tilespmem:v26+s1+$0x0] =	vst.idx.msk $0x1, v54  }
0xd7: {  	v56 =	vmov s10;
	[tilespmem:v27+s1+$0x0] =	vst.idx.msk $0x1, v55  }
0xd8: {  	s12 =	sadd.s32 s5, s10;
	v57 =	vmov s5;
	[tilespmem:v28+s1+$0x0] =	vst.idx.msk $0x1, v56  }
0xd9: {  	v58 =	vmov s12;
	[tilespmem:v29+s1+$0x0] =	vst.idx.msk $0x1, v57  }
0xda: {  	v59 =	vmov s13;
	s13 =	sadd.s32 s13, s12;
	[tilespmem:v30+s1+$0x0] =	vst.idx.msk $0x1, v58  }
.Ltmp8:
0xdb: {  	v60 =	vmov s13;
	[tilespmem:v32+s1+$0x0] =	vst.idx.msk $0x1, v59;
	(pc) =	sbr.rel @p1 .LBB2_15-.Ltmp8, $4  }
0xdc: {  	s15 =	sadd.s32 s2, s13;
	v61 =	vmov s2;
	[tilespmem:v33+s1+$0x0] =	vst.idx.msk $0x1, v60  }
0xdd: {  	v62 =	vmov s15;
	[tilespmem:v34+s1+$0x0] =	vst.idx.msk $0x1, v61  }
0xde: {  	v63 =	vmov s16;
	[tilespmem:v35+s1+$0x0] =	vst.idx.msk $0x1, v62  }
0xdf: {  	[tilespmem:v36+s1+$0x0] =	vst.idx.msk $0x1, v63  }
0xe0: {  	s16 =	simm.s32 $0x0  }
0xe1: {  	v48 =	vld [tilespmem:s16+$0x0];
	_ =	sdelay $0x4  }
0xe2: {  	v62 =	vimm.s32 $0x0;
	v49 =	vor.u32 s16, v3;
	v52 =	vshrl.u32 v48, $0x19  }
0xe3: {  	vm0 =	vlt.s32 v49, v47;
	vm3 =	veq.s32 v52, $0x0;
	vm9 =	veq.s32 v52, $0xA  }
0xe4: {  	vm2 =	veq.s32 v52, $0xE;
	vm4 =	veq.s32 v52, $0x2;
	vm5 =	veq.s32 v52, $0x5  }
0xe5: {  	vm1 =	veq.s32 v52, $0xF;
	vm6 =	veq.s32 v52, $0x4;
	vm8 =	veq.s32 v52, $0x7  }
0xe6: {  	vm7 =	veq.s32 v52, $0x3;
	vm10 =	veq.s32 v52, $0xC;
	vm11 =	veq.s32 v52, $0x1  }
0xe7: {  	vm12 =	veq.s32 v52, $0x6;
	vm13 =	veq.s32 v52, $0xB;
	vm4 =	vmand vm0, vm4  }
0xe8: {  	v49 =	vsel vm12, $0xFFFFFFFF, v62;
	vm7 =	vmand vm0, vm7;
	vm14 =	vmand vm0, vm6  }
0xe9: {  	vm6 =	veq.s32 v52, $0xD;
	vm11 =	vmand vm0, vm11;
	vm15 =	vmand vm0, vm5  }
0xea: {  	vm12 =	vmand vm0, vm3;
	vm5 =	vmand vm0, vm13;
	v50 =	vmpcnt.ones.xlane vm4;
	[tilespmem:$0x1FFF0] =	vst v49  }
0xeb: {  	vm9 =	vmand vm0, vm9;
	v51 =	vmpcnt.ones.xlane vm14;
	v49 =	vmpcnt.ones.xlane vm15;
	v63 =	vld [tilespmem:$0x1FFF0]  }
0xec: {  	vm3 =	vmand vm0, vm6;
	[tilespmem:s16+$0x4080] =	vst.msk vm12, v48;
	vm6 =	vmand vm0, vm8;
	vm8 =	veq.s32 v52, $0x9  }
.Ltmp9:
0xed: {  	v53 =	vmpcnt.ones.xlane vm11;
	v54 =	vmpcnt.ones.xlane vm5;
	[tilespmem:s22+$0x4080] =	vst.msk vm11, v48;
	vm11 =	veq.s32 v52, $0x8;
	(pc) =	sbr.rel @!p0 .LBB2_14-.Ltmp9, $4  }
0xee: {  	v56 =	vmpcnt.ones.xlane vm3;
	v52 =	vmpcnt.ones.xlane vm9;
	(v2sf) =	vpush v50, $0x0;
	[tilespmem:s26+$0x4080] =	vst.msk vm4, v48  }
0xef: {  	v50 =	vmpcnt.ones.xlane vm6;
	vm4 =	vmand vm0, vm10;
	vm10 =	vmand vm0, vm11;
	[tilespmem:s8+$0x4080] =	vst.msk vm7, v48  }
0xf0: {  	(v2sf) =	vpush v53, $0x0;
	v53 =	vmpcnt.ones.xlane vm12;
	[tilespmem:s11+$0x4080] =	vst.msk vm14, v48;
	vm11 =	vnez.u8 v63  }
0xf1: {  	s5 =	simm.s32 $0x0;
	s17 =	simm.s32 $0x0;
	v55 =	vmpcnt.ones.xlane vm10;
	(v2sf) =	vpush v56, $0x0;
	[tilespmem:s14+$0x4080] =	vst.msk vm15, v48;
	vm11 =	vmand vm0, vm11  }
.LBB2_13:
0xf2: {  	[tilespmem:s3+$0x4080] =	vst.msk vm11, v48  }
0xf3: {  	[tilespmem:s23+$0x4080] =	vst.msk vm6, v48  }
0xf4: {  	vm6 =	vmand vm0, vm8;
	[tilespmem:s24+$0x4080] =	vst.msk vm10, v48  }
0xf5: {  	(v2sf) =	vpush v54, $0x0;
	[tilespmem:s25+$0x4080] =	vst.msk vm6, v48  }
0xf6: {  	v60 =	vmpcnt.ones.xlane vm7;
	(v2sf) =	vpush v51, $0x0;
	[tilespmem:s28+$0x4080] =	vst.msk vm9, v48  }
0xf7: {  	vm2 =	vmand vm0, vm2;
	(v2sf) =	vpush v55, $0x0;
	[tilespmem:s9+$0x4080] =	vst.msk vm5, v48  }
0xf8: {  	v61 =	vmpcnt.ones.xlane vm2;
	vm0 =	vmand vm0, vm1;
	(v2sf) =	vpush v60, $0x0;
	[tilespmem:s10+$0x4080] =	vst.msk vm4, v48  }
0xf9: {  	v63 =	vmpcnt.ones.xlane vm0;
	(v2sf) =	vpush v53, $0x0;
	[tilespmem:s12+$0x4080] =	vst.msk vm3, v48  }
0xfa: {  	(v2sf) =	vpush v61, $0x0;
	[tilespmem:s13+$0x4080] =	vst.msk vm2, v48  }
0xfb: {  	v56 =	vmpcnt.ones.xlane vm11;
	s16 =	sadd.s32 $0x10, s16;
	(v2sf) =	vpush v63, $0x0;
	[tilespmem:s15+$0x4080] =	vst.msk vm0, v48  }
0xfc: {  	v57 =	vmpcnt.ones.xlane vm4;
	(v2sf) =	vpush v52, $0x0;
	v48 =	vld [tilespmem:s16+$0x0]  }
0xfd: {  	v62 =	vmpcnt.ones.xlane vm6;
	(v2sf) =	vpush v56, $0x0  }
0xfe: {  	s1 =	spop (v2sf);
	(v2sf) =	vpush v57, $0x0  }
0xff: {  	(v2sf) =	vpush v62, $0x0  }
0x100: {  	s5 =	sadd.s32 $0x10, s5;
	(v2sf) =	vpush v49, $0x0  }
0x101: {  	v56 =	vor.u32 s5, v3;
	(v2sf) =	vpush v50, $0x0;
	v58 =	vshrl.u32 v48, $0x19  }
0x102: {  	v59 =	vimm.s32 $0x0;
	vm0 =	vlt.s32 v56, v47;
	s2 =	spop (v2sf);
	vm3 =	veq.s32 v58, $0x0  }
0x103: {  	s4 =	spop (v2sf);
	vm1 =	veq.s32 v58, $0xA;
	vm9 =	veq.s32 v58, $0xE;
	vm4 =	veq.s32 v58, $0x2  }
0x104: {  	s18 =	spop (v2sf);
	vm8 =	veq.s32 v58, $0x5;
	vm2 =	veq.s32 v58, $0xF;
	vm12 =	veq.s32 v58, $0x4  }
0x105: {  	s22 =	sadd.s32 s22, s2;
	vm6 =	veq.s32 v58, $0x7;
	vm7 =	veq.s32 v58, $0x3;
	vm10 =	veq.s32 v58, $0xC;
	s2 =	spop (v2sf)  }
0x106: {  	s12 =	sadd.s32 s12, s4;
	vm13 =	veq.s32 v58, $0x1;
	vm11 =	veq.s32 v58, $0x6;
	vm5 =	veq.s32 v58, $0xB;
	s4 =	spop (v2sf)  }
0x107: {  	vm15 =	veq.s32 v58, $0xD;
	v49 =	vsel vm1, $0xFFFFFFFF, v59;
	s9 =	sadd.s32 s9, s18;
	vm4 =	vmand vm0, vm4;
	s18 =	spop (v2sf)  }
0x108: {  	vm7 =	vmand vm0, vm7;
	vm12 =	vmand vm0, vm12;
	vm1 =	vmand vm0, vm13;
	s11 =	sadd.s32 s11, s2;
	s2 =	spop (v2sf)  }
0x109: {  	vm13 =	vmand vm0, vm8;
	vm14 =	vmand vm0, vm3;
	vm3 =	vmand vm0, vm15;
	[tilespmem:$0x1FFE0] =	vst v49;
	s24 =	sadd.s32 s24, s4;
	s4 =	spop (v2sf)  }
0x10a: {  	vm6 =	vmand vm0, vm6;
	vm8 =	veq.s32 v58, $0x9;
	v60 =	vmpcnt.ones.xlane vm4;
	v63 =	vld [tilespmem:$0x1FFE0];
	s8 =	sadd.s32 s8, s18;
	s18 =	spop (v2sf)  }
0x10b: {  	p0 =	sne.s32 s0, $0x1;
	vm5 =	vmand vm0, vm5;
	v51 =	vmpcnt.ones.xlane vm12;
	v49 =	vmpcnt.ones.xlane vm13;
	s17 =	sadd.s32 s17, s2;
	s2 =	spop (v2sf)  }
0x10c: {  	s26 =	sadd.s32 s26, s1;
	vm11 =	vmand vm0, vm11;
	v61 =	vmpcnt.ones.xlane vm1;
	v50 =	vmpcnt.ones.xlane vm6;
	s13 =	sadd.s32 s13, s4;
	[tilespmem:s17+$0x4080] =	vst.msk vm14, v48;
	s4 =	spop (v2sf)  }
.Ltmp10:
0x10d: {  	v62 =	vmpcnt.ones.xlane vm3;
	v54 =	vmpcnt.ones.xlane vm5;
	s15 =	sadd.s32 s15, s18;
	[tilespmem:s22+$0x4080] =	vst.msk vm1, v48;
	vm1 =	veq.s32 v58, $0x8;
	s18 =	spop (v2sf);
	(pc) =	sbr.rel @p0 .LBB2_13-.Ltmp10, $4  }
0x10e: {  	s28 =	sadd.s32 s28, s2;
	(v2sf) =	vpush v60, $0x0;
	[tilespmem:s26+$0x4080] =	vst.msk vm4, v48;
	vm4 =	vmand vm0, vm10;
	vm10 =	vmand vm0, vm1;
	s2 =	spop (v2sf)  }
0x10f: {  	vm1 =	vmmov vm2;
	vm2 =	vmmov vm9;
	vm9 =	vnez.u8 v63;
	s3 =	sadd.s32 s3, s4;
	[tilespmem:s8+$0x4080] =	vst.msk vm7, v48;
	s4 =	spop (v2sf)  }
0x110: {  	v53 =	vmpcnt.ones.xlane vm14;
	vm9 =	vmand vm0, vm9;
	[tilespmem:s11+$0x4080] =	vst.msk vm12, v48;
	s10 =	sadd.s32 s10, s18;
	s14 =	sadd.s32 s14, s4;
	s18 =	spop (v2sf);
	(v2sf) =	vpush v61, $0x0  }
0x111: {  	s0 =	sadd.s32 $0xFFFFFFFF, s0;
	v55 =	vmpcnt.ones.xlane vm10;
	v52 =	vmpcnt.ones.xlane vm9;
	s25 =	sadd.s32 s25, s2;
	s23 =	sadd.s32 s23, s18;
	[tilespmem:s14+$0x4080] =	vst.msk vm13, v48;
	(v2sf) =	vpush v62, $0x0  }
.LBB2_14:
0x112: {  	(v2sf) =	vpush v54, $0x0  }
0x113: {  	v47 =	vmpcnt.ones.xlane vm7;
	(v2sf) =	vpush v51, $0x0  }
0x114: {  	vm2 =	vmand vm0, vm2;
	(v2sf) =	vpush v55, $0x0  }
0x115: {  	vm1 =	vmand vm0, vm1;
	v59 =	vmpcnt.ones.xlane vm2;
	(v2sf) =	vpush v47, $0x0  }
0x116: {  	v60 =	vmpcnt.ones.xlane vm1;
	(v2sf) =	vpush v53, $0x0  }
0x117: {  	(v2sf) =	vpush v59, $0x0  }
0x118: {  	v61 =	vmpcnt.ones.xlane vm11;
	(v2sf) =	vpush v60, $0x0  }
0x119: {  	v62 =	vmpcnt.ones.xlane vm4;
	vm15 =	vmand vm0, vm8;
	(v2sf) =	vpush v52, $0x0  }
0x11a: {  	v63 =	vmpcnt.ones.xlane vm15;
	(v2sf) =	vpush v61, $0x0  }
0x11b: {  	(v2sf) =	vpush v62, $0x0  }
0x11c: {  	(v2sf) =	vpush v63, $0x0  }
0x11d: {  	(v2sf) =	vpush v49, $0x0  }
0x11e: {  	s0 =	spop (v2sf);
	(v2sf) =	vpush v50, $0x0  }
0x11f: {  	s0 =	spop (v2sf)  }
0x120: {  	s0 =	spop (v2sf)  }
0x121: {  	s0 =	spop (v2sf)  }
0x122: {  	s0 =	spop (v2sf)  }
0x123: {  	s0 =	spop (v2sf)  }
0x124: {  	[tilespmem:s3+$0x4080] =	vst.msk vm11, v48;
	s0 =	spop (v2sf)  }
0x125: {  	[tilespmem:s23+$0x4080] =	vst.msk vm6, v48;
	s0 =	spop (v2sf)  }
0x126: {  	[tilespmem:s24+$0x4080] =	vst.msk vm10, v48;
	s0 =	spop (v2sf)  }
0x127: {  	[tilespmem:s25+$0x4080] =	vst.msk vm15, v48;
	s0 =	spop (v2sf)  }
0x128: {  	[tilespmem:s28+$0x4080] =	vst.msk vm9, v48;
	s0 =	spop (v2sf)  }
0x129: {  	[tilespmem:s9+$0x4080] =	vst.msk vm5, v48;
	s0 =	spop (v2sf)  }
0x12a: {  	[tilespmem:s10+$0x4080] =	vst.msk vm4, v48;
	s0 =	spop (v2sf)  }
0x12b: {  	[tilespmem:s12+$0x4080] =	vst.msk vm3, v48;
	s0 =	spop (v2sf)  }
0x12c: {  	[tilespmem:s13+$0x4080] =	vst.msk vm2, v48;
	s0 =	spop (v2sf)  }
0x12d: {  	[tilespmem:s15+$0x4080] =	vst.msk vm1, v48;
	s0 =	spop (v2sf)  }
.LBB2_15:
.Ltmp11:
0x12e: {  	(pc) =	sbr.rel .LBB2_16-.Ltmp11, $2  }
0x12f: {  	_ =	sdelay $0x2  }
0x130: {  	s0 =	simm.s32 $0x0;
	s3 =	simm.s32 $0x0  }
.LBB2_26:
0x131: {  	_ =	swait.ge @!p1 [sflag:s4], $0x2000  }
0x132: {  	[sflag:s4] =	ssyncset.done @!p1 $0x0  }
0x133: {  	v47 =	vimm.s32 @!p1 $0x4000;
	[sflag:s4] =	ssyncadd.s32 @!p1 $0xFFFFE000  }
0x134: {  	[tilespmem:$0x1F200] =	vst @!p1 v47  }
0x135: {  	[tilespmem:$0x1F230] =	vst @!p1 v47  }
0x136: {  	[tilespmem:$0x1F220] =	vst @!p1 v47  }
0x137: {  	[tilespmem:$0x1F210] =	vst @!p1 v47  }
.LBB2_27:
0x138: {  	s3 =	sadd.s32 $0x1, s3  }
0x139: {  	p0 =	sne.s32 s3, $0xF5  }
.Ltmp12:
0x13a: {  	_ = 	snop;
	(pc) =	sbr.rel @!p0 .LBB2_28-.Ltmp12, $1  }
0x13b: {  	_ =	sdelay $0x3  }
.LBB2_16:
0x13c: {  	s1 =	sadd.s32 $0x4, s3  }
0x13d: {  	p0 =	sgt.u32 s3, $0xF0;
	s2 =	sadd.s32 s7, s1  }
0x13e: {  	p1 =	sgt.u32 @!p0 s2, $0x1E84  }
0x13f: {  	p0 =	por p1, p0  }
0x140: {  	s4 =	smul.u32 @!p0 $0xCD, s1;
	_ =	sdelay $0x1  }
0x141: {  	s4 =	sshrl.u32 @!p0 s4, $0xA  }
0x142: {  	s4 =	sand.u32 @!p0 $0x3F, s4  }
0x143: {  	s4 =	smul.u32 @!p0 $0x5, s4;
	_ =	sdelay $0x1  }
0x144: {  	s1 =	ssub.s32 @!p0 s1, s4  }
0x145: {  	s1 =	sand.u32 @!p0 $0xFF, s1  }
0x146: {  	s2 =	sshll.u32 @!p0 s2, $0x7;
	s8 =	simm.s32 @!p0 $0x400;
	s1 =	sshll.u32 @!p0 s1, $0xD  }
0x147: {  	s9 =	simm.s32 @!p0 $0x7A1400;
	s5 =	sadd.s32 @!p0 s19, s2;
	s4 =	sadd.s32 @!p0 $0x8180, s1  }
0x148: {  	[tilespmem:s4], [sflag:$0x1] =	stream.strided.gather @!p0 [hbm4b:s5+s8], $0x2000, s9, s8, $0x38;
	[tilespmem:$0x1F280] =	vst v63  }
0x149: {  	s2 =	sadd.s32 @!p0 s29, s2;
	s1 =	sadd.s32 @!p0 $0x12180, s1;
	s4 =	sshrl.u32 s3, $0x4  }
0x14a: {  	[tilespmem:s1], [sflag:$0x2] =	stream.strided.gather @!p0 [hbm4b:s2+s8], $0x2000, s9, s8, $0x38;
	[tilespmem:$0x1F280] =	vst v63  }
0x14b: {  	v47 =	vld [tilespmem:s4+$0x8110];
	_ =	sdelay $0x4  }
0x14c: {  	(v2sf) =	vpush v47, $0x0;
	_ =	sdelay $0xe  }
0x14d: {  	s24 =	spop (v2sf)  }
0x14e: {  	s1 =	sadd.s32 $0xF, s24  }
0x14f: {  	s25 =	sand.u32 $0xF, s1  }
0x150: {  	s26 =	sshra.s32 s1, $0x1F;
	p5 =	slt.s32 s1, $0x1;
	p6 =	sne.s32 s25, $0x0  }
0x151: {  	s28 =	sshrl.u32 s26, $0x1C;
	p0 =	por !p5, !p6  }
0x152: {  	s2 =	simm.s32 $0x1;
	s1 =	sadd.s32 s28, s1;
	p0 =	por !p0, !p0  }
0x153: {  	s1 =	sshra.s32 s1, $0x4;
	s2 =	simm.s32 @!p0 $0x0  }
0x154: {  	s8 =	ssub.s32 s1, s2  }
0x155: {  	p0 =	slt.s32 s8, $0x1  }
.Ltmp13:
0x156: {  	_ = 	snop;
	(pc) =	sbr.rel @p0 .LBB2_23-.Ltmp13, $2  }
0x157: {  	_ =	sdelay $0x2  }
0x158: {  	s5 =	simm.s32 $0x0  }
0x159: {  	v48 =	vld [tilespmem:s4+$0x8100];
	_ =	sdelay $0x4  }
0x15a: {  	(v2sf) =	vpush v48, $0x0;
	_ =	sdelay $0xb  }
0x15b: {  	p1 =	sne.s32 s8, $0x1  }
.Ltmp14:
0x15c: {  	_ = 	snop;
	(pc) =	sbr.rel @!p1 .LBB2_18-.Ltmp14, $4  }
0x15d: {  	_ = 	snop  }
0x15e: {  	s1 =	spop (v2sf)  }
0x15f: {  	s4 =	sadd.s32 $0x4080, s1  }
0x160: {  	v47 =	vbroadcast v47, $0x0;
	s5 =	simm.s32 $0x0;
	s8 =	sadd.s32 $0xFFFFFFFF, s8;
	p0 =	por $0x0, $0x0;
	v48 =	vmov s3;
	v49 =	vld [tilespmem:s4+$0x0]  }
0x161: {  	_ =	sdelay $0x3  }
0x162: {  	v50 =	vor.u32 s5, v3;
	v51 =	vshrl.u32 v49, $0x15  }
0x163: {  	vm0 =	vlt.s32 v50, v47;
	vm1 =	veq.s32 v51, v48  }
0x164: {  	vm0 =	vmand vm0, vm1  }
0x165: {  	v63 =	vmpcnt.ones.xlane vm0;
	_ =	sdelay $0x1  }
0x166: {  	(v2sf) =	vpush v63, $0x0  }
0x167: {  	p1 =	sne.s32 s8, $0x1  }
.Ltmp15:
0x168: {  	_ = 	snop;
	(pc) =	sbr.rel @!p1 .LBB2_20-.Ltmp15, $3  }
0x169: {  	_ =	sdelay $0x1  }
0x16a: {  	s9 =	sadd.s32 $0x10, s4;
	s10 =	sadd.s32 $0xFFFFFFFF, s8;
	[tilespmem:s5+$0x1C180] =	vst.msk vm0, v49  }
0x16b: {  	p0 =	por $0x1, $0x1;
	s8 =	simm.s32 $0x0;
	s4 =	simm.s32 $0x0;
	v49 =	vld [tilespmem:s9+$0x0]  }
.LBB2_21:
0x16c: {  	p1 =	sne.s32 s10, $0x1;
	_ =	sdelay $0x2  }
0x16d: {  	s8 =	sadd.s32 $0x10, s8  }
0x16e: {  	v50 =	vor.u32 s8, v3;
	v51 =	vshrl.u32 v49, $0x15  }
0x16f: {  	vm0 =	vlt.s32 v50, v47;
	vm1 =	veq.s32 v51, v48  }
0x170: {  	vm0 =	vmand vm0, vm1  }
0x171: {  	v50 =	vmpcnt.ones.xlane vm0  }
0x172: {  	s1 =	spop (v2sf)  }
0x173: {  	(v2sf) =	vpush v50, $0x0;
	s4 =	sadd.s32 s4, s1  }
0x174: {  	[tilespmem:s4+$0x1C180] =	vst.msk vm0, v49  }
.Ltmp16:
0x175: {  	(pc) =	sbr.rel @p1 .LBB2_21-.Ltmp16, $3  }
0x176: {  	_ =	sdelay $0x1  }
0x177: {  	s9 =	sadd.s32 $0x10, s9  }
0x178: {  	s10 =	sadd.s32 $0xFFFFFFFF, s10;
	v49 =	vld [tilespmem:s9+$0x0]  }
.LBB2_22:
0x179: {  	_ =	sdelay $0x1  }
0x17a: {  	s1 =	sadd.s32 @p0 $0x10, s8;
	s2 =	simm.s32 $0x0  }
0x17b: {  	s2 =	smov.u32 @p0 s1  }
0x17c: {  	v50 =	vor.u32 s2, v3;
	v51 =	vshrl.u32 v49, $0x15  }
0x17d: {  	vm0 =	vlt.s32 v50, v47;
	vm1 =	veq.s32 v51, v48  }
0x17e: {  	vm0 =	vmand vm0, vm1  }
0x17f: {  	v63 =	vmpcnt.ones.xlane vm0;
	_ =	sdelay $0x1  }
0x180: {  	(v2sf) =	vpush v63, $0x0;
	_ =	sdelay $0xc  }
0x181: {  	s1 =	spop @p0 (v2sf)  }
0x182: {  	s1 =	sadd.s32 @p0 s4, s1  }
0x183: {  	s5 =	smov.u32 @p0 s1;
	s28 =	spop (v2sf)  }
0x184: {  	[tilespmem:s5+$0x1C180] =	vst.msk vm0, v49;
	s5 =	sadd.s32 s5, s28  }
.LBB2_23:
0x185: {  	s1 =	sadd.s32 s7, s3  }
0x186: {  	p0 =	sgt.u32 s1, $0x1E84  }
0x187: {  	s1 =	simm.s32 @!p0 $0x1  }
0x188: {  	p1 =	slt.s32 s5, $0x1;
	_ =	swait.ge @!p0 [sflag:s1], $0x2000  }
.Ltmp17:
0x189: {  	[sflag:s1] =	ssyncset.done @!p0 $0x0;
	(pc) =	sbr.rel @p1 .LBB2_27-.Ltmp17, $4  }
0x18a: {  	[sflag:s1] =	ssyncadd.s32 @!p0 $0xFFFFE000;
	s1 =	simm.s32 @!p0 $0x2  }
0x18b: {  	_ =	swait.ge @!p0 [sflag:s1], $0x2000  }
0x18c: {  	[sflag:s1] =	ssyncset.done @!p0 $0x0  }
0x18d: {  	[sflag:s1] =	ssyncadd.s32 @!p0 $0xFFFFE000  }
0x18e: {  	s8 =	simm.s32 $0x1C180  }
0x18f: {  	v47 =	vld [tilespmem:s8+$0x0];
	_ =	sdelay $0x4  }
0x190: {  	(v2sf) =	vpush v47, $0x0;
	_ =	sdelay $0x7  }
0x191: {  	s1 =	smul.u32 $0xCD, s3;
	_ =	sdelay $0x1  }
0x192: {  	s1 =	sshrl.u32 s1, $0xA  }
0x193: {  	s1 =	sand.u32 $0x3F, s1  }
0x194: {  	s1 =	smul.u32 $0x5, s1;
	_ =	sdelay $0x1  }
0x195: {  	s1 =	ssub.s32 s3, s1  }
0x196: {  	s1 =	sand.u32 $0xFF, s1;
	s2 =	spop (v2sf)  }
0x197: {  	s1 =	sshll.u32 s1, $0xD;
	s4 =	sshrl.u32 s2, $0xE  }
0x198: {  	v47 =	vor.u32 s1, v31;
	s4 =	sand.u32 $0x7F, s4  }
0x199: {  	v49 =	vor.u32 s4, v47;
	_ =	sdelay $0x2  }
0x19a: {  	v51 =	vmov s0  }
0x19b: {  	v52 =	vshll.u32 v51, $0x7  }
0x19c: {  	v48 =	vor.u32 v3, v52;
	v50 =	vld.idx.msk [tilespmem:v49+s20+$0x0], $0xffff;
	_ =	sdelay $0x4  }
0x19d: {  	[tilespmem:v48+s30+$0x0] =	vst.idx.msk $0xffff, v50  }
0x19e: {  	v57 =	vor.u32 v40, v52;
	v48 =	vor.u32 s1, v37;
	v49 =	vld.idx.msk [tilespmem:v49+s21+$0x0], $0xffff  }
0x19f: {  	v53 =	vor.u32 s4, v48;
	_ =	sdelay $0x3  }
0x1a0: {  	[tilespmem:v57+s30+$0x0] =	vst.idx.msk $0xffff, v49  }
0x1a1: {  	v58 =	vor.u32 v41, v52;
	v50 =	vld.idx.msk [tilespmem:v53+s20+$0x0], $0xffff;
	_ =	sdelay $0x4  }
0x1a2: {  	[tilespmem:v58+s30+$0x0] =	vst.idx.msk $0xffff, v50  }
0x1a3: {  	v59 =	vor.u32 v42, v52;
	v49 =	vor.u32 s1, v38;
	v53 =	vld.idx.msk [tilespmem:v53+s21+$0x0], $0xffff  }
0x1a4: {  	v54 =	vor.u32 s4, v49;
	_ =	sdelay $0x3  }
0x1a5: {  	[tilespmem:v59+s30+$0x0] =	vst.idx.msk $0xffff, v53  }
0x1a6: {  	v60 =	vor.u32 v43, v52;
	v53 =	vld.idx.msk [tilespmem:v54+s20+$0x0], $0xffff;
	_ =	sdelay $0x4  }
0x1a7: {  	[tilespmem:v60+s30+$0x0] =	vst.idx.msk $0xffff, v53  }
0x1a8: {  	v61 =	vor.u32 v44, v52;
	v50 =	vor.u32 s1, v39;
	v54 =	vld.idx.msk [tilespmem:v54+s21+$0x0], $0xffff  }
0x1a9: {  	v55 =	vor.u32 s4, v50;
	_ =	sdelay $0x3  }
0x1aa: {  	[tilespmem:v61+s30+$0x0] =	vst.idx.msk $0xffff, v54  }
0x1ab: {  	v62 =	vor.u32 v45, v52;
	v54 =	vld.idx.msk [tilespmem:v55+s20+$0x0], $0xffff;
	_ =	sdelay $0x4  }
0x1ac: {  	[tilespmem:v62+s30+$0x0] =	vst.idx.msk $0xffff, v54  }
0x1ad: {  	v52 =	vor.u32 v46, v52;
	v53 =	vld.idx.msk [tilespmem:v55+s21+$0x0], $0xffff;
	_ =	sdelay $0x1  }
0x1ae: {  	s5 =	sadd.s32 $0xFFFFFFFF, s5  }
0x1af: {  	p0 =	sne.s32 s5, $0x0  }
.Ltmp18:
0x1b0: {  	s0 =	sadd.s32 $0x1, s0;
	s28 =	sand.u32 $0x3FFF, s2;
	(pc) =	sbr.rel @!p0 .LBB2_26-.Ltmp18, $4  }
0x1b1: {  	p1 =	sne.s32 s0, $0x40;
	v63 =	vmov s28;
	[tilespmem:v52+s30+$0x0] =	vst.idx.msk $0xffff, v53  }
0x1b2: {  	s2 =	simm.s32 @!p1 $0x1F200;
	s1 =	simm.s32 @!p1 $0x40;
	s4 =	simm.s32 @!p1 $0x1D200;
	[tilespmem:v51+s31+$0x0] =	vst.idx.msk $0x1, v63  }
0x1b3: {  	[hbm4b:s6+s1] =	stream.indirect.scatter @!p1 [tilespmem:s4], [sflag:$0x3], $0x80, s2, s1, $0xb8;
	[tilespmem:$0x1F280] =	vst v63  }
0x1b4: {  	s0 =	simm.s32 @!p1 $0x0;
	s4 =	simm.s32 @!p1 $0x3  }
.LBB2_25:
0x1b5: {  	s5 =	sadd.s32 $0xFFFFFFFF, s5;
	_ =	swait.ge @!p1 [sflag:s4], $0x2000;
	s8 =	sadd.s32 $0x1, s8  }
0x1b6: {  	p0 =	sne.s32 s5, $0x0;
	[sflag:s4] =	ssyncset.done @!p1 $0x0  }
0x1b7: {  	v51 =	vimm.s32 @!p1 $0x4000;
	[sflag:s4] =	ssyncadd.s32 @!p1 $0xFFFFE000  }
0x1b8: {  	[tilespmem:$0x1F200] =	vst @!p1 v51  }
0x1b9: {  	[tilespmem:$0x1F230] =	vst @!p1 v51  }
0x1ba: {  	[tilespmem:$0x1F220] =	vst @!p1 v51  }
0x1bb: {  	[tilespmem:$0x1F210] =	vst @!p1 v51  }
0x1bc: {  	v51 =	vld [tilespmem:s8+$0x0];
	_ =	sdelay $0x4  }
0x1bd: {  	(v2sf) =	vpush v51, $0x0;
	_ =	sdelay $0xe  }
0x1be: {  	s9 =	spop (v2sf)  }
0x1bf: {  	s1 =	sshrl.u32 s9, $0xE  }
0x1c0: {  	s1 =	sand.u32 $0x7F, s1  }
0x1c1: {  	v51 =	vor.u32 s1, v47  }
0x1c2: {  	v52 =	vmov s0  }
0x1c3: {  	v53 =	vshll.u32 v52, $0x7  }
0x1c4: {  	v54 =	vor.u32 v3, v53;
	_ =	sdelay $0x1  }
0x1c5: {  	v55 =	vld.idx.msk [tilespmem:v51+s20+$0x0], $0xffff;
	_ =	sdelay $0x4  }
0x1c6: {  	v56 =	vor.u32 v40, v53  }
0x1c7: {  	[tilespmem:v54+s30+$0x0] =	vst.idx.msk $0xffff, v55;
	v54 =	vor.u32 s1, v48  }
0x1c8: {  	v51 =	vld.idx.msk [tilespmem:v51+s21+$0x0], $0xffff;
	_ =	sdelay $0x4  }
0x1c9: {  	v55 =	vor.u32 v41, v53  }
0x1ca: {  	[tilespmem:v56+s30+$0x0] =	vst.idx.msk $0xffff, v51  }
0x1cb: {  	v51 =	vld.idx.msk [tilespmem:v54+s20+$0x0], $0xffff;
	_ =	sdelay $0x4  }
0x1cc: {  	v56 =	vor.u32 v42, v53  }
0x1cd: {  	[tilespmem:v55+s30+$0x0] =	vst.idx.msk $0xffff, v51;
	v51 =	vor.u32 s1, v49  }
0x1ce: {  	v54 =	vld.idx.msk [tilespmem:v54+s21+$0x0], $0xffff;
	_ =	sdelay $0x4  }
0x1cf: {  	v55 =	vor.u32 v43, v53  }
0x1d0: {  	[tilespmem:v56+s30+$0x0] =	vst.idx.msk $0xffff, v54  }
0x1d1: {  	v54 =	vld.idx.msk [tilespmem:v51+s20+$0x0], $0xffff;
	_ =	sdelay $0x4  }
0x1d2: {  	v56 =	vor.u32 v44, v53  }
0x1d3: {  	[tilespmem:v55+s30+$0x0] =	vst.idx.msk $0xffff, v54;
	v54 =	vor.u32 s1, v50  }
0x1d4: {  	v51 =	vld.idx.msk [tilespmem:v51+s21+$0x0], $0xffff;
	_ =	sdelay $0x4  }
0x1d5: {  	v55 =	vor.u32 v45, v53  }
0x1d6: {  	[tilespmem:v56+s30+$0x0] =	vst.idx.msk $0xffff, v51  }
0x1d7: {  	v51 =	vld.idx.msk [tilespmem:v54+s20+$0x0], $0xffff;
	_ =	sdelay $0x4  }
0x1d8: {  	v53 =	vor.u32 v46, v53  }
0x1d9: {  	[tilespmem:v55+s30+$0x0] =	vst.idx.msk $0xffff, v51  }
0x1da: {  	v51 =	vld.idx.msk [tilespmem:v54+s21+$0x0], $0xffff  }
0x1db: {  	s0 =	sadd.s32 $0x1, s0  }
0x1dc: {  	p1 =	sne.s32 s0, $0x40;
	s1 =	sand.u32 $0x3FFF, s9  }
0x1dd: {  	s2 =	simm.s32 @!p1 $0x1F200;
	v54 =	vmov s1  }
.Ltmp19:
0x1de: {  	s9 =	simm.s32 @!p1 $0x1D200;
	s1 =	simm.s32 @!p1 $0x40;
	(pc) =	sbr.rel @p0 .LBB2_25-.Ltmp19, $4  }
0x1df: {  	s0 =	simm.s32 @!p1 $0x0  }
0x1e0: {  	[tilespmem:v53+s30+$0x0] =	vst.idx.msk $0xffff, v51  }
0x1e1: {  	s4 =	simm.s32 @!p1 $0x3;
	[tilespmem:v52+s31+$0x0] =	vst.idx.msk $0x1, v54  }
0x1e2: {  	[hbm4b:s6+s1] =	stream.indirect.scatter @!p1 [tilespmem:s9], [sflag:$0x3], $0x80, s2, s1, $0xb8;
	[tilespmem:$0x1F280] =	vst v63  }
.Ltmp20:
0x1e3: {  	_ = 	snop;
	(pc) =	sbr.rel .LBB2_26-.Ltmp20, $1  }
0x1e4: {  	_ =	sdelay $0x3  }
.LBB2_18:
.Ltmp21:
0x1e5: {  	(pc) =	sbr.rel .LBB2_22-.Ltmp21, $2  }
0x1e6: {  	_ =	sdelay $0x2  }
0x1e7: {  	s8 =	simm.s32 $0x0;
	s4 =	simm.s32 $0x0  }
.LBB2_20:
.Ltmp22:
0x1e8: {  	(pc) =	sbr.rel .LBB2_22-.Ltmp22, $2  }
0x1e9: {  	_ =	sdelay $0x2  }
0x1ea: {  	s8 =	simm.s32 $0x0;
	s4 =	simm.s32 $0x0  }
.LBB2_6:
0x1eb: {  	s18 =	simm.s32 $0x0;
	s9 =	simm.s32 $0x0  }
.Ltmp23:
0x1ec: {  	s10 =	simm.s32 $0x0;
	s11 =	simm.s32 $0x0;
	(pc) =	sbr.rel .LBB2_10-.Ltmp23, $4  }
0x1ed: {  	s12 =	simm.s32 $0x0;
	s13 =	simm.s32 $0x0;
	s14 =	simm.s32 $0x0  }
0x1ee: {  	s15 =	simm.s32 $0x0;
	s22 =	simm.s32 $0x0;
	s23 =	simm.s32 $0x0  }
0x1ef: {  	s16 =	simm.s32 $0x0;
	s24 =	simm.s32 $0x0;
	s25 =	simm.s32 $0x0  }
0x1f0: {  	s26 =	simm.s32 $0x0;
	s28 =	simm.s32 $0x0;
	s17 =	simm.s32 $0x0  }
.LBB2_8:
.Ltmp24:
0x1f1: {  	(pc) =	sbr.rel .LBB2_10-.Ltmp24, $2  }
0x1f2: {  	_ =	sdelay $0x2  }
0x1f3: {  	s18 =	simm.s32 $0x0  }
.LBB2_29:
0x1f4: {  	_ =	sfence.sel $0x180000  }
0x1f5: {  	[bflag:$0x0] =	sbarrier.arrive $0xFFFF  }
0x1f6: {  	_ =	strace $0x90000047  }
0x1f7: {  	s0 =	stileid.u32;
	[bflag:$0x2] =	sbarrier.arrive $0xFFFF  }
0x1f8: {  	p0 =	sne.s32 s0, $0x0;
	s0 =	rddreg [dreg:$0x4]  }
0x1f9: {  	s0 =	sadd.s32 @!p0 $0x100000, s0  }
0x1fa: {  	[sflag:s0] =	ssyncadd.tile.s32 @!p0 $0x1;
	_ =	shalt  }
.Lfunc_end2:
_tile_overlayer_lowered:
.L_overlay_start_2:
0x1fb: {  	(tag) =	ssettag $0x2  }
0x1fc: {  	s0 =	rddreg [dreg:$0x0];
	s2 =	stileid.u32  }
0x1fd: {  	s1 =	rddreg [dreg:$0x1];
	p0 =	sne.s32 s2, $0x0  }
0x1fe: {  	s3 =	rddreg [dreg:$0x2];
	[bflag:$0x3] =	sbarrier.arrive $0xFFFF;
	s2 =	simm.s32 @!p0 $0x1C04  }
0x1ff: {  	[timem:s3], [sflag:s2] =	dma.local @!p0 [hbm:s0], s1  }
0x200: {  	s0 =	simm.s32 @!p0 $0x4  }
0x201: {  	_ =	swait.ge @!p0 [sflag:s0], s1  }
0x202: {  	s1 =	ssub.s32 @!p0 $0x0, s1;
	[sflag:s0] =	ssyncset.done @!p0 $0x0  }
0x203: {  	[sflag:s0] =	ssyncadd.s32 @!p0 s1  }
0x204: {  	[bflag:$0x3] =	sbarrier.arrive $0xFFFF  }
0x205: {  	_ =	shalt  }

</sc_bundles>
